<compile_context>
chip_gen: v7x
topology: tpu7x:2x2x1
jax: 0.10.2.dev20260603
libtpu: 0.0.44.dev20260713+nightly
codegen_flags: <defaults>
</compile_context>

<pallas_src>
import functools

import jax
import jax.numpy as jnp
from jax import lax
from jax.experimental import pallas as pl
from jax.experimental.pallas import tpu as pltpu
from jax.experimental.pallas import tpu_sc as plsc

NC, NS, L = 2, 16, 16
NW = NC * NS
B = 16384
D = 128
W = B // NW
CH = 128
NCH = W // CH
NBUF = 2
DL = D // L
NG = CH // L


def _build():
    mesh = plsc.VectorSubcoreMesh(core_axis_name="c", subcore_axis_name="s")

    @functools.partial(
        pl.kernel,
        mesh=mesh,
        out_type=jax.ShapeDtypeStruct((B,), jnp.float32),
        compiler_params=pltpu.CompilerParams(needs_layout_passes=False),
        scratch_types=[
            pltpu.VMEM((W,), jnp.int32),
            pltpu.VMEM((W,), jnp.int32),
            pltpu.VMEM((NBUF, CH, D), jnp.float32),
            pltpu.VMEM((NBUF, CH, D), jnp.float32),
            pltpu.VMEM((L * CH,), jnp.float32),
            pltpu.VMEM((W,), jnp.float32),
        ] + [pltpu.SemaphoreType.DMA] * (2 * NBUF + 3),
    )
    def k(uidx_hbm, vidx_hbm, uemb_hbm, vemb_hbm, out_hbm,
          idx_u, idx_v, rows_u, rows_v, partT, out_v, *sems):
        wid = lax.axis_index("c") * NS + lax.axis_index("s")

        sem_u = sems[:NBUF]
        sem_v = sems[NBUF:2 * NBUF]
        sem_iu, sem_iv, sem_out = sems[2 * NBUF:]

        base = pl.multiple_of(wid * W, W)
        hiu = pltpu.async_copy(uidx_hbm.at[pl.ds(base, W)], idx_u, sem_iu)
        hiv = pltpu.async_copy(vidx_hbm.at[pl.ds(base, W)], idx_v, sem_iv)
        hiu.wait()
        hiv.wait()

        def start_chunk(c):
            buf = c % NBUF
            sl = pl.ds(c * CH, CH)
            hu = pltpu.async_copy(uemb_hbm.at[idx_u.at[sl]], rows_u.at[buf],
                                  sem_u[buf])
            hv = pltpu.async_copy(vemb_hbm.at[idx_v.at[sl]], rows_v.at[buf],
                                  sem_v[buf])
            return (hu, hv)

        lane = jnp.arange(L, dtype=jnp.int32)

        def compute_chunk(c):
            buf = c % NBUF

            def pair(i, carry):
                acc = rows_u[buf, i, pl.ds(0, L)] * rows_v[buf, i, pl.ds(0, L)]
                for j in range(1, DL):
                    acc = acc + (rows_u[buf, i, pl.ds(j * L, L)]
                                 * rows_v[buf, i, pl.ds(j * L, L)])
                plsc.store_scatter(partT, [lane * CH + i], acc)
                return carry

            lax.fori_loop(0, CH, pair, 0, unroll=2)

            def group(g, carry):
                off = pl.multiple_of(g * L, L)
                s = partT[pl.ds(off, L)]
                for r in range(1, L):
                    s = s + partT[pl.ds(r * CH + off, L)]
                out_v[pl.ds(c * CH + off, L)] = 1.0 / (1.0 + jnp.exp(-s))
                return carry

            lax.fori_loop(0, NG, group, 0, unroll=2)

            return pltpu.async_copy(
                out_v.at[pl.ds(c * CH, CH)],
                out_hbm.at[pl.ds(pl.multiple_of(wid * W + c * CH, CH), CH)],
                sem_out)

        handles = {}
        out_handles = []
        for c in range(min(NBUF - 1, NCH)):
            handles[c] = start_chunk(c)
        for c in range(NCH):
            if c + NBUF - 1 < NCH:
                handles[c + NBUF - 1] = start_chunk(c + NBUF - 1)
            hu, hv = handles.pop(c)
            hu.wait()
            hv.wait()
            out_handles.append(compute_chunk(c))
        for h in out_handles:
            h.wait()

    return k


_sc_call = _build()


def kernel(user_idx, video_idx, user_emb, video_emb, user_bias, video_bias):
    del user_bias, video_bias
    return _sc_call(user_idx.astype(jnp.int32), video_idx.astype(jnp.int32),
                    user_emb, video_emb)

# --- scband reference (transcript-rebuilt; emitter-appended) ---
"""Pipeline reference for scband-matrix-factorization-17901423690253 (READ-ONLY COPY).

The authoritative reference and input builder live on the scoring server;
editing this copy changes nothing except your own understanding.
"""

import jax, jax.numpy as jnp
import numpy as np

N_USERS = 1000000
N_VIDEOS = 1000000
DIM = 128
BATCH = 16384

def setup_inputs(seed: int = 0) -> dict:
    key = jax.random.key(seed)
    k1, k2, k3, k4 = jax.random.split(key, 4)
    user_idx = jax.random.randint(k1, (BATCH,), 0, N_USERS, dtype=jnp.int64) if jax.config.jax_enable_x64 else jax.random.randint(k1, (BATCH,), 0, N_USERS, dtype=jnp.int32)
    video_idx = jax.random.randint(k2, (BATCH,), 0, N_VIDEOS, dtype=jnp.int64) if jax.config.jax_enable_x64 else jax.random.randint(k2, (BATCH,), 0, N_VIDEOS, dtype=jnp.int32)
    user_emb = jax.random.normal(k3, (N_USERS, DIM), dtype=jnp.float32) * 0.01
    video_emb = jax.random.normal(k4, (N_VIDEOS, DIM), dtype=jnp.float32) * 0.01
    user_bias = jnp.zeros((N_USERS, 1), dtype=jnp.float32)
    video_bias = jnp.zeros((N_VIDEOS, 1), dtype=jnp.float32)
    return {
        "user_idx": user_idx,
        "video_idx": video_idx,
        "user_emb": user_emb,
        "video_emb": video_emb,
        "user_bias": user_bias,
        "video_bias": video_bias,
    }

def reference(user_idx, video_idx, user_emb, video_emb, user_bias, video_bias):
    u = jnp.take(user_emb, user_idx, axis=0)          # [B, D]
    v = jnp.take(video_emb, video_idx, axis=0)        # [B, D]
    dot = jnp.sum(u * v, axis=1, keepdims=True)       # [B, 1]
    bias = jnp.take(user_bias, user_idx, axis=0) + jnp.take(video_bias, video_idx, axis=0)  # [B, 1]
    out = jax.nn.sigmoid(dot + bias)
    return jnp.squeeze(out, axis=-1)                  # [B]

if __name__ == "__main__":
    import jax
    _d = setup_inputs()
    print(jax.jit(kernel)(*tuple(_d.values())))

</pallas_src>

<mosaic_0001>
#map = affine_map<(d0, d1) -> (0)>
#map1 = affine_map<(d0, d1) -> (0, 0)>
module attributes {stable_mosaic.version = 14 : i64} {
  func.func @k(%arg0: i32, %arg1: i32, %arg2: memref<16384xi32, #tpu.memory_space<hbm>>, %arg3: memref<16384xi32, #tpu.memory_space<hbm>>, %arg4: memref<1000000x128xf32, #tpu.memory_space<hbm>>, %arg5: memref<1000000x128xf32, #tpu.memory_space<hbm>>, %arg6: memref<16384xf32, #tpu.memory_space<hbm>>, %arg7: memref<512xi32, #tpu.memory_space<vmem>>, %arg8: memref<512xi32, #tpu.memory_space<vmem>>, %arg9: memref<2x128x128xf32, #tpu.memory_space<vmem>>, %arg10: memref<2x128x128xf32, #tpu.memory_space<vmem>>, %arg11: memref<2048xf32, #tpu.memory_space<vmem>>, %arg12: memref<512xf32, #tpu.memory_space<vmem>>, %arg13: memref<!tpu.dma_semaphore, #tpu.memory_space<semaphore_mem>>, %arg14: memref<!tpu.dma_semaphore, #tpu.memory_space<semaphore_mem>>, %arg15: memref<!tpu.dma_semaphore, #tpu.memory_space<semaphore_mem>>, %arg16: memref<!tpu.dma_semaphore, #tpu.memory_space<semaphore_mem>>, %arg17: memref<!tpu.dma_semaphore, #tpu.memory_space<semaphore_mem>>, %arg18: memref<!tpu.dma_semaphore, #tpu.memory_space<semaphore_mem>>, %arg19: memref<!tpu.dma_semaphore, #tpu.memory_space<semaphore_mem>>) attributes {dimension_semantics = [#tpu.dimension_semantics<core_parallel>, #tpu.dimension_semantics<subcore_parallel>], iteration_bounds = array<i64: 2, 16>, scalar_prefetch = 0 : i64, scratch_operands = 13 : i64, tpu.core_type = #tpu.core_type<sc_vector_subcore>, window_params = [{transform_indices = #map}, {transform_indices = #map}, {transform_indices = #map1}, {transform_indices = #map1}, {transform_indices = #map}]} {
    %mul3A = arith.constant 16 : i32
    %mul3A_0 = arith.muli %arg0, %mul3A : i32
    %add3A = arith.addi %mul3A_0, %arg1 : i32
    %mul3A_1 = arith.constant 512 : i32
    %mul3A_2 = arith.muli %add3A, %mul3A_1 : i32
    %multiple_of3A = tpu.assume_multiple %mul3A_2, 512 : i32
    %dma_start3A = tpu.memref_slice %arg2[%multiple_of3A] : memref<16384xi32, #tpu.memory_space<hbm>> -> memref<512xi32, #tpu.memory_space<hbm>>
    %dma_start3A_3 = tpu.memref_slice %arg2[%multiple_of3A] : memref<16384xi32, #tpu.memory_space<hbm>> -> memref<512xi32, #tpu.memory_space<hbm>>
    tpu.enqueue_dma source(%dma_start3A_3 : memref<512xi32, #tpu.memory_space<hbm>>) target(%arg7 : memref<512xi32, #tpu.memory_space<vmem>>) target_semaphore(%arg17 : memref<!tpu.dma_semaphore, #tpu.memory_space<semaphore_mem>>)
    %dma_start3A_4 = tpu.memref_slice %arg3[%multiple_of3A] : memref<16384xi32, #tpu.memory_space<hbm>> -> memref<512xi32, #tpu.memory_space<hbm>>
    %dma_start3A_5 = tpu.memref_slice %arg3[%multiple_of3A] : memref<16384xi32, #tpu.memory_space<hbm>> -> memref<512xi32, #tpu.memory_space<hbm>>
    tpu.enqueue_dma source(%dma_start3A_5 : memref<512xi32, #tpu.memory_space<hbm>>) target(%arg8 : memref<512xi32, #tpu.memory_space<vmem>>) target_semaphore(%arg18 : memref<!tpu.dma_semaphore, #tpu.memory_space<semaphore_mem>>)
    %dma_wait3A = tpu.memref_slice %arg2[%multiple_of3A] : memref<16384xi32, #tpu.memory_space<hbm>> -> memref<512xi32, #tpu.memory_space<hbm>>
    %dma_wait3A_6 = tpu.memref_slice %arg2[%multiple_of3A] : memref<16384xi32, #tpu.memory_space<hbm>> -> memref<512xi32, #tpu.memory_space<hbm>>
    tpu.wait_dma2 semaphore(%arg17 : memref<!tpu.dma_semaphore, #tpu.memory_space<semaphore_mem>>) src(%dma_wait3A_6 : memref<512xi32, #tpu.memory_space<hbm>>) dst(%arg7 : memref<512xi32, #tpu.memory_space<vmem>>)
    %dma_wait3A_7 = tpu.memref_slice %arg3[%multiple_of3A] : memref<16384xi32, #tpu.memory_space<hbm>> -> memref<512xi32, #tpu.memory_space<hbm>>
    %dma_wait3A_8 = tpu.memref_slice %arg3[%multiple_of3A] : memref<16384xi32, #tpu.memory_space<hbm>> -> memref<512xi32, #tpu.memory_space<hbm>>
    tpu.wait_dma2 semaphore(%arg18 : memref<!tpu.dma_semaphore, #tpu.memory_space<semaphore_mem>>) src(%dma_wait3A_8 : memref<512xi32, #tpu.memory_space<hbm>>) dst(%arg8 : memref<512xi32, #tpu.memory_space<vmem>>)
    %iota3A = tpu.iota {dimensions = array<i32: 0>} : vector<16xi32>
    %dma_start3A_9 = arith.constant 0 : i32
    %dma_start3A_10 = arith.constant 0 : i32
    %dma_start3A_11 = arith.constant 0 : i32
    %dma_start3A_12 = tpu.memref_slice %arg9[%dma_start3A_9, %dma_start3A_10, %dma_start3A_11] : memref<2x128x128xf32, #tpu.memory_space<vmem>> -> memref<1x128x128xf32, #tpu.memory_space<vmem>>
    %dma_start3A_13 = tpu.memref_squeeze %dma_start3A_12 : memref<1x128x128xf32, #tpu.memory_space<vmem>> -> memref<128x128xf32, #tpu.memory_space<vmem>>
    %dma_start3A_14 = arith.constant 0 : i32
    %dma_start3A_15 = tpu.memref_slice %arg7[%dma_start3A_14] : memref<512xi32, #tpu.memory_space<vmem>> -> memref<128xi32, #tpu.memory_space<vmem>>
    %dma_start3A_16 = arith.constant 0 : i32
    %dma_start3A_17 = arith.constant 0 : i32
    %dma_start3A_18 = tpu.memref_slice %arg4[%dma_start3A_16, %dma_start3A_17] : memref<1000000x128xf32, #tpu.memory_space<hbm>> -> memref<1000000x128xf32, #tpu.memory_space<hbm>>
    tpu.enqueue_indirect_dma source(%dma_start3A_18 : memref<1000000x128xf32, #tpu.memory_space<hbm>>) target(%dma_start3A_13 : memref<128x128xf32, #tpu.memory_space<vmem>>) offsets(%dma_start3A_15 : memref<128xi32, #tpu.memory_space<vmem>>) semaphore(%arg13 : memref<!tpu.dma_semaphore, #tpu.memory_space<semaphore_mem>>)
    %dma_start3A_19 = arith.constant 0 : i32
    %dma_start3A_20 = arith.constant 0 : i32
    %dma_start3A_21 = arith.constant 0 : i32
    %dma_start3A_22 = tpu.memref_slice %arg10[%dma_start3A_19, %dma_start3A_20, %dma_start3A_21] : memref<2x128x128xf32, #tpu.memory_space<vmem>> -> memref<1x128x128xf32, #tpu.memory_space<vmem>>
    %dma_start3A_23 = tpu.memref_squeeze %dma_start3A_22 : memref<1x128x128xf32, #tpu.memory_space<vmem>> -> memref<128x128xf32, #tpu.memory_space<vmem>>
    %dma_start3A_24 = arith.constant 0 : i32
    %dma_start3A_25 = tpu.memref_slice %arg8[%dma_start3A_24] : memref<512xi32, #tpu.memory_space<vmem>> -> memref<128xi32, #tpu.memory_space<vmem>>
    %dma_start3A_26 = arith.constant 0 : i32
    %dma_start3A_27 = arith.constant 0 : i32
    %dma_start3A_28 = tpu.memref_slice %arg5[%dma_start3A_26, %dma_start3A_27] : memref<1000000x128xf32, #tpu.memory_space<hbm>> -> memref<1000000x128xf32, #tpu.memory_space<hbm>>
    tpu.enqueue_indirect_dma source(%dma_start3A_28 : memref<1000000x128xf32, #tpu.memory_space<hbm>>) target(%dma_start3A_23 : memref<128x128xf32, #tpu.memory_space<vmem>>) offsets(%dma_start3A_25 : memref<128xi32, #tpu.memory_space<vmem>>) semaphore(%arg15 : memref<!tpu.dma_semaphore, #tpu.memory_space<semaphore_mem>>)
    %dma_start3A_29 = arith.constant 1 : i32
    %dma_start3A_30 = arith.constant 0 : i32
    %dma_start3A_31 = arith.constant 0 : i32
    %dma_start3A_32 = tpu.memref_slice %arg9[%dma_start3A_29, %dma_start3A_30, %dma_start3A_31] : memref<2x128x128xf32, #tpu.memory_space<vmem>> -> memref<1x128x128xf32, #tpu.memory_space<vmem>>
    %dma_start3A_33 = tpu.memref_squeeze %dma_start3A_32 : memref<1x128x128xf32, #tpu.memory_space<vmem>> -> memref<128x128xf32, #tpu.memory_space<vmem>>
    %dma_start3A_34 = arith.constant 128 : i32
    %dma_start3A_35 = tpu.memref_slice %arg7[%dma_start3A_34] : memref<512xi32, #tpu.memory_space<vmem>> -> memref<128xi32, #tpu.memory_space<vmem>>
    %dma_start3A_36 = arith.constant 0 : i32
    %dma_start3A_37 = arith.constant 0 : i32
    %dma_start3A_38 = tpu.memref_slice %arg4[%dma_start3A_36, %dma_start3A_37] : memref<1000000x128xf32, #tpu.memory_space<hbm>> -> memref<1000000x128xf32, #tpu.memory_space<hbm>>
    tpu.enqueue_indirect_dma source(%dma_start3A_38 : memref<1000000x128xf32, #tpu.memory_space<hbm>>) target(%dma_start3A_33 : memref<128x128xf32, #tpu.memory_space<vmem>>) offsets(%dma_start3A_35 : memref<128xi32, #tpu.memory_space<vmem>>) semaphore(%arg14 : memref<!tpu.dma_semaphore, #tpu.memory_space<semaphore_mem>>)
    %dma_start3A_39 = arith.constant 1 : i32
    %dma_start3A_40 = arith.constant 0 : i32
    %dma_start3A_41 = arith.constant 0 : i32
    %dma_start3A_42 = tpu.memref_slice %arg10[%dma_start3A_39, %dma_start3A_40, %dma_start3A_41] : memref<2x128x128xf32, #tpu.memory_space<vmem>> -> memref<1x128x128xf32, #tpu.memory_space<vmem>>
    %dma_start3A_43 = tpu.memref_squeeze %dma_start3A_42 : memref<1x128x128xf32, #tpu.memory_space<vmem>> -> memref<128x128xf32, #tpu.memory_space<vmem>>
    %dma_start3A_44 = arith.constant 128 : i32
    %dma_start3A_45 = tpu.memref_slice %arg8[%dma_start3A_44] : memref<512xi32, #tpu.memory_space<vmem>> -> memref<128xi32, #tpu.memory_space<vmem>>
    %dma_start3A_46 = arith.constant 0 : i32
    %dma_start3A_47 = arith.constant 0 : i32
    %dma_start3A_48 = tpu.memref_slice %arg5[%dma_start3A_46, %dma_start3A_47] : memref<1000000x128xf32, #tpu.memory_space<hbm>> -> memref<1000000x128xf32, #tpu.memory_space<hbm>>
    tpu.enqueue_indirect_dma source(%dma_start3A_48 : memref<1000000x128xf32, #tpu.memory_space<hbm>>) target(%dma_start3A_43 : memref<128x128xf32, #tpu.memory_space<vmem>>) offsets(%dma_start3A_45 : memref<128xi32, #tpu.memory_space<vmem>>) semaphore(%arg16 : memref<!tpu.dma_semaphore, #tpu.memory_space<semaphore_mem>>)
    %dma_wait3A_49 = arith.constant 0 : i32
    %dma_wait3A_50 = arith.constant 0 : i32
    %dma_wait3A_51 = arith.constant 0 : i32
    %dma_wait3A_52 = tpu.memref_slice %arg9[%dma_wait3A_49, %dma_wait3A_50, %dma_wait3A_51] : memref<2x128x128xf32, #tpu.memory_space<vmem>> -> memref<1x128x128xf32, #tpu.memory_space<vmem>>
    %dma_wait3A_53 = tpu.memref_squeeze %dma_wait3A_52 : memref<1x128x128xf32, #tpu.memory_space<vmem>> -> memref<128x128xf32, #tpu.memory_space<vmem>>
    %dma_wait3A_54 = arith.constant 0 : i32
    %dma_wait3A_55 = tpu.memref_slice %arg7[%dma_wait3A_54] : memref<512xi32, #tpu.memory_space<vmem>> -> memref<128xi32, #tpu.memory_space<vmem>>
    %dma_wait3A_56 = arith.constant 0 : i32
    %dma_wait3A_57 = arith.constant 0 : i32
    %dma_wait3A_58 = tpu.memref_slice %arg4[%dma_wait3A_56, %dma_wait3A_57] : memref<1000000x128xf32, #tpu.memory_space<hbm>> -> memref<1000000x128xf32, #tpu.memory_space<hbm>>
    tpu.wait_indirect_dma semaphore(%arg13 : memref<!tpu.dma_semaphore, #tpu.memory_space<semaphore_mem>>) src(%dma_wait3A_58 : memref<1000000x128xf32, #tpu.memory_space<hbm>>) dst(%dma_wait3A_53 : memref<128x128xf32, #tpu.memory_space<vmem>>)
    %dma_wait3A_59 = arith.constant 0 : i32
    %dma_wait3A_60 = arith.constant 0 : i32
    %dma_wait3A_61 = arith.constant 0 : i32
    %dma_wait3A_62 = tpu.memref_slice %arg10[%dma_wait3A_59, %dma_wait3A_60, %dma_wait3A_61] : memref<2x128x128xf32, #tpu.memory_space<vmem>> -> memref<1x128x128xf32, #tpu.memory_space<vmem>>
    %dma_wait3A_63 = tpu.memref_squeeze %dma_wait3A_62 : memref<1x128x128xf32, #tpu.memory_space<vmem>> -> memref<128x128xf32, #tpu.memory_space<vmem>>
    %dma_wait3A_64 = arith.constant 0 : i32
    %dma_wait3A_65 = tpu.memref_slice %arg8[%dma_wait3A_64] : memref<512xi32, #tpu.memory_space<vmem>> -> memref<128xi32, #tpu.memory_space<vmem>>
    %dma_wait3A_66 = arith.constant 0 : i32
    %dma_wait3A_67 = arith.constant 0 : i32
    %dma_wait3A_68 = tpu.memref_slice %arg5[%dma_wait3A_66, %dma_wait3A_67] : memref<1000000x128xf32, #tpu.memory_space<hbm>> -> memref<1000000x128xf32, #tpu.memory_space<hbm>>
    tpu.wait_indirect_dma semaphore(%arg15 : memref<!tpu.dma_semaphore, #tpu.memory_space<semaphore_mem>>) src(%dma_wait3A_68 : memref<1000000x128xf32, #tpu.memory_space<hbm>>) dst(%dma_wait3A_63 : memref<128x128xf32, #tpu.memory_space<vmem>>)
    %scan3A = arith.constant 0 : i32
    %scan3A_69 = arith.constant 0 : i32
    %scan3A_70 = arith.constant 128 : i32
    %scan3A_71 = arith.addi %scan3A_69, %scan3A_70 : i32
    %scan3A_72 = arith.constant 2 : i32
    scf.for %scan3A_284 = %scan3A_69 to %scan3A_71 step %scan3A_72  : i32 {
      %get3A = arith.constant 0 : i32
      %get3A_285 = arith.index_cast %get3A : i32 to index
      %get3A_286 = arith.index_cast %scan3A_284 : i32 to index
      %get3A_287 = arith.constant 0 : index
      %get3A_288 = tpu.vector_load %arg9[%get3A_285, %get3A_286, %get3A_287] {strides = array<i32>} : memref<2x128x128xf32, #tpu.memory_space<vmem>>, vector<16xf32>,
      %get3A_289 = arith.constant 0 : i32
      %get3A_290 = arith.index_cast %get3A_289 : i32 to index
      %get3A_291 = arith.index_cast %scan3A_284 : i32 to index
      %get3A_292 = arith.constant 0 : index
      %get3A_293 = tpu.vector_load %arg10[%get3A_290, %get3A_291, %get3A_292] {strides = array<i32>} : memref<2x128x128xf32, #tpu.memory_space<vmem>>, vector<16xf32>,
      %mul3A_294 = arith.mulf %get3A_288, %get3A_293 : vector<16xf32>
      %get3A_295 = arith.constant 0 : i32
      %get3A_296 = arith.index_cast %get3A_295 : i32 to index
      %get3A_297 = arith.index_cast %scan3A_284 : i32 to index
      %get3A_298 = arith.constant 16 : index
      %get3A_299 = tpu.vector_load %arg9[%get3A_296, %get3A_297, %get3A_298] {strides = array<i32>} : memref<2x128x128xf32, #tpu.memory_space<vmem>>, vector<16xf32>,
      %get3A_300 = arith.constant 0 : i32
      %get3A_301 = arith.index_cast %get3A_300 : i32 to index
      %get3A_302 = arith.index_cast %scan3A_284 : i32 to index
      %get3A_303 = arith.constant 16 : index
      %get3A_304 = tpu.vector_load %arg10[%get3A_301, %get3A_302, %get3A_303] {strides = array<i32>} : memref<2x128x128xf32, #tpu.memory_space<vmem>>, vector<16xf32>,
      %mul3A_305 = arith.mulf %get3A_299, %get3A_304 : vector<16xf32>
      %add3A_306 = arith.addf %mul3A_294, %mul3A_305 : vector<16xf32>
      %get3A_307 = arith.constant 0 : i32
      %get3A_308 = arith.index_cast %get3A_307 : i32 to index
      %get3A_309 = arith.index_cast %scan3A_284 : i32 to index
      %get3A_310 = arith.constant 32 : index
      %get3A_311 = tpu.vector_load %arg9[%get3A_308, %get3A_309, %get3A_310] {strides = array<i32>} : memref<2x128x128xf32, #tpu.memory_space<vmem>>, vector<16xf32>,
      %get3A_312 = arith.constant 0 : i32
      %get3A_313 = arith.index_cast %get3A_312 : i32 to index
      %get3A_314 = arith.index_cast %scan3A_284 : i32 to index
      %get3A_315 = arith.constant 32 : index
      %get3A_316 = tpu.vector_load %arg10[%get3A_313, %get3A_314, %get3A_315] {strides = array<i32>} : memref<2x128x128xf32, #tpu.memory_space<vmem>>, vector<16xf32>,
      %mul3A_317 = arith.mulf %get3A_311, %get3A_316 : vector<16xf32>
      %add3A_318 = arith.addf %add3A_306, %mul3A_317 : vector<16xf32>
      %get3A_319 = arith.constant 0 : i32
      %get3A_320 = arith.index_cast %get3A_319 : i32 to index
      %get3A_321 = arith.index_cast %scan3A_284 : i32 to index
      %get3A_322 = arith.constant 48 : index
      %get3A_323 = tpu.vector_load %arg9[%get3A_320, %get3A_321, %get3A_322] {strides = array<i32>} : memref<2x128x128xf32, #tpu.memory_space<vmem>>, vector<16xf32>,
      %get3A_324 = arith.constant 0 : i32
      %get3A_325 = arith.index_cast %get3A_324 : i32 to index
      %get3A_326 = arith.index_cast %scan3A_284 : i32 to index
      %get3A_327 = arith.constant 48 : index
      %get3A_328 = tpu.vector_load %arg10[%get3A_325, %get3A_326, %get3A_327] {strides = array<i32>} : memref<2x128x128xf32, #tpu.memory_space<vmem>>, vector<16xf32>,
      %mul3A_329 = arith.mulf %get3A_323, %get3A_328 : vector<16xf32>
      %add3A_330 = arith.addf %add3A_318, %mul3A_329 : vector<16xf32>
      %get3A_331 = arith.constant 0 : i32
      %get3A_332 = arith.index_cast %get3A_331 : i32 to index
      %get3A_333 = arith.index_cast %scan3A_284 : i32 to index
      %get3A_334 = arith.constant 64 : index
      %get3A_335 = tpu.vector_load %arg9[%get3A_332, %get3A_333, %get3A_334] {strides = array<i32>} : memref<2x128x128xf32, #tpu.memory_space<vmem>>, vector<16xf32>,
      %get3A_336 = arith.constant 0 : i32
      %get3A_337 = arith.index_cast %get3A_336 : i32 to index
      %get3A_338 = arith.index_cast %scan3A_284 : i32 to index
      %get3A_339 = arith.constant 64 : index
      %get3A_340 = tpu.vector_load %arg10[%get3A_337, %get3A_338, %get3A_339] {strides = array<i32>} : memref<2x128x128xf32, #tpu.memory_space<vmem>>, vector<16xf32>,
      %mul3A_341 = arith.mulf %get3A_335, %get3A_340 : vector<16xf32>
      %add3A_342 = arith.addf %add3A_330, %mul3A_341 : vector<16xf32>
      %get3A_343 = arith.constant 0 : i32
      %get3A_344 = arith.index_cast %get3A_343 : i32 to index
      %get3A_345 = arith.index_cast %scan3A_284 : i32 to index
      %get3A_346 = arith.constant 80 : index
      %get3A_347 = tpu.vector_load %arg9[%get3A_344, %get3A_345, %get3A_346] {strides = array<i32>} : memref<2x128x128xf32, #tpu.memory_space<vmem>>, vector<16xf32>,
      %get3A_348 = arith.constant 0 : i32
      %get3A_349 = arith.index_cast %get3A_348 : i32 to index
      %get3A_350 = arith.index_cast %scan3A_284 : i32 to index
      %get3A_351 = arith.constant 80 : index
      %get3A_352 = tpu.vector_load %arg10[%get3A_349, %get3A_350, %get3A_351] {strides = array<i32>} : memref<2x128x128xf32, #tpu.memory_space<vmem>>, vector<16xf32>,
      %mul3A_353 = arith.mulf %get3A_347, %get3A_352 : vector<16xf32>
      %add3A_354 = arith.addf %add3A_342, %mul3A_353 : vector<16xf32>
      %get3A_355 = arith.constant 0 : i32
      %get3A_356 = arith.index_cast %get3A_355 : i32 to index
      %get3A_357 = arith.index_cast %scan3A_284 : i32 to index
      %get3A_358 = arith.constant 96 : index
      %get3A_359 = tpu.vector_load %arg9[%get3A_356, %get3A_357, %get3A_358] {strides = array<i32>} : memref<2x128x128xf32, #tpu.memory_space<vmem>>, vector<16xf32>,
      %get3A_360 = arith.constant 0 : i32
      %get3A_361 = arith.index_cast %get3A_360 : i32 to index
      %get3A_362 = arith.index_cast %scan3A_284 : i32 to index
      %get3A_363 = arith.constant 96 : index
      %get3A_364 = tpu.vector_load %arg10[%get3A_361, %get3A_362, %get3A_363] {strides = array<i32>} : memref<2x128x128xf32, #tpu.memory_space<vmem>>, vector<16xf32>,
      %mul3A_365 = arith.mulf %get3A_359, %get3A_364 : vector<16xf32>
      %add3A_366 = arith.addf %add3A_354, %mul3A_365 : vector<16xf32>
      %get3A_367 = arith.constant 0 : i32
      %get3A_368 = arith.index_cast %get3A_367 : i32 to index
      %get3A_369 = arith.index_cast %scan3A_284 : i32 to index
      %get3A_370 = arith.constant 112 : index
      %get3A_371 = tpu.vector_load %arg9[%get3A_368, %get3A_369, %get3A_370] {strides = array<i32>} : memref<2x128x128xf32, #tpu.memory_space<vmem>>, vector<16xf32>,
      %get3A_372 = arith.constant 0 : i32
      %get3A_373 = arith.index_cast %get3A_372 : i32 to index
      %get3A_374 = arith.index_cast %scan3A_284 : i32 to index
      %get3A_375 = arith.constant 112 : index
      %get3A_376 = tpu.vector_load %arg10[%get3A_373, %get3A_374, %get3A_375] {strides = array<i32>} : memref<2x128x128xf32, #tpu.memory_space<vmem>>, vector<16xf32>,
      %mul3A_377 = arith.mulf %get3A_371, %get3A_376 : vector<16xf32>
      %add3A_378 = arith.addf %add3A_366, %mul3A_377 : vector<16xf32>
      %mul3A_379 = arith.constant 128 : i32
      %mul3A_380 = vector.broadcast %mul3A_379 : i32 to vector<16xi32>
      %mul3A_381 = arith.muli %iota3A, %mul3A_380 : vector<16xi32>
      %add3A_382 = vector.broadcast %scan3A_284 : i32 to vector<16xi32>
      %add3A_383 = arith.addi %mul3A_381, %add3A_382 : vector<16xi32>
      tpu.vector_store_idx %arg11[%add3A_383], %add3A_378 : memref<2048xf32, #tpu.memory_space<vmem>>[vector<16xi32>], vector<16xf32>,
      %scan3A_384 = arith.constant 1 : i32
      %scan3A_385 = arith.addi %scan3A_284, %scan3A_384 : i32
      %get3A_386 = arith.constant 0 : i32
      %get3A_387 = arith.index_cast %get3A_386 : i32 to index
      %get3A_388 = arith.index_cast %scan3A_385 : i32 to index
      %get3A_389 = arith.constant 0 : index
      %get3A_390 = tpu.vector_load %arg9[%get3A_387, %get3A_388, %get3A_389] {strides = array<i32>} : memref<2x128x128xf32, #tpu.memory_space<vmem>>, vector<16xf32>,
      %get3A_391 = arith.constant 0 : i32
      %get3A_392 = arith.index_cast %get3A_391 : i32 to index
      %get3A_393 = arith.index_cast %scan3A_385 : i32 to index
      %get3A_394 = arith.constant 0 : index
      %get3A_395 = tpu.vector_load %arg10[%get3A_392, %get3A_393, %get3A_394] {strides = array<i32>} : memref<2x128x128xf32, #tpu.memory_space<vmem>>, vector<16xf32>,
      %mul3A_396 = arith.mulf %get3A_390, %get3A_395 : vector<16xf32>
      %get3A_397 = arith.constant 0 : i32
      %get3A_398 = arith.index_cast %get3A_397 : i32 to index
      %get3A_399 = arith.index_cast %scan3A_385 : i32 to index
      %get3A_400 = arith.constant 16 : index
      %get3A_401 = tpu.vector_load %arg9[%get3A_398, %get3A_399, %get3A_400] {strides = array<i32>} : memref<2x128x128xf32, #tpu.memory_space<vmem>>, vector<16xf32>,
      %get3A_402 = arith.constant 0 : i32
      %get3A_403 = arith.index_cast %get3A_402 : i32 to index
      %get3A_404 = arith.index_cast %scan3A_385 : i32 to index
      %get3A_405 = arith.constant 16 : index
      %get3A_406 = tpu.vector_load %arg10[%get3A_403, %get3A_404, %get3A_405] {strides = array<i32>} : memref<2x128x128xf32, #tpu.memory_space<vmem>>, vector<16xf32>,
      %mul3A_407 = arith.mulf %get3A_401, %get3A_406 : vector<16xf32>
      %add3A_408 = arith.addf %mul3A_396, %mul3A_407 : vector<16xf32>
      %get3A_409 = arith.constant 0 : i32
      %get3A_410 = arith.index_cast %get3A_409 : i32 to index
      %get3A_411 = arith.index_cast %scan3A_385 : i32 to index
      %get3A_412 = arith.constant 32 : index
      %get3A_413 = tpu.vector_load %arg9[%get3A_410, %get3A_411, %get3A_412] {strides = array<i32>} : memref<2x128x128xf32, #tpu.memory_space<vmem>>, vector<16xf32>,
      %get3A_414 = arith.constant 0 : i32
      %get3A_415 = arith.index_cast %get3A_414 : i32 to index
      %get3A_416 = arith.index_cast %scan3A_385 : i32 to index
      %get3A_417 = arith.constant 32 : index
      %get3A_418 = tpu.vector_load %arg10[%get3A_415, %get3A_416, %get3A_417] {strides = array<i32>} : memref<2x128x128xf32, #tpu.memory_space<vmem>>, vector<16xf32>,
      %mul3A_419 = arith.mulf %get3A_413, %get3A_418 : vector<16xf32>
      %add3A_420 = arith.addf %add3A_408, %mul3A_419 : vector<16xf32>
      %get3A_421 = arith.constant 0 : i32
      %get3A_422 = arith.index_cast %get3A_421 : i32 to index
      %get3A_423 = arith.index_cast %scan3A_385 : i32 to index
      %get3A_424 = arith.constant 48 : index
      %get3A_425 = tpu.vector_load %arg9[%get3A_422, %get3A_423, %get3A_424] {strides = array<i32>} : memref<2x128x128xf32, #tpu.memory_space<vmem>>, vector<16xf32>,
      %get3A_426 = arith.constant 0 : i32
      %get3A_427 = arith.index_cast %get3A_426 : i32 to index
      %get3A_428 = arith.index_cast %scan3A_385 : i32 to index
      %get3A_429 = arith.constant 48 : index
      %get3A_430 = tpu.vector_load %arg10[%get3A_427, %get3A_428, %get3A_429] {strides = array<i32>} : memref<2x128x128xf32, #tpu.memory_space<vmem>>, vector<16xf32>,
      %mul3A_431 = arith.mulf %get3A_425, %get3A_430 : vector<16xf32>
      %add3A_432 = arith.addf %add3A_420, %mul3A_431 : vector<16xf32>
      %get3A_433 = arith.constant 0 : i32
      %get3A_434 = arith.index_cast %get3A_433 : i32 to index
      %get3A_435 = arith.index_cast %scan3A_385 : i32 to index
      %get3A_436 = arith.constant 64 : index
      %get3A_437 = tpu.vector_load %arg9[%get3A_434, %get3A_435, %get3A_436] {strides = array<i32>} : memref<2x128x128xf32, #tpu.memory_space<vmem>>, vector<16xf32>,
      %get3A_438 = arith.constant 0 : i32
      %get3A_439 = arith.index_cast %get3A_438 : i32 to index
      %get3A_440 = arith.index_cast %scan3A_385 : i32 to index
      %get3A_441 = arith.constant 64 : index
      %get3A_442 = tpu.vector_load %arg10[%get3A_439, %get3A_440, %get3A_441] {strides = array<i32>} : memref<2x128x128xf32, #tpu.memory_space<vmem>>, vector<16xf32>,
      %mul3A_443 = arith.mulf %get3A_437, %get3A_442 : vector<16xf32>
      %add3A_444 = arith.addf %add3A_432, %mul3A_443 : vector<16xf32>
      %get3A_445 = arith.constant 0 : i32
      %get3A_446 = arith.index_cast %get3A_445 : i32 to index
      %get3A_447 = arith.index_cast %scan3A_385 : i32 to index
      %get3A_448 = arith.constant 80 : index
      %get3A_449 = tpu.vector_load %arg9[%get3A_446, %get3A_447, %get3A_448] {strides = array<i32>} : memref<2x128x128xf32, #tpu.memory_space<vmem>>, vector<16xf32>,
      %get3A_450 = arith.constant 0 : i32
      %get3A_451 = arith.index_cast %get3A_450 : i32 to index
      %get3A_452 = arith.index_cast %scan3A_385 : i32 to index
      %get3A_453 = arith.constant 80 : index
      %get3A_454 = tpu.vector_load %arg10[%get3A_451, %get3A_452, %get3A_453] {strides = array<i32>} : memref<2x128x128xf32, #tpu.memory_space<vmem>>, vector<16xf32>,
      %mul3A_455 = arith.mulf %get3A_449, %get3A_454 : vector<16xf32>
      %add3A_456 = arith.addf %add3A_444, %mul3A_455 : vector<16xf32>
      %get3A_457 = arith.constant 0 : i32
      %get3A_458 = arith.index_cast %get3A_457 : i32 to index
      %get3A_459 = arith.index_cast %scan3A_385 : i32 to index
      %get3A_460 = arith.constant 96 : index
      %get3A_461 = tpu.vector_load %arg9[%get3A_458, %get3A_459, %get3A_460] {strides = array<i32>} : memref<2x128x128xf32, #tpu.memory_space<vmem>>, vector<16xf32>,
      %get3A_462 = arith.constant 0 : i32
      %get3A_463 = arith.index_cast %get3A_462 : i32 to index
      %get3A_464 = arith.index_cast %scan3A_385 : i32 to index
      %get3A_465 = arith.constant 96 : index
      %get3A_466 = tpu.vector_load %arg10[%get3A_463, %get3A_464, %get3A_465] {strides = array<i32>} : memref<2x128x128xf32, #tpu.memory_space<vmem>>, vector<16xf32>,
      %mul3A_467 = arith.mulf %get3A_461, %get3A_466 : vector<16xf32>
      %add3A_468 = arith.addf %add3A_456, %mul3A_467 : vector<16xf32>
      %get3A_469 = arith.constant 0 : i32
      %get3A_470 = arith.index_cast %get3A_469 : i32 to index
      %get3A_471 = arith.index_cast %scan3A_385 : i32 to index
      %get3A_472 = arith.constant 112 : index
      %get3A_473 = tpu.vector_load %arg9[%get3A_470, %get3A_471, %get3A_472] {strides = array<i32>} : memref<2x128x128xf32, #tpu.memory_space<vmem>>, vector<16xf32>,
      %get3A_474 = arith.constant 0 : i32
      %get3A_475 = arith.index_cast %get3A_474 : i32 to index
      %get3A_476 = arith.index_cast %scan3A_385 : i32 to index
      %get3A_477 = arith.constant 112 : index
      %get3A_478 = tpu.vector_load %arg10[%get3A_475, %get3A_476, %get3A_477] {strides = array<i32>} : memref<2x128x128xf32, #tpu.memory_space<vmem>>, vector<16xf32>,
      %mul3A_479 = arith.mulf %get3A_473, %get3A_478 : vector<16xf32>
      %add3A_480 = arith.addf %add3A_468, %mul3A_479 : vector<16xf32>
      %mul3A_481 = arith.constant 128 : i32
      %mul3A_482 = vector.broadcast %mul3A_481 : i32 to vector<16xi32>
      %mul3A_483 = arith.muli %iota3A, %mul3A_482 : vector<16xi32>
      %add3A_484 = vector.broadcast %scan3A_385 : i32 to vector<16xi32>
      %add3A_485 = arith.addi %mul3A_483, %add3A_484 : vector<16xi32>
      tpu.vector_store_idx %arg11[%add3A_485], %add3A_480 : memref<2048xf32, #tpu.memory_space<vmem>>[vector<16xi32>], vector<16xf32>,
    }
    %scan3A_73 = arith.constant 128 : i32
    %scan3A_74 = arith.constant 0 : i32
    %scan3A_75 = arith.constant 0 : i32
    %scan3A_76 = arith.constant 8 : i32
    %scan3A_77 = arith.addi %scan3A_75, %scan3A_76 : i32
    %scan3A_78 = arith.constant 2 : i32
    scf.for %scan3A_284 = %scan3A_75 to %scan3A_77 step %scan3A_78  : i32 {
      %mul3A_285 = arith.constant 16 : i32
      %mul3A_286 = arith.muli %scan3A_284, %mul3A_285 : i32
      %multiple_of3A_287 = tpu.assume_multiple %mul3A_286, 16 : i32
      %get3A = arith.index_cast %multiple_of3A_287 : i32 to index
      %get3A_288 = tpu.vector_load %arg11[%get3A] {strides = array<i32>} : memref<2048xf32, #tpu.memory_space<vmem>>, vector<16xf32>,
      %add3A_289 = arith.constant 128 : i32
      %add3A_290 = arith.addi %add3A_289, %multiple_of3A_287 : i32
      %get3A_291 = arith.index_cast %add3A_290 : i32 to index
      %get3A_292 = tpu.vector_load %arg11[%get3A_291] {strides = array<i32>} : memref<2048xf32, #tpu.memory_space<vmem>>, vector<16xf32>,
      %add3A_293 = arith.addf %get3A_288, %get3A_292 : vector<16xf32>
      %add3A_294 = arith.constant 256 : i32
      %add3A_295 = arith.addi %add3A_294, %multiple_of3A_287 : i32
      %get3A_296 = arith.index_cast %add3A_295 : i32 to index
      %get3A_297 = tpu.vector_load %arg11[%get3A_296] {strides = array<i32>} : memref<2048xf32, #tpu.memory_space<vmem>>, vector<16xf32>,
      %add3A_298 = arith.addf %add3A_293, %get3A_297 : vector<16xf32>
      %add3A_299 = arith.constant 384 : i32
      %add3A_300 = arith.addi %add3A_299, %multiple_of3A_287 : i32
      %get3A_301 = arith.index_cast %add3A_300 : i32 to index
      %get3A_302 = tpu.vector_load %arg11[%get3A_301] {strides = array<i32>} : memref<2048xf32, #tpu.memory_space<vmem>>, vector<16xf32>,
      %add3A_303 = arith.addf %add3A_298, %get3A_302 : vector<16xf32>
      %add3A_304 = arith.constant 512 : i32
      %add3A_305 = arith.addi %add3A_304, %multiple_of3A_287 : i32
      %get3A_306 = arith.index_cast %add3A_305 : i32 to index
      %get3A_307 = tpu.vector_load %arg11[%get3A_306] {strides = array<i32>} : memref<2048xf32, #tpu.memory_space<vmem>>, vector<16xf32>,
      %add3A_308 = arith.addf %add3A_303, %get3A_307 : vector<16xf32>
      %add3A_309 = arith.constant 640 : i32
      %add3A_310 = arith.addi %add3A_309, %multiple_of3A_287 : i32
      %get3A_311 = arith.index_cast %add3A_310 : i32 to index
      %get3A_312 = tpu.vector_load %arg11[%get3A_311] {strides = array<i32>} : memref<2048xf32, #tpu.memory_space<vmem>>, vector<16xf32>,
      %add3A_313 = arith.addf %add3A_308, %get3A_312 : vector<16xf32>
      %add3A_314 = arith.constant 768 : i32
      %add3A_315 = arith.addi %add3A_314, %multiple_of3A_287 : i32
      %get3A_316 = arith.index_cast %add3A_315 : i32 to index
      %get3A_317 = tpu.vector_load %arg11[%get3A_316] {strides = array<i32>} : memref<2048xf32, #tpu.memory_space<vmem>>, vector<16xf32>,
      %add3A_318 = arith.addf %add3A_313, %get3A_317 : vector<16xf32>
      %add3A_319 = arith.constant 896 : i32
      %add3A_320 = arith.addi %add3A_319, %multiple_of3A_287 : i32
      %get3A_321 = arith.index_cast %add3A_320 : i32 to index
      %get3A_322 = tpu.vector_load %arg11[%get3A_321] {strides = array<i32>} : memref<2048xf32, #tpu.memory_space<vmem>>, vector<16xf32>,
      %add3A_323 = arith.addf %add3A_318, %get3A_322 : vector<16xf32>
      %add3A_324 = arith.constant 1024 : i32
      %add3A_325 = arith.addi %add3A_324, %multiple_of3A_287 : i32
      %get3A_326 = arith.index_cast %add3A_325 : i32 to index
      %get3A_327 = tpu.vector_load %arg11[%get3A_326] {strides = array<i32>} : memref<2048xf32, #tpu.memory_space<vmem>>, vector<16xf32>,
      %add3A_328 = arith.addf %add3A_323, %get3A_327 : vector<16xf32>
      %add3A_329 = arith.constant 1152 : i32
      %add3A_330 = arith.addi %add3A_329, %multiple_of3A_287 : i32
      %get3A_331 = arith.index_cast %add3A_330 : i32 to index
      %get3A_332 = tpu.vector_load %arg11[%get3A_331] {strides = array<i32>} : memref<2048xf32, #tpu.memory_space<vmem>>, vector<16xf32>,
      %add3A_333 = arith.addf %add3A_328, %get3A_332 : vector<16xf32>
      %add3A_334 = arith.constant 1280 : i32
      %add3A_335 = arith.addi %add3A_334, %multiple_of3A_287 : i32
      %get3A_336 = arith.index_cast %add3A_335 : i32 to index
      %get3A_337 = tpu.vector_load %arg11[%get3A_336] {strides = array<i32>} : memref<2048xf32, #tpu.memory_space<vmem>>, vector<16xf32>,
      %add3A_338 = arith.addf %add3A_333, %get3A_337 : vector<16xf32>
      %add3A_339 = arith.constant 1408 : i32
      %add3A_340 = arith.addi %add3A_339, %multiple_of3A_287 : i32
      %get3A_341 = arith.index_cast %add3A_340 : i32 to index
      %get3A_342 = tpu.vector_load %arg11[%get3A_341] {strides = array<i32>} : memref<2048xf32, #tpu.memory_space<vmem>>, vector<16xf32>,
      %add3A_343 = arith.addf %add3A_338, %get3A_342 : vector<16xf32>
      %add3A_344 = arith.constant 1536 : i32
      %add3A_345 = arith.addi %add3A_344, %multiple_of3A_287 : i32
      %get3A_346 = arith.index_cast %add3A_345 : i32 to index
      %get3A_347 = tpu.vector_load %arg11[%get3A_346] {strides = array<i32>} : memref<2048xf32, #tpu.memory_space<vmem>>, vector<16xf32>,
      %add3A_348 = arith.addf %add3A_343, %get3A_347 : vector<16xf32>
      %add3A_349 = arith.constant 1664 : i32
      %add3A_350 = arith.addi %add3A_349, %multiple_of3A_287 : i32
      %get3A_351 = arith.index_cast %add3A_350 : i32 to index
      %get3A_352 = tpu.vector_load %arg11[%get3A_351] {strides = array<i32>} : memref<2048xf32, #tpu.memory_space<vmem>>, vector<16xf32>,
      %add3A_353 = arith.addf %add3A_348, %get3A_352 : vector<16xf32>
      %add3A_354 = arith.constant 1792 : i32
      %add3A_355 = arith.addi %add3A_354, %multiple_of3A_287 : i32
      %get3A_356 = arith.index_cast %add3A_355 : i32 to index
      %get3A_357 = tpu.vector_load %arg11[%get3A_356] {strides = array<i32>} : memref<2048xf32, #tpu.memory_space<vmem>>, vector<16xf32>,
      %add3A_358 = arith.addf %add3A_353, %get3A_357 : vector<16xf32>
      %add3A_359 = arith.constant 1920 : i32
      %add3A_360 = arith.addi %add3A_359, %multiple_of3A_287 : i32
      %get3A_361 = arith.index_cast %add3A_360 : i32 to index
      %get3A_362 = tpu.vector_load %arg11[%get3A_361] {strides = array<i32>} : memref<2048xf32, #tpu.memory_space<vmem>>, vector<16xf32>,
      %add3A_363 = arith.addf %add3A_358, %get3A_362 : vector<16xf32>
      %neg3A = arith.constant 0.000000e+00 : f32
      %neg3A_364 = vector.broadcast %neg3A : f32 to vector<16xf32>
      %neg3A_365 = arith.subf %neg3A_364, %add3A_363 : vector<16xf32>
      %exp3A = math.exp %neg3A_365 : vector<16xf32>
      %add3A_366 = arith.constant 1.000000e+00 : f32
      %add3A_367 = vector.broadcast %add3A_366 : f32 to vector<16xf32>
      %add3A_368 = arith.addf %add3A_367, %exp3A : vector<16xf32>
      %div3A = arith.constant 1.000000e+00 : f32
      %div3A_369 = vector.broadcast %div3A : f32 to vector<16xf32>
      %div3A_370 = arith.divf %div3A_369, %add3A_368 : vector<16xf32>
      %add3A_371 = arith.constant 0 : i32
      %add3A_372 = arith.addi %add3A_371, %multiple_of3A_287 : i32
      %swap3A = arith.index_cast %add3A_372 : i32 to index
      %swap3A_373 = tpu.vector_load %arg12[%swap3A] {strides = array<i32>} : memref<512xf32, #tpu.memory_space<vmem>>, vector<16xf32>,
      tpu.vector_store %arg12[%swap3A], %div3A_370 {strides = array<i32>} : memref<512xf32, #tpu.memory_space<vmem>>, vector<16xf32>,
      %scan3A_374 = arith.constant 1 : i32
      %scan3A_375 = arith.addi %scan3A_284, %scan3A_374 : i32
      %mul3A_376 = arith.constant 16 : i32
      %mul3A_377 = arith.muli %scan3A_375, %mul3A_376 : i32
      %multiple_of3A_378 = tpu.assume_multiple %mul3A_377, 16 : i32
      %get3A_379 = arith.index_cast %multiple_of3A_378 : i32 to index
      %get3A_380 = tpu.vector_load %arg11[%get3A_379] {strides = array<i32>} : memref<2048xf32, #tpu.memory_space<vmem>>, vector<16xf32>,
      %add3A_381 = arith.constant 128 : i32
      %add3A_382 = arith.addi %add3A_381, %multiple_of3A_378 : i32
      %get3A_383 = arith.index_cast %add3A_382 : i32 to index
      %get3A_384 = tpu.vector_load %arg11[%get3A_383] {strides = array<i32>} : memref<2048xf32, #tpu.memory_space<vmem>>, vector<16xf32>,
      %add3A_385 = arith.addf %get3A_380, %get3A_384 : vector<16xf32>
      %add3A_386 = arith.constant 256 : i32
      %add3A_387 = arith.addi %add3A_386, %multiple_of3A_378 : i32
      %get3A_388 = arith.index_cast %add3A_387 : i32 to index
      %get3A_389 = tpu.vector_load %arg11[%get3A_388] {strides = array<i32>} : memref<2048xf32, #tpu.memory_space<vmem>>, vector<16xf32>,
      %add3A_390 = arith.addf %add3A_385, %get3A_389 : vector<16xf32>
      %add3A_391 = arith.constant 384 : i32
      %add3A_392 = arith.addi %add3A_391, %multiple_of3A_378 : i32
      %get3A_393 = arith.index_cast %add3A_392 : i32 to index
      %get3A_394 = tpu.vector_load %arg11[%get3A_393] {strides = array<i32>} : memref<2048xf32, #tpu.memory_space<vmem>>, vector<16xf32>,
      %add3A_395 = arith.addf %add3A_390, %get3A_394 : vector<16xf32>
      %add3A_396 = arith.constant 512 : i32
      %add3A_397 = arith.addi %add3A_396, %multiple_of3A_378 : i32
      %get3A_398 = arith.index_cast %add3A_397 : i32 to index
      %get3A_399 = tpu.vector_load %arg11[%get3A_398] {strides = array<i32>} : memref<2048xf32, #tpu.memory_space<vmem>>, vector<16xf32>,
      %add3A_400 = arith.addf %add3A_395, %get3A_399 : vector<16xf32>
      %add3A_401 = arith.constant 640 : i32
      %add3A_402 = arith.addi %add3A_401, %multiple_of3A_378 : i32
      %get3A_403 = arith.index_cast %add3A_402 : i32 to index
      %get3A_404 = tpu.vector_load %arg11[%get3A_403] {strides = array<i32>} : memref<2048xf32, #tpu.memory_space<vmem>>, vector<16xf32>,
      %add3A_405 = arith.addf %add3A_400, %get3A_404 : vector<16xf32>
      %add3A_406 = arith.constant 768 : i32
      %add3A_407 = arith.addi %add3A_406, %multiple_of3A_378 : i32
      %get3A_408 = arith.index_cast %add3A_407 : i32 to index
      %get3A_409 = tpu.vector_load %arg11[%get3A_408] {strides = array<i32>} : memref<2048xf32, #tpu.memory_space<vmem>>, vector<16xf32>,
      %add3A_410 = arith.addf %add3A_405, %get3A_409 : vector<16xf32>
      %add3A_411 = arith.constant 896 : i32
      %add3A_412 = arith.addi %add3A_411, %multiple_of3A_378 : i32
      %get3A_413 = arith.index_cast %add3A_412 : i32 to index
      %get3A_414 = tpu.vector_load %arg11[%get3A_413] {strides = array<i32>} : memref<2048xf32, #tpu.memory_space<vmem>>, vector<16xf32>,
      %add3A_415 = arith.addf %add3A_410, %get3A_414 : vector<16xf32>
      %add3A_416 = arith.constant 1024 : i32
      %add3A_417 = arith.addi %add3A_416, %multiple_of3A_378 : i32
      %get3A_418 = arith.index_cast %add3A_417 : i32 to index
      %get3A_419 = tpu.vector_load %arg11[%get3A_418] {strides = array<i32>} : memref<2048xf32, #tpu.memory_space<vmem>>, vector<16xf32>,
      %add3A_420 = arith.addf %add3A_415, %get3A_419 : vector<16xf32>
      %add3A_421 = arith.constant 1152 : i32
      %add3A_422 = arith.addi %add3A_421, %multiple_of3A_378 : i32
      %get3A_423 = arith.index_cast %add3A_422 : i32 to index
      %get3A_424 = tpu.vector_load %arg11[%get3A_423] {strides = array<i32>} : memref<2048xf32, #tpu.memory_space<vmem>>, vector<16xf32>,
      %add3A_425 = arith.addf %add3A_420, %get3A_424 : vector<16xf32>
      %add3A_426 = arith.constant 1280 : i32
      %add3A_427 = arith.addi %add3A_426, %multiple_of3A_378 : i32
      %get3A_428 = arith.index_cast %add3A_427 : i32 to index
      %get3A_429 = tpu.vector_load %arg11[%get3A_428] {strides = array<i32>} : memref<2048xf32, #tpu.memory_space<vmem>>, vector<16xf32>,
      %add3A_430 = arith.addf %add3A_425, %get3A_429 : vector<16xf32>
      %add3A_431 = arith.constant 1408 : i32
      %add3A_432 = arith.addi %add3A_431, %multiple_of3A_378 : i32
      %get3A_433 = arith.index_cast %add3A_432 : i32 to index
      %get3A_434 = tpu.vector_load %arg11[%get3A_433] {strides = array<i32>} : memref<2048xf32, #tpu.memory_space<vmem>>, vector<16xf32>,
      %add3A_435 = arith.addf %add3A_430, %get3A_434 : vector<16xf32>
      %add3A_436 = arith.constant 1536 : i32
      %add3A_437 = arith.addi %add3A_436, %multiple_of3A_378 : i32
      %get3A_438 = arith.index_cast %add3A_437 : i32 to index
      %get3A_439 = tpu.vector_load %arg11[%get3A_438] {strides = array<i32>} : memref<2048xf32, #tpu.memory_space<vmem>>, vector<16xf32>,
      %add3A_440 = arith.addf %add3A_435, %get3A_439 : vector<16xf32>
      %add3A_441 = arith.constant 1664 : i32
      %add3A_442 = arith.addi %add3A_441, %multiple_of3A_378 : i32
      %get3A_443 = arith.index_cast %add3A_442 : i32 to index
      %get3A_444 = tpu.vector_load %arg11[%get3A_443] {strides = array<i32>} : memref<2048xf32, #tpu.memory_space<vmem>>, vector<16xf32>,
      %add3A_445 = arith.addf %add3A_440, %get3A_444 : vector<16xf32>
      %add3A_446 = arith.constant 1792 : i32
      %add3A_447 = arith.addi %add3A_446, %multiple_of3A_378 : i32
      %get3A_448 = arith.index_cast %add3A_447 : i32 to index
      %get3A_449 = tpu.vector_load %arg11[%get3A_448] {strides = array<i32>} : memref<2048xf32, #tpu.memory_space<vmem>>, vector<16xf32>,
      %add3A_450 = arith.addf %add3A_445, %get3A_449 : vector<16xf32>
      %add3A_451 = arith.constant 1920 : i32
      %add3A_452 = arith.addi %add3A_451, %multiple_of3A_378 : i32
      %get3A_453 = arith.index_cast %add3A_452 : i32 to index
      %get3A_454 = tpu.vector_load %arg11[%get3A_453] {strides = array<i32>} : memref<2048xf32, #tpu.memory_space<vmem>>, vector<16xf32>,
      %add3A_455 = arith.addf %add3A_450, %get3A_454 : vector<16xf32>
      %neg3A_456 = arith.constant 0.000000e+00 : f32
      %neg3A_457 = vector.broadcast %neg3A_456 : f32 to vector<16xf32>
      %neg3A_458 = arith.subf %neg3A_457, %add3A_455 : vector<16xf32>
      %exp3A_459 = math.exp %neg3A_458 : vector<16xf32>
      %add3A_460 = arith.constant 1.000000e+00 : f32
      %add3A_461 = vector.broadcast %add3A_460 : f32 to vector<16xf32>
      %add3A_462 = arith.addf %add3A_461, %exp3A_459 : vector<16xf32>
      %div3A_463 = arith.constant 1.000000e+00 : f32
      %div3A_464 = vector.broadcast %div3A_463 : f32 to vector<16xf32>
      %div3A_465 = arith.divf %div3A_464, %add3A_462 : vector<16xf32>
      %add3A_466 = arith.constant 0 : i32
      %add3A_467 = arith.addi %add3A_466, %multiple_of3A_378 : i32
      %swap3A_468 = arith.index_cast %add3A_467 : i32 to index
      %swap3A_469 = tpu.vector_load %arg12[%swap3A_468] {strides = array<i32>} : memref<512xf32, #tpu.memory_space<vmem>>, vector<16xf32>,
      tpu.vector_store %arg12[%swap3A_468], %div3A_465 {strides = array<i32>} : memref<512xf32, #tpu.memory_space<vmem>>, vector<16xf32>,
    }
    %scan3A_79 = arith.constant 8 : i32
    %mul3A_80 = arith.constant 512 : i32
    %mul3A_81 = arith.muli %add3A, %mul3A_80 : i32
    %add3A_82 = arith.constant 0 : i32
    %add3A_83 = arith.addi %mul3A_81, %add3A_82 : i32
    %multiple_of3A_84 = tpu.assume_multiple %add3A_83, 128 : i32
    %dma_start3A_85 = arith.constant 0 : i32
    %dma_start3A_86 = tpu.memref_slice %arg12[%dma_start3A_85] : memref<512xf32, #tpu.memory_space<vmem>> -> memref<128xf32, #tpu.memory_space<vmem>>
    %dma_start3A_87 = tpu.memref_slice %arg6[%multiple_of3A_84] : memref<16384xf32, #tpu.memory_space<hbm>> -> memref<128xf32, #tpu.memory_space<hbm>>
    %dma_start3A_88 = tpu.memref_slice %arg6[%multiple_of3A_84] : memref<16384xf32, #tpu.memory_space<hbm>> -> memref<128xf32, #tpu.memory_space<hbm>>
    %dma_start3A_89 = arith.constant 0 : i32
    %dma_start3A_90 = tpu.memref_slice %arg12[%dma_start3A_89] : memref<512xf32, #tpu.memory_space<vmem>> -> memref<128xf32, #tpu.memory_space<vmem>>
    tpu.enqueue_dma source(%dma_start3A_90 : memref<128xf32, #tpu.memory_space<vmem>>) target(%dma_start3A_88 : memref<128xf32, #tpu.memory_space<hbm>>) target_semaphore(%arg19 : memref<!tpu.dma_semaphore, #tpu.memory_space<semaphore_mem>>)
    %dma_start3A_91 = arith.constant 0 : i32
    %dma_start3A_92 = arith.constant 0 : i32
    %dma_start3A_93 = arith.constant 0 : i32
    %dma_start3A_94 = tpu.memref_slice %arg9[%dma_start3A_91, %dma_start3A_92, %dma_start3A_93] : memref<2x128x128xf32, #tpu.memory_space<vmem>> -> memref<1x128x128xf32, #tpu.memory_space<vmem>>
    %dma_start3A_95 = tpu.memref_squeeze %dma_start3A_94 : memref<1x128x128xf32, #tpu.memory_space<vmem>> -> memref<128x128xf32, #tpu.memory_space<vmem>>
    %dma_start3A_96 = arith.constant 256 : i32
    %dma_start3A_97 = tpu.memref_slice %arg7[%dma_start3A_96] : memref<512xi32, #tpu.memory_space<vmem>> -> memref<128xi32, #tpu.memory_space<vmem>>
    %dma_start3A_98 = arith.constant 0 : i32
    %dma_start3A_99 = arith.constant 0 : i32
    %dma_start3A_100 = tpu.memref_slice %arg4[%dma_start3A_98, %dma_start3A_99] : memref<1000000x128xf32, #tpu.memory_space<hbm>> -> memref<1000000x128xf32, #tpu.memory_space<hbm>>
    tpu.enqueue_indirect_dma source(%dma_start3A_100 : memref<1000000x128xf32, #tpu.memory_space<hbm>>) target(%dma_start3A_95 : memref<128x128xf32, #tpu.memory_space<vmem>>) offsets(%dma_start3A_97 : memref<128xi32, #tpu.memory_space<vmem>>) semaphore(%arg13 : memref<!tpu.dma_semaphore, #tpu.memory_space<semaphore_mem>>)
    %dma_start3A_101 = arith.constant 0 : i32
    %dma_start3A_102 = arith.constant 0 : i32
    %dma_start3A_103 = arith.constant 0 : i32
    %dma_start3A_104 = tpu.memref_slice %arg10[%dma_start3A_101, %dma_start3A_102, %dma_start3A_103] : memref<2x128x128xf32, #tpu.memory_space<vmem>> -> memref<1x128x128xf32, #tpu.memory_space<vmem>>
    %dma_start3A_105 = tpu.memref_squeeze %dma_start3A_104 : memref<1x128x128xf32, #tpu.memory_space<vmem>> -> memref<128x128xf32, #tpu.memory_space<vmem>>
    %dma_start3A_106 = arith.constant 256 : i32
    %dma_start3A_107 = tpu.memref_slice %arg8[%dma_start3A_106] : memref<512xi32, #tpu.memory_space<vmem>> -> memref<128xi32, #tpu.memory_space<vmem>>
    %dma_start3A_108 = arith.constant 0 : i32
    %dma_start3A_109 = arith.constant 0 : i32
    %dma_start3A_110 = tpu.memref_slice %arg5[%dma_start3A_108, %dma_start3A_109] : memref<1000000x128xf32, #tpu.memory_space<hbm>> -> memref<1000000x128xf32, #tpu.memory_space<hbm>>
    tpu.enqueue_indirect_dma source(%dma_start3A_110 : memref<1000000x128xf32, #tpu.memory_space<hbm>>) target(%dma_start3A_105 : memref<128x128xf32, #tpu.memory_space<vmem>>) offsets(%dma_start3A_107 : memref<128xi32, #tpu.memory_space<vmem>>) semaphore(%arg15 : memref<!tpu.dma_semaphore, #tpu.memory_space<semaphore_mem>>)
    %dma_wait3A_111 = arith.constant 1 : i32
    %dma_wait3A_112 = arith.constant 0 : i32
    %dma_wait3A_113 = arith.constant 0 : i32
    %dma_wait3A_114 = tpu.memref_slice %arg9[%dma_wait3A_111, %dma_wait3A_112, %dma_wait3A_113] : memref<2x128x128xf32, #tpu.memory_space<vmem>> -> memref<1x128x128xf32, #tpu.memory_space<vmem>>
    %dma_wait3A_115 = tpu.memref_squeeze %dma_wait3A_114 : memref<1x128x128xf32, #tpu.memory_space<vmem>> -> memref<128x128xf32, #tpu.memory_space<vmem>>
    %dma_wait3A_116 = arith.constant 128 : i32
    %dma_wait3A_117 = tpu.memref_slice %arg7[%dma_wait3A_116] : memref<512xi32, #tpu.memory_space<vmem>> -> memref<128xi32, #tpu.memory_space<vmem>>
    %dma_wait3A_118 = arith.constant 0 : i32
    %dma_wait3A_119 = arith.constant 0 : i32
    %dma_wait3A_120 = tpu.memref_slice %arg4[%dma_wait3A_118, %dma_wait3A_119] : memref<1000000x128xf32, #tpu.memory_space<hbm>> -> memref<1000000x128xf32, #tpu.memory_space<hbm>>
    tpu.wait_indirect_dma semaphore(%arg14 : memref<!tpu.dma_semaphore, #tpu.memory_space<semaphore_mem>>) src(%dma_wait3A_120 : memref<1000000x128xf32, #tpu.memory_space<hbm>>) dst(%dma_wait3A_115 : memref<128x128xf32, #tpu.memory_space<vmem>>)
    %dma_wait3A_121 = arith.constant 1 : i32
    %dma_wait3A_122 = arith.constant 0 : i32
    %dma_wait3A_123 = arith.constant 0 : i32
    %dma_wait3A_124 = tpu.memref_slice %arg10[%dma_wait3A_121, %dma_wait3A_122, %dma_wait3A_123] : memref<2x128x128xf32, #tpu.memory_space<vmem>> -> memref<1x128x128xf32, #tpu.memory_space<vmem>>
    %dma_wait3A_125 = tpu.memref_squeeze %dma_wait3A_124 : memref<1x128x128xf32, #tpu.memory_space<vmem>> -> memref<128x128xf32, #tpu.memory_space<vmem>>
    %dma_wait3A_126 = arith.constant 128 : i32
    %dma_wait3A_127 = tpu.memref_slice %arg8[%dma_wait3A_126] : memref<512xi32, #tpu.memory_space<vmem>> -> memref<128xi32, #tpu.memory_space<vmem>>
    %dma_wait3A_128 = arith.constant 0 : i32
    %dma_wait3A_129 = arith.constant 0 : i32
    %dma_wait3A_130 = tpu.memref_slice %arg5[%dma_wait3A_128, %dma_wait3A_129] : memref<1000000x128xf32, #tpu.memory_space<hbm>> -> memref<1000000x128xf32, #tpu.memory_space<hbm>>
    tpu.wait_indirect_dma semaphore(%arg16 : memref<!tpu.dma_semaphore, #tpu.memory_space<semaphore_mem>>) src(%dma_wait3A_130 : memref<1000000x128xf32, #tpu.memory_space<hbm>>) dst(%dma_wait3A_125 : memref<128x128xf32, #tpu.memory_space<vmem>>)
    %scan3A_131 = arith.constant 0 : i32
    %scan3A_132 = arith.constant 0 : i32
    %scan3A_133 = arith.constant 128 : i32
    %scan3A_134 = arith.addi %scan3A_132, %scan3A_133 : i32
    %scan3A_135 = arith.constant 2 : i32
    scf.for %scan3A_284 = %scan3A_132 to %scan3A_134 step %scan3A_135  : i32 {
      %get3A = arith.constant 1 : i32
      %get3A_285 = arith.index_cast %get3A : i32 to index
      %get3A_286 = arith.index_cast %scan3A_284 : i32 to index
      %get3A_287 = arith.constant 0 : index
      %get3A_288 = tpu.vector_load %arg9[%get3A_285, %get3A_286, %get3A_287] {strides = array<i32>} : memref<2x128x128xf32, #tpu.memory_space<vmem>>, vector<16xf32>,
      %get3A_289 = arith.constant 1 : i32
      %get3A_290 = arith.index_cast %get3A_289 : i32 to index
      %get3A_291 = arith.index_cast %scan3A_284 : i32 to index
      %get3A_292 = arith.constant 0 : index
      %get3A_293 = tpu.vector_load %arg10[%get3A_290, %get3A_291, %get3A_292] {strides = array<i32>} : memref<2x128x128xf32, #tpu.memory_space<vmem>>, vector<16xf32>,
      %mul3A_294 = arith.mulf %get3A_288, %get3A_293 : vector<16xf32>
      %get3A_295 = arith.constant 1 : i32
      %get3A_296 = arith.index_cast %get3A_295 : i32 to index
      %get3A_297 = arith.index_cast %scan3A_284 : i32 to index
      %get3A_298 = arith.constant 16 : index
      %get3A_299 = tpu.vector_load %arg9[%get3A_296, %get3A_297, %get3A_298] {strides = array<i32>} : memref<2x128x128xf32, #tpu.memory_space<vmem>>, vector<16xf32>,
      %get3A_300 = arith.constant 1 : i32
      %get3A_301 = arith.index_cast %get3A_300 : i32 to index
      %get3A_302 = arith.index_cast %scan3A_284 : i32 to index
      %get3A_303 = arith.constant 16 : index
      %get3A_304 = tpu.vector_load %arg10[%get3A_301, %get3A_302, %get3A_303] {strides = array<i32>} : memref<2x128x128xf32, #tpu.memory_space<vmem>>, vector<16xf32>,
      %mul3A_305 = arith.mulf %get3A_299, %get3A_304 : vector<16xf32>
      %add3A_306 = arith.addf %mul3A_294, %mul3A_305 : vector<16xf32>
      %get3A_307 = arith.constant 1 : i32
      %get3A_308 = arith.index_cast %get3A_307 : i32 to index
      %get3A_309 = arith.index_cast %scan3A_284 : i32 to index
      %get3A_310 = arith.constant 32 : index
      %get3A_311 = tpu.vector_load %arg9[%get3A_308, %get3A_309, %get3A_310] {strides = array<i32>} : memref<2x128x128xf32, #tpu.memory_space<vmem>>, vector<16xf32>,
      %get3A_312 = arith.constant 1 : i32
      %get3A_313 = arith.index_cast %get3A_312 : i32 to index
      %get3A_314 = arith.index_cast %scan3A_284 : i32 to index
      %get3A_315 = arith.constant 32 : index
      %get3A_316 = tpu.vector_load %arg10[%get3A_313, %get3A_314, %get3A_315] {strides = array<i32>} : memref<2x128x128xf32, #tpu.memory_space<vmem>>, vector<16xf32>,
      %mul3A_317 = arith.mulf %get3A_311, %get3A_316 : vector<16xf32>
      %add3A_318 = arith.addf %add3A_306, %mul3A_317 : vector<16xf32>
      %get3A_319 = arith.constant 1 : i32
      %get3A_320 = arith.index_cast %get3A_319 : i32 to index
      %get3A_321 = arith.index_cast %scan3A_284 : i32 to index
      %get3A_322 = arith.constant 48 : index
      %get3A_323 = tpu.vector_load %arg9[%get3A_320, %get3A_321, %get3A_322] {strides = array<i32>} : memref<2x128x128xf32, #tpu.memory_space<vmem>>, vector<16xf32>,
      %get3A_324 = arith.constant 1 : i32
      %get3A_325 = arith.index_cast %get3A_324 : i32 to index
      %get3A_326 = arith.index_cast %scan3A_284 : i32 to index
      %get3A_327 = arith.constant 48 : index
      %get3A_328 = tpu.vector_load %arg10[%get3A_325, %get3A_326, %get3A_327] {strides = array<i32>} : memref<2x128x128xf32, #tpu.memory_space<vmem>>, vector<16xf32>,
      %mul3A_329 = arith.mulf %get3A_323, %get3A_328 : vector<16xf32>
      %add3A_330 = arith.addf %add3A_318, %mul3A_329 : vector<16xf32>
      %get3A_331 = arith.constant 1 : i32
      %get3A_332 = arith.index_cast %get3A_331 : i32 to index
      %get3A_333 = arith.index_cast %scan3A_284 : i32 to index
      %get3A_334 = arith.constant 64 : index
      %get3A_335 = tpu.vector_load %arg9[%get3A_332, %get3A_333, %get3A_334] {strides = array<i32>} : memref<2x128x128xf32, #tpu.memory_space<vmem>>, vector<16xf32>,
      %get3A_336 = arith.constant 1 : i32
      %get3A_337 = arith.index_cast %get3A_336 : i32 to index
      %get3A_338 = arith.index_cast %scan3A_284 : i32 to index
      %get3A_339 = arith.constant 64 : index
      %get3A_340 = tpu.vector_load %arg10[%get3A_337, %get3A_338, %get3A_339] {strides = array<i32>} : memref<2x128x128xf32, #tpu.memory_space<vmem>>, vector<16xf32>,
      %mul3A_341 = arith.mulf %get3A_335, %get3A_340 : vector<16xf32>
      %add3A_342 = arith.addf %add3A_330, %mul3A_341 : vector<16xf32>
      %get3A_343 = arith.constant 1 : i32
      %get3A_344 = arith.index_cast %get3A_343 : i32 to index
      %get3A_345 = arith.index_cast %scan3A_284 : i32 to index
      %get3A_346 = arith.constant 80 : index
      %get3A_347 = tpu.vector_load %arg9[%get3A_344, %get3A_345, %get3A_346] {strides = array<i32>} : memref<2x128x128xf32, #tpu.memory_space<vmem>>, vector<16xf32>,
      %get3A_348 = arith.constant 1 : i32
      %get3A_349 = arith.index_cast %get3A_348 : i32 to index
      %get3A_350 = arith.index_cast %scan3A_284 : i32 to index
      %get3A_351 = arith.constant 80 : index
      %get3A_352 = tpu.vector_load %arg10[%get3A_349, %get3A_350, %get3A_351] {strides = array<i32>} : memref<2x128x128xf32, #tpu.memory_space<vmem>>, vector<16xf32>,
      %mul3A_353 = arith.mulf %get3A_347, %get3A_352 : vector<16xf32>
      %add3A_354 = arith.addf %add3A_342, %mul3A_353 : vector<16xf32>
      %get3A_355 = arith.constant 1 : i32
      %get3A_356 = arith.index_cast %get3A_355 : i32 to index
      %get3A_357 = arith.index_cast %scan3A_284 : i32 to index
      %get3A_358 = arith.constant 96 : index
      %get3A_359 = tpu.vector_load %arg9[%get3A_356, %get3A_357, %get3A_358] {strides = array<i32>} : memref<2x128x128xf32, #tpu.memory_space<vmem>>, vector<16xf32>,
      %get3A_360 = arith.constant 1 : i32
      %get3A_361 = arith.index_cast %get3A_360 : i32 to index
      %get3A_362 = arith.index_cast %scan3A_284 : i32 to index
      %get3A_363 = arith.constant 96 : index
      %get3A_364 = tpu.vector_load %arg10[%get3A_361, %get3A_362, %get3A_363] {strides = array<i32>} : memref<2x128x128xf32, #tpu.memory_space<vmem>>, vector<16xf32>,
      %mul3A_365 = arith.mulf %get3A_359, %get3A_364 : vector<16xf32>
      %add3A_366 = arith.addf %add3A_354, %mul3A_365 : vector<16xf32>
      %get3A_367 = arith.constant 1 : i32
      %get3A_368 = arith.index_cast %get3A_367 : i32 to index
      %get3A_369 = arith.index_cast %scan3A_284 : i32 to index
      %get3A_370 = arith.constant 112 : index
      %get3A_371 = tpu.vector_load %arg9[%get3A_368, %get3A_369, %get3A_370] {strides = array<i32>} : memref<2x128x128xf32, #tpu.memory_space<vmem>>, vector<16xf32>,
      %get3A_372 = arith.constant 1 : i32
      %get3A_373 = arith.index_cast %get3A_372 : i32 to index
      %get3A_374 = arith.index_cast %scan3A_284 : i32 to index
      %get3A_375 = arith.constant 112 : index
      %get3A_376 = tpu.vector_load %arg10[%get3A_373, %get3A_374, %get3A_375] {strides = array<i32>} : memref<2x128x128xf32, #tpu.memory_space<vmem>>, vector<16xf32>,
      %mul3A_377 = arith.mulf %get3A_371, %get3A_376 : vector<16xf32>
      %add3A_378 = arith.addf %add3A_366, %mul3A_377 : vector<16xf32>
      %mul3A_379 = arith.constant 128 : i32
      %mul3A_380 = vector.broadcast %mul3A_379 : i32 to vector<16xi32>
      %mul3A_381 = arith.muli %iota3A, %mul3A_380 : vector<16xi32>
      %add3A_382 = vector.broadcast %scan3A_284 : i32 to vector<16xi32>
      %add3A_383 = arith.addi %mul3A_381, %add3A_382 : vector<16xi32>
      tpu.vector_store_idx %arg11[%add3A_383], %add3A_378 : memref<2048xf32, #tpu.memory_space<vmem>>[vector<16xi32>], vector<16xf32>,
      %scan3A_384 = arith.constant 1 : i32
      %scan3A_385 = arith.addi %scan3A_284, %scan3A_384 : i32
      %get3A_386 = arith.constant 1 : i32
      %get3A_387 = arith.index_cast %get3A_386 : i32 to index
      %get3A_388 = arith.index_cast %scan3A_385 : i32 to index
      %get3A_389 = arith.constant 0 : index
      %get3A_390 = tpu.vector_load %arg9[%get3A_387, %get3A_388, %get3A_389] {strides = array<i32>} : memref<2x128x128xf32, #tpu.memory_space<vmem>>, vector<16xf32>,
      %get3A_391 = arith.constant 1 : i32
      %get3A_392 = arith.index_cast %get3A_391 : i32 to index
      %get3A_393 = arith.index_cast %scan3A_385 : i32 to index
      %get3A_394 = arith.constant 0 : index
      %get3A_395 = tpu.vector_load %arg10[%get3A_392, %get3A_393, %get3A_394] {strides = array<i32>} : memref<2x128x128xf32, #tpu.memory_space<vmem>>, vector<16xf32>,
      %mul3A_396 = arith.mulf %get3A_390, %get3A_395 : vector<16xf32>
      %get3A_397 = arith.constant 1 : i32
      %get3A_398 = arith.index_cast %get3A_397 : i32 to index
      %get3A_399 = arith.index_cast %scan3A_385 : i32 to index
      %get3A_400 = arith.constant 16 : index
      %get3A_401 = tpu.vector_load %arg9[%get3A_398, %get3A_399, %get3A_400] {strides = array<i32>} : memref<2x128x128xf32, #tpu.memory_space<vmem>>, vector<16xf32>,
      %get3A_402 = arith.constant 1 : i32
      %get3A_403 = arith.index_cast %get3A_402 : i32 to index
      %get3A_404 = arith.index_cast %scan3A_385 : i32 to index
      %get3A_405 = arith.constant 16 : index
      %get3A_406 = tpu.vector_load %arg10[%get3A_403, %get3A_404, %get3A_405] {strides = array<i32>} : memref<2x128x128xf32, #tpu.memory_space<vmem>>, vector<16xf32>,
      %mul3A_407 = arith.mulf %get3A_401, %get3A_406 : vector<16xf32>
      %add3A_408 = arith.addf %mul3A_396, %mul3A_407 : vector<16xf32>
      %get3A_409 = arith.constant 1 : i32
      %get3A_410 = arith.index_cast %get3A_409 : i32 to index
      %get3A_411 = arith.index_cast %scan3A_385 : i32 to index
      %get3A_412 = arith.constant 32 : index
      %get3A_413 = tpu.vector_load %arg9[%get3A_410, %get3A_411, %get3A_412] {strides = array<i32>} : memref<2x128x128xf32, #tpu.memory_space<vmem>>, vector<16xf32>,
      %get3A_414 = arith.constant 1 : i32
      %get3A_415 = arith.index_cast %get3A_414 : i32 to index
      %get3A_416 = arith.index_cast %scan3A_385 : i32 to index
      %get3A_417 = arith.constant 32 : index
      %get3A_418 = tpu.vector_load %arg10[%get3A_415, %get3A_416, %get3A_417] {strides = array<i32>} : memref<2x128x128xf32, #tpu.memory_space<vmem>>, vector<16xf32>,
      %mul3A_419 = arith.mulf %get3A_413, %get3A_418 : vector<16xf32>
      %add3A_420 = arith.addf %add3A_408, %mul3A_419 : vector<16xf32>
      %get3A_421 = arith.constant 1 : i32
      %get3A_422 = arith.index_cast %get3A_421 : i32 to index
      %get3A_423 = arith.index_cast %scan3A_385 : i32 to index
      %get3A_424 = arith.constant 48 : index
      %get3A_425 = tpu.vector_load %arg9[%get3A_422, %get3A_423, %get3A_424] {strides = array<i32>} : memref<2x128x128xf32, #tpu.memory_space<vmem>>, vector<16xf32>,
      %get3A_426 = arith.constant 1 : i32
      %get3A_427 = arith.index_cast %get3A_426 : i32 to index
      %get3A_428 = arith.index_cast %scan3A_385 : i32 to index
      %get3A_429 = arith.constant 48 : index
      %get3A_430 = tpu.vector_load %arg10[%get3A_427, %get3A_428, %get3A_429] {strides = array<i32>} : memref<2x128x128xf32, #tpu.memory_space<vmem>>, vector<16xf32>,
      %mul3A_431 = arith.mulf %get3A_425, %get3A_430 : vector<16xf32>
      %add3A_432 = arith.addf %add3A_420, %mul3A_431 : vector<16xf32>
      %get3A_433 = arith.constant 1 : i32
      %get3A_434 = arith.index_cast %get3A_433 : i32 to index
      %get3A_435 = arith.index_cast %scan3A_385 : i32 to index
      %get3A_436 = arith.constant 64 : index
      %get3A_437 = tpu.vector_load %arg9[%get3A_434, %get3A_435, %get3A_436] {strides = array<i32>} : memref<2x128x128xf32, #tpu.memory_space<vmem>>, vector<16xf32>,
      %get3A_438 = arith.constant 1 : i32
      %get3A_439 = arith.index_cast %get3A_438 : i32 to index
      %get3A_440 = arith.index_cast %scan3A_385 : i32 to index
      %get3A_441 = arith.constant 64 : index
      %get3A_442 = tpu.vector_load %arg10[%get3A_439, %get3A_440, %get3A_441] {strides = array<i32>} : memref<2x128x128xf32, #tpu.memory_space<vmem>>, vector<16xf32>,
      %mul3A_443 = arith.mulf %get3A_437, %get3A_442 : vector<16xf32>
      %add3A_444 = arith.addf %add3A_432, %mul3A_443 : vector<16xf32>
      %get3A_445 = arith.constant 1 : i32
      %get3A_446 = arith.index_cast %get3A_445 : i32 to index
      %get3A_447 = arith.index_cast %scan3A_385 : i32 to index
      %get3A_448 = arith.constant 80 : index
      %get3A_449 = tpu.vector_load %arg9[%get3A_446, %get3A_447, %get3A_448] {strides = array<i32>} : memref<2x128x128xf32, #tpu.memory_space<vmem>>, vector<16xf32>,
      %get3A_450 = arith.constant 1 : i32
      %get3A_451 = arith.index_cast %get3A_450 : i32 to index
      %get3A_452 = arith.index_cast %scan3A_385 : i32 to index
      %get3A_453 = arith.constant 80 : index
      %get3A_454 = tpu.vector_load %arg10[%get3A_451, %get3A_452, %get3A_453] {strides = array<i32>} : memref<2x128x128xf32, #tpu.memory_space<vmem>>, vector<16xf32>,
      %mul3A_455 = arith.mulf %get3A_449, %get3A_454 : vector<16xf32>
      %add3A_456 = arith.addf %add3A_444, %mul3A_455 : vector<16xf32>
      %get3A_457 = arith.constant 1 : i32
      %get3A_458 = arith.index_cast %get3A_457 : i32 to index
      %get3A_459 = arith.index_cast %scan3A_385 : i32 to index
      %get3A_460 = arith.constant 96 : index
      %get3A_461 = tpu.vector_load %arg9[%get3A_458, %get3A_459, %get3A_460] {strides = array<i32>} : memref<2x128x128xf32, #tpu.memory_space<vmem>>, vector<16xf32>,
      %get3A_462 = arith.constant 1 : i32
      %get3A_463 = arith.index_cast %get3A_462 : i32 to index
      %get3A_464 = arith.index_cast %scan3A_385 : i32 to index
      %get3A_465 = arith.constant 96 : index
      %get3A_466 = tpu.vector_load %arg10[%get3A_463, %get3A_464, %get3A_465] {strides = array<i32>} : memref<2x128x128xf32, #tpu.memory_space<vmem>>, vector<16xf32>,
      %mul3A_467 = arith.mulf %get3A_461, %get3A_466 : vector<16xf32>
      %add3A_468 = arith.addf %add3A_456, %mul3A_467 : vector<16xf32>
      %get3A_469 = arith.constant 1 : i32
      %get3A_470 = arith.index_cast %get3A_469 : i32 to index
      %get3A_471 = arith.index_cast %scan3A_385 : i32 to index
      %get3A_472 = arith.constant 112 : index
      %get3A_473 = tpu.vector_load %arg9[%get3A_470, %get3A_471, %get3A_472] {strides = array<i32>} : memref<2x128x128xf32, #tpu.memory_space<vmem>>, vector<16xf32>,
      %get3A_474 = arith.constant 1 : i32
      %get3A_475 = arith.index_cast %get3A_474 : i32 to index
      %get3A_476 = arith.index_cast %scan3A_385 : i32 to index
      %get3A_477 = arith.constant 112 : index
      %get3A_478 = tpu.vector_load %arg10[%get3A_475, %get3A_476, %get3A_477] {strides = array<i32>} : memref<2x128x128xf32, #tpu.memory_space<vmem>>, vector<16xf32>,
      %mul3A_479 = arith.mulf %get3A_473, %get3A_478 : vector<16xf32>
      %add3A_480 = arith.addf %add3A_468, %mul3A_479 : vector<16xf32>
      %mul3A_481 = arith.constant 128 : i32
      %mul3A_482 = vector.broadcast %mul3A_481 : i32 to vector<16xi32>
      %mul3A_483 = arith.muli %iota3A, %mul3A_482 : vector<16xi32>
      %add3A_484 = vector.broadcast %scan3A_385 : i32 to vector<16xi32>
      %add3A_485 = arith.addi %mul3A_483, %add3A_484 : vector<16xi32>
      tpu.vector_store_idx %arg11[%add3A_485], %add3A_480 : memref<2048xf32, #tpu.memory_space<vmem>>[vector<16xi32>], vector<16xf32>,
    }
    %scan3A_136 = arith.constant 128 : i32
    %scan3A_137 = arith.constant 0 : i32
    %scan3A_138 = arith.constant 0 : i32
    %scan3A_139 = arith.constant 8 : i32
    %scan3A_140 = arith.addi %scan3A_138, %scan3A_139 : i32
    %scan3A_141 = arith.constant 2 : i32
    scf.for %scan3A_284 = %scan3A_138 to %scan3A_140 step %scan3A_141  : i32 {
      %mul3A_285 = arith.constant 16 : i32
      %mul3A_286 = arith.muli %scan3A_284, %mul3A_285 : i32
      %multiple_of3A_287 = tpu.assume_multiple %mul3A_286, 16 : i32
      %get3A = arith.index_cast %multiple_of3A_287 : i32 to index
      %get3A_288 = tpu.vector_load %arg11[%get3A] {strides = array<i32>} : memref<2048xf32, #tpu.memory_space<vmem>>, vector<16xf32>,
      %add3A_289 = arith.constant 128 : i32
      %add3A_290 = arith.addi %add3A_289, %multiple_of3A_287 : i32
      %get3A_291 = arith.index_cast %add3A_290 : i32 to index
      %get3A_292 = tpu.vector_load %arg11[%get3A_291] {strides = array<i32>} : memref<2048xf32, #tpu.memory_space<vmem>>, vector<16xf32>,
      %add3A_293 = arith.addf %get3A_288, %get3A_292 : vector<16xf32>
      %add3A_294 = arith.constant 256 : i32
      %add3A_295 = arith.addi %add3A_294, %multiple_of3A_287 : i32
      %get3A_296 = arith.index_cast %add3A_295 : i32 to index
      %get3A_297 = tpu.vector_load %arg11[%get3A_296] {strides = array<i32>} : memref<2048xf32, #tpu.memory_space<vmem>>, vector<16xf32>,
      %add3A_298 = arith.addf %add3A_293, %get3A_297 : vector<16xf32>
      %add3A_299 = arith.constant 384 : i32
      %add3A_300 = arith.addi %add3A_299, %multiple_of3A_287 : i32
      %get3A_301 = arith.index_cast %add3A_300 : i32 to index
      %get3A_302 = tpu.vector_load %arg11[%get3A_301] {strides = array<i32>} : memref<2048xf32, #tpu.memory_space<vmem>>, vector<16xf32>,
      %add3A_303 = arith.addf %add3A_298, %get3A_302 : vector<16xf32>
      %add3A_304 = arith.constant 512 : i32
      %add3A_305 = arith.addi %add3A_304, %multiple_of3A_287 : i32
      %get3A_306 = arith.index_cast %add3A_305 : i32 to index
      %get3A_307 = tpu.vector_load %arg11[%get3A_306] {strides = array<i32>} : memref<2048xf32, #tpu.memory_space<vmem>>, vector<16xf32>,
      %add3A_308 = arith.addf %add3A_303, %get3A_307 : vector<16xf32>
      %add3A_309 = arith.constant 640 : i32
      %add3A_310 = arith.addi %add3A_309, %multiple_of3A_287 : i32
      %get3A_311 = arith.index_cast %add3A_310 : i32 to index
      %get3A_312 = tpu.vector_load %arg11[%get3A_311] {strides = array<i32>} : memref<2048xf32, #tpu.memory_space<vmem>>, vector<16xf32>,
      %add3A_313 = arith.addf %add3A_308, %get3A_312 : vector<16xf32>
      %add3A_314 = arith.constant 768 : i32
      %add3A_315 = arith.addi %add3A_314, %multiple_of3A_287 : i32
      %get3A_316 = arith.index_cast %add3A_315 : i32 to index
      %get3A_317 = tpu.vector_load %arg11[%get3A_316] {strides = array<i32>} : memref<2048xf32, #tpu.memory_space<vmem>>, vector<16xf32>,
      %add3A_318 = arith.addf %add3A_313, %get3A_317 : vector<16xf32>
      %add3A_319 = arith.constant 896 : i32
      %add3A_320 = arith.addi %add3A_319, %multiple_of3A_287 : i32
      %get3A_321 = arith.index_cast %add3A_320 : i32 to index
      %get3A_322 = tpu.vector_load %arg11[%get3A_321] {strides = array<i32>} : memref<2048xf32, #tpu.memory_space<vmem>>, vector<16xf32>,
      %add3A_323 = arith.addf %add3A_318, %get3A_322 : vector<16xf32>
      %add3A_324 = arith.constant 1024 : i32
      %add3A_325 = arith.addi %add3A_324, %multiple_of3A_287 : i32
      %get3A_326 = arith.index_cast %add3A_325 : i32 to index
      %get3A_327 = tpu.vector_load %arg11[%get3A_326] {strides = array<i32>} : memref<2048xf32, #tpu.memory_space<vmem>>, vector<16xf32>,
      %add3A_328 = arith.addf %add3A_323, %get3A_327 : vector<16xf32>
      %add3A_329 = arith.constant 1152 : i32
      %add3A_330 = arith.addi %add3A_329, %multiple_of3A_287 : i32
      %get3A_331 = arith.index_cast %add3A_330 : i32 to index
      %get3A_332 = tpu.vector_load %arg11[%get3A_331] {strides = array<i32>} : memref<2048xf32, #tpu.memory_space<vmem>>, vector<16xf32>,
      %add3A_333 = arith.addf %add3A_328, %get3A_332 : vector<16xf32>
      %add3A_334 = arith.constant 1280 : i32
      %add3A_335 = arith.addi %add3A_334, %multiple_of3A_287 : i32
      %get3A_336 = arith.index_cast %add3A_335 : i32 to index
      %get3A_337 = tpu.vector_load %arg11[%get3A_336] {strides = array<i32>} : memref<2048xf32, #tpu.memory_space<vmem>>, vector<16xf32>,
      %add3A_338 = arith.addf %add3A_333, %get3A_337 : vector<16xf32>
      %add3A_339 = arith.constant 1408 : i32
      %add3A_340 = arith.addi %add3A_339, %multiple_of3A_287 : i32
      %get3A_341 = arith.index_cast %add3A_340 : i32 to index
      %get3A_342 = tpu.vector_load %arg11[%get3A_341] {strides = array<i32>} : memref<2048xf32, #tpu.memory_space<vmem>>, vector<16xf32>,
      %add3A_343 = arith.addf %add3A_338, %get3A_342 : vector<16xf32>
      %add3A_344 = arith.constant 1536 : i32
      %add3A_345 = arith.addi %add3A_344, %multiple_of3A_287 : i32
      %get3A_346 = arith.index_cast %add3A_345 : i32 to index
      %get3A_347 = tpu.vector_load %arg11[%get3A_346] {strides = array<i32>} : memref<2048xf32, #tpu.memory_space<vmem>>, vector<16xf32>,
      %add3A_348 = arith.addf %add3A_343, %get3A_347 : vector<16xf32>
      %add3A_349 = arith.constant 1664 : i32
      %add3A_350 = arith.addi %add3A_349, %multiple_of3A_287 : i32
      %get3A_351 = arith.index_cast %add3A_350 : i32 to index
      %get3A_352 = tpu.vector_load %arg11[%get3A_351] {strides = array<i32>} : memref<2048xf32, #tpu.memory_space<vmem>>, vector<16xf32>,
      %add3A_353 = arith.addf %add3A_348, %get3A_352 : vector<16xf32>
      %add3A_354 = arith.constant 1792 : i32
      %add3A_355 = arith.addi %add3A_354, %multiple_of3A_287 : i32
      %get3A_356 = arith.index_cast %add3A_355 : i32 to index
      %get3A_357 = tpu.vector_load %arg11[%get3A_356] {strides = array<i32>} : memref<2048xf32, #tpu.memory_space<vmem>>, vector<16xf32>,
      %add3A_358 = arith.addf %add3A_353, %get3A_357 : vector<16xf32>
      %add3A_359 = arith.constant 1920 : i32
      %add3A_360 = arith.addi %add3A_359, %multiple_of3A_287 : i32
      %get3A_361 = arith.index_cast %add3A_360 : i32 to index
      %get3A_362 = tpu.vector_load %arg11[%get3A_361] {strides = array<i32>} : memref<2048xf32, #tpu.memory_space<vmem>>, vector<16xf32>,
      %add3A_363 = arith.addf %add3A_358, %get3A_362 : vector<16xf32>
      %neg3A = arith.constant 0.000000e+00 : f32
      %neg3A_364 = vector.broadcast %neg3A : f32 to vector<16xf32>
      %neg3A_365 = arith.subf %neg3A_364, %add3A_363 : vector<16xf32>
      %exp3A = math.exp %neg3A_365 : vector<16xf32>
      %add3A_366 = arith.constant 1.000000e+00 : f32
      %add3A_367 = vector.broadcast %add3A_366 : f32 to vector<16xf32>
      %add3A_368 = arith.addf %add3A_367, %exp3A : vector<16xf32>
      %div3A = arith.constant 1.000000e+00 : f32
      %div3A_369 = vector.broadcast %div3A : f32 to vector<16xf32>
      %div3A_370 = arith.divf %div3A_369, %add3A_368 : vector<16xf32>
      %add3A_371 = arith.constant 128 : i32
      %add3A_372 = arith.addi %add3A_371, %multiple_of3A_287 : i32
      %swap3A = arith.index_cast %add3A_372 : i32 to index
      %swap3A_373 = tpu.vector_load %arg12[%swap3A] {strides = array<i32>} : memref<512xf32, #tpu.memory_space<vmem>>, vector<16xf32>,
      tpu.vector_store %arg12[%swap3A], %div3A_370 {strides = array<i32>} : memref<512xf32, #tpu.memory_space<vmem>>, vector<16xf32>,
      %scan3A_374 = arith.constant 1 : i32
      %scan3A_375 = arith.addi %scan3A_284, %scan3A_374 : i32
      %mul3A_376 = arith.constant 16 : i32
      %mul3A_377 = arith.muli %scan3A_375, %mul3A_376 : i32
      %multiple_of3A_378 = tpu.assume_multiple %mul3A_377, 16 : i32
      %get3A_379 = arith.index_cast %multiple_of3A_378 : i32 to index
      %get3A_380 = tpu.vector_load %arg11[%get3A_379] {strides = array<i32>} : memref<2048xf32, #tpu.memory_space<vmem>>, vector<16xf32>,
      %add3A_381 = arith.constant 128 : i32
      %add3A_382 = arith.addi %add3A_381, %multiple_of3A_378 : i32
      %get3A_383 = arith.index_cast %add3A_382 : i32 to index
      %get3A_384 = tpu.vector_load %arg11[%get3A_383] {strides = array<i32>} : memref<2048xf32, #tpu.memory_space<vmem>>, vector<16xf32>,
      %add3A_385 = arith.addf %get3A_380, %get3A_384 : vector<16xf32>
      %add3A_386 = arith.constant 256 : i32
      %add3A_387 = arith.addi %add3A_386, %multiple_of3A_378 : i32
      %get3A_388 = arith.index_cast %add3A_387 : i32 to index
      %get3A_389 = tpu.vector_load %arg11[%get3A_388] {strides = array<i32>} : memref<2048xf32, #tpu.memory_space<vmem>>, vector<16xf32>,
      %add3A_390 = arith.addf %add3A_385, %get3A_389 : vector<16xf32>
      %add3A_391 = arith.constant 384 : i32
      %add3A_392 = arith.addi %add3A_391, %multiple_of3A_378 : i32
      %get3A_393 = arith.index_cast %add3A_392 : i32 to index
      %get3A_394 = tpu.vector_load %arg11[%get3A_393] {strides = array<i32>} : memref<2048xf32, #tpu.memory_space<vmem>>, vector<16xf32>,
      %add3A_395 = arith.addf %add3A_390, %get3A_394 : vector<16xf32>
      %add3A_396 = arith.constant 512 : i32
      %add3A_397 = arith.addi %add3A_396, %multiple_of3A_378 : i32
      %get3A_398 = arith.index_cast %add3A_397 : i32 to index
      %get3A_399 = tpu.vector_load %arg11[%get3A_398] {strides = array<i32>} : memref<2048xf32, #tpu.memory_space<vmem>>, vector<16xf32>,
      %add3A_400 = arith.addf %add3A_395, %get3A_399 : vector<16xf32>
      %add3A_401 = arith.constant 640 : i32
      %add3A_402 = arith.addi %add3A_401, %multiple_of3A_378 : i32
      %get3A_403 = arith.index_cast %add3A_402 : i32 to index
      %get3A_404 = tpu.vector_load %arg11[%get3A_403] {strides = array<i32>} : memref<2048xf32, #tpu.memory_space<vmem>>, vector<16xf32>,
      %add3A_405 = arith.addf %add3A_400, %get3A_404 : vector<16xf32>
      %add3A_406 = arith.constant 768 : i32
      %add3A_407 = arith.addi %add3A_406, %multiple_of3A_378 : i32
      %get3A_408 = arith.index_cast %add3A_407 : i32 to index
      %get3A_409 = tpu.vector_load %arg11[%get3A_408] {strides = array<i32>} : memref<2048xf32, #tpu.memory_space<vmem>>, vector<16xf32>,
      %add3A_410 = arith.addf %add3A_405, %get3A_409 : vector<16xf32>
      %add3A_411 = arith.constant 896 : i32
      %add3A_412 = arith.addi %add3A_411, %multiple_of3A_378 : i32
      %get3A_413 = arith.index_cast %add3A_412 : i32 to index
      %get3A_414 = tpu.vector_load %arg11[%get3A_413] {strides = array<i32>} : memref<2048xf32, #tpu.memory_space<vmem>>, vector<16xf32>,
      %add3A_415 = arith.addf %add3A_410, %get3A_414 : vector<16xf32>
      %add3A_416 = arith.constant 1024 : i32
      %add3A_417 = arith.addi %add3A_416, %multiple_of3A_378 : i32
      %get3A_418 = arith.index_cast %add3A_417 : i32 to index
      %get3A_419 = tpu.vector_load %arg11[%get3A_418] {strides = array<i32>} : memref<2048xf32, #tpu.memory_space<vmem>>, vector<16xf32>,
      %add3A_420 = arith.addf %add3A_415, %get3A_419 : vector<16xf32>
      %add3A_421 = arith.constant 1152 : i32
      %add3A_422 = arith.addi %add3A_421, %multiple_of3A_378 : i32
      %get3A_423 = arith.index_cast %add3A_422 : i32 to index
      %get3A_424 = tpu.vector_load %arg11[%get3A_423] {strides = array<i32>} : memref<2048xf32, #tpu.memory_space<vmem>>, vector<16xf32>,
      %add3A_425 = arith.addf %add3A_420, %get3A_424 : vector<16xf32>
      %add3A_426 = arith.constant 1280 : i32
      %add3A_427 = arith.addi %add3A_426, %multiple_of3A_378 : i32
      %get3A_428 = arith.index_cast %add3A_427 : i32 to index
      %get3A_429 = tpu.vector_load %arg11[%get3A_428] {strides = array<i32>} : memref<2048xf32, #tpu.memory_space<vmem>>, vector<16xf32>,
      %add3A_430 = arith.addf %add3A_425, %get3A_429 : vector<16xf32>
      %add3A_431 = arith.constant 1408 : i32
      %add3A_432 = arith.addi %add3A_431, %multiple_of3A_378 : i32
      %get3A_433 = arith.index_cast %add3A_432 : i32 to index
      %get3A_434 = tpu.vector_load %arg11[%get3A_433] {strides = array<i32>} : memref<2048xf32, #tpu.memory_space<vmem>>, vector<16xf32>,
      %add3A_435 = arith.addf %add3A_430, %get3A_434 : vector<16xf32>
      %add3A_436 = arith.constant 1536 : i32
      %add3A_437 = arith.addi %add3A_436, %multiple_of3A_378 : i32
      %get3A_438 = arith.index_cast %add3A_437 : i32 to index
      %get3A_439 = tpu.vector_load %arg11[%get3A_438] {strides = array<i32>} : memref<2048xf32, #tpu.memory_space<vmem>>, vector<16xf32>,
      %add3A_440 = arith.addf %add3A_435, %get3A_439 : vector<16xf32>
      %add3A_441 = arith.constant 1664 : i32
      %add3A_442 = arith.addi %add3A_441, %multiple_of3A_378 : i32
      %get3A_443 = arith.index_cast %add3A_442 : i32 to index
      %get3A_444 = tpu.vector_load %arg11[%get3A_443] {strides = array<i32>} : memref<2048xf32, #tpu.memory_space<vmem>>, vector<16xf32>,
      %add3A_445 = arith.addf %add3A_440, %get3A_444 : vector<16xf32>
      %add3A_446 = arith.constant 1792 : i32
      %add3A_447 = arith.addi %add3A_446, %multiple_of3A_378 : i32
      %get3A_448 = arith.index_cast %add3A_447 : i32 to index
      %get3A_449 = tpu.vector_load %arg11[%get3A_448] {strides = array<i32>} : memref<2048xf32, #tpu.memory_space<vmem>>, vector<16xf32>,
      %add3A_450 = arith.addf %add3A_445, %get3A_449 : vector<16xf32>
      %add3A_451 = arith.constant 1920 : i32
      %add3A_452 = arith.addi %add3A_451, %multiple_of3A_378 : i32
      %get3A_453 = arith.index_cast %add3A_452 : i32 to index
      %get3A_454 = tpu.vector_load %arg11[%get3A_453] {strides = array<i32>} : memref<2048xf32, #tpu.memory_space<vmem>>, vector<16xf32>,
      %add3A_455 = arith.addf %add3A_450, %get3A_454 : vector<16xf32>
      %neg3A_456 = arith.constant 0.000000e+00 : f32
      %neg3A_457 = vector.broadcast %neg3A_456 : f32 to vector<16xf32>
      %neg3A_458 = arith.subf %neg3A_457, %add3A_455 : vector<16xf32>
      %exp3A_459 = math.exp %neg3A_458 : vector<16xf32>
      %add3A_460 = arith.constant 1.000000e+00 : f32
      %add3A_461 = vector.broadcast %add3A_460 : f32 to vector<16xf32>
      %add3A_462 = arith.addf %add3A_461, %exp3A_459 : vector<16xf32>
      %div3A_463 = arith.constant 1.000000e+00 : f32
      %div3A_464 = vector.broadcast %div3A_463 : f32 to vector<16xf32>
      %div3A_465 = arith.divf %div3A_464, %add3A_462 : vector<16xf32>
      %add3A_466 = arith.constant 128 : i32
      %add3A_467 = arith.addi %add3A_466, %multiple_of3A_378 : i32
      %swap3A_468 = arith.index_cast %add3A_467 : i32 to index
      %swap3A_469 = tpu.vector_load %arg12[%swap3A_468] {strides = array<i32>} : memref<512xf32, #tpu.memory_space<vmem>>, vector<16xf32>,
      tpu.vector_store %arg12[%swap3A_468], %div3A_465 {strides = array<i32>} : memref<512xf32, #tpu.memory_space<vmem>>, vector<16xf32>,
    }
    %scan3A_142 = arith.constant 8 : i32
    %mul3A_143 = arith.constant 512 : i32
    %mul3A_144 = arith.muli %add3A, %mul3A_143 : i32
    %add3A_145 = arith.constant 128 : i32
    %add3A_146 = arith.addi %mul3A_144, %add3A_145 : i32
    %multiple_of3A_147 = tpu.assume_multiple %add3A_146, 128 : i32
    %dma_start3A_148 = arith.constant 128 : i32
    %dma_start3A_149 = tpu.memref_slice %arg12[%dma_start3A_148] : memref<512xf32, #tpu.memory_space<vmem>> -> memref<128xf32, #tpu.memory_space<vmem>>
    %dma_start3A_150 = tpu.memref_slice %arg6[%multiple_of3A_147] : memref<16384xf32, #tpu.memory_space<hbm>> -> memref<128xf32, #tpu.memory_space<hbm>>
    %dma_start3A_151 = tpu.memref_slice %arg6[%multiple_of3A_147] : memref<16384xf32, #tpu.memory_space<hbm>> -> memref<128xf32, #tpu.memory_space<hbm>>
    %dma_start3A_152 = arith.constant 128 : i32
    %dma_start3A_153 = tpu.memref_slice %arg12[%dma_start3A_152] : memref<512xf32, #tpu.memory_space<vmem>> -> memref<128xf32, #tpu.memory_space<vmem>>
    tpu.enqueue_dma source(%dma_start3A_153 : memref<128xf32, #tpu.memory_space<vmem>>) target(%dma_start3A_151 : memref<128xf32, #tpu.memory_space<hbm>>) target_semaphore(%arg19 : memref<!tpu.dma_semaphore, #tpu.memory_space<semaphore_mem>>)
    %dma_start3A_154 = arith.constant 1 : i32
    %dma_start3A_155 = arith.constant 0 : i32
    %dma_start3A_156 = arith.constant 0 : i32
    %dma_start3A_157 = tpu.memref_slice %arg9[%dma_start3A_154, %dma_start3A_155, %dma_start3A_156] : memref<2x128x128xf32, #tpu.memory_space<vmem>> -> memref<1x128x128xf32, #tpu.memory_space<vmem>>
    %dma_start3A_158 = tpu.memref_squeeze %dma_start3A_157 : memref<1x128x128xf32, #tpu.memory_space<vmem>> -> memref<128x128xf32, #tpu.memory_space<vmem>>
    %dma_start3A_159 = arith.constant 384 : i32
    %dma_start3A_160 = tpu.memref_slice %arg7[%dma_start3A_159] : memref<512xi32, #tpu.memory_space<vmem>> -> memref<128xi32, #tpu.memory_space<vmem>>
    %dma_start3A_161 = arith.constant 0 : i32
    %dma_start3A_162 = arith.constant 0 : i32
    %dma_start3A_163 = tpu.memref_slice %arg4[%dma_start3A_161, %dma_start3A_162] : memref<1000000x128xf32, #tpu.memory_space<hbm>> -> memref<1000000x128xf32, #tpu.memory_space<hbm>>
    tpu.enqueue_indirect_dma source(%dma_start3A_163 : memref<1000000x128xf32, #tpu.memory_space<hbm>>) target(%dma_start3A_158 : memref<128x128xf32, #tpu.memory_space<vmem>>) offsets(%dma_start3A_160 : memref<128xi32, #tpu.memory_space<vmem>>) semaphore(%arg14 : memref<!tpu.dma_semaphore, #tpu.memory_space<semaphore_mem>>)
    %dma_start3A_164 = arith.constant 1 : i32
    %dma_start3A_165 = arith.constant 0 : i32
    %dma_start3A_166 = arith.constant 0 : i32
    %dma_start3A_167 = tpu.memref_slice %arg10[%dma_start3A_164, %dma_start3A_165, %dma_start3A_166] : memref<2x128x128xf32, #tpu.memory_space<vmem>> -> memref<1x128x128xf32, #tpu.memory_space<vmem>>
    %dma_start3A_168 = tpu.memref_squeeze %dma_start3A_167 : memref<1x128x128xf32, #tpu.memory_space<vmem>> -> memref<128x128xf32, #tpu.memory_space<vmem>>
    %dma_start3A_169 = arith.constant 384 : i32
    %dma_start3A_170 = tpu.memref_slice %arg8[%dma_start3A_169] : memref<512xi32, #tpu.memory_space<vmem>> -> memref<128xi32, #tpu.memory_space<vmem>>
    %dma_start3A_171 = arith.constant 0 : i32
    %dma_start3A_172 = arith.constant 0 : i32
    %dma_start3A_173 = tpu.memref_slice %arg5[%dma_start3A_171, %dma_start3A_172] : memref<1000000x128xf32, #tpu.memory_space<hbm>> -> memref<1000000x128xf32, #tpu.memory_space<hbm>>
    tpu.enqueue_indirect_dma source(%dma_start3A_173 : memref<1000000x128xf32, #tpu.memory_space<hbm>>) target(%dma_start3A_168 : memref<128x128xf32, #tpu.memory_space<vmem>>) offsets(%dma_start3A_170 : memref<128xi32, #tpu.memory_space<vmem>>) semaphore(%arg16 : memref<!tpu.dma_semaphore, #tpu.memory_space<semaphore_mem>>)
    %dma_wait3A_174 = arith.constant 0 : i32
    %dma_wait3A_175 = arith.constant 0 : i32
    %dma_wait3A_176 = arith.constant 0 : i32
    %dma_wait3A_177 = tpu.memref_slice %arg9[%dma_wait3A_174, %dma_wait3A_175, %dma_wait3A_176] : memref<2x128x128xf32, #tpu.memory_space<vmem>> -> memref<1x128x128xf32, #tpu.memory_space<vmem>>
    %dma_wait3A_178 = tpu.memref_squeeze %dma_wait3A_177 : memref<1x128x128xf32, #tpu.memory_space<vmem>> -> memref<128x128xf32, #tpu.memory_space<vmem>>
    %dma_wait3A_179 = arith.constant 256 : i32
    %dma_wait3A_180 = tpu.memref_slice %arg7[%dma_wait3A_179] : memref<512xi32, #tpu.memory_space<vmem>> -> memref<128xi32, #tpu.memory_space<vmem>>
    %dma_wait3A_181 = arith.constant 0 : i32
    %dma_wait3A_182 = arith.constant 0 : i32
    %dma_wait3A_183 = tpu.memref_slice %arg4[%dma_wait3A_181, %dma_wait3A_182] : memref<1000000x128xf32, #tpu.memory_space<hbm>> -> memref<1000000x128xf32, #tpu.memory_space<hbm>>
    tpu.wait_indirect_dma semaphore(%arg13 : memref<!tpu.dma_semaphore, #tpu.memory_space<semaphore_mem>>) src(%dma_wait3A_183 : memref<1000000x128xf32, #tpu.memory_space<hbm>>) dst(%dma_wait3A_178 : memref<128x128xf32, #tpu.memory_space<vmem>>)
    %dma_wait3A_184 = arith.constant 0 : i32
    %dma_wait3A_185 = arith.constant 0 : i32
    %dma_wait3A_186 = arith.constant 0 : i32
    %dma_wait3A_187 = tpu.memref_slice %arg10[%dma_wait3A_184, %dma_wait3A_185, %dma_wait3A_186] : memref<2x128x128xf32, #tpu.memory_space<vmem>> -> memref<1x128x128xf32, #tpu.memory_space<vmem>>
    %dma_wait3A_188 = tpu.memref_squeeze %dma_wait3A_187 : memref<1x128x128xf32, #tpu.memory_space<vmem>> -> memref<128x128xf32, #tpu.memory_space<vmem>>
    %dma_wait3A_189 = arith.constant 256 : i32
    %dma_wait3A_190 = tpu.memref_slice %arg8[%dma_wait3A_189] : memref<512xi32, #tpu.memory_space<vmem>> -> memref<128xi32, #tpu.memory_space<vmem>>
    %dma_wait3A_191 = arith.constant 0 : i32
    %dma_wait3A_192 = arith.constant 0 : i32
    %dma_wait3A_193 = tpu.memref_slice %arg5[%dma_wait3A_191, %dma_wait3A_192] : memref<1000000x128xf32, #tpu.memory_space<hbm>> -> memref<1000000x128xf32, #tpu.memory_space<hbm>>
    tpu.wait_indirect_dma semaphore(%arg15 : memref<!tpu.dma_semaphore, #tpu.memory_space<semaphore_mem>>) src(%dma_wait3A_193 : memref<1000000x128xf32, #tpu.memory_space<hbm>>) dst(%dma_wait3A_188 : memref<128x128xf32, #tpu.memory_space<vmem>>)
    %scan3A_194 = arith.constant 0 : i32
    %scan3A_195 = arith.constant 0 : i32
    %scan3A_196 = arith.constant 128 : i32
    %scan3A_197 = arith.addi %scan3A_195, %scan3A_196 : i32
    %scan3A_198 = arith.constant 2 : i32
    scf.for %scan3A_284 = %scan3A_195 to %scan3A_197 step %scan3A_198  : i32 {
      %get3A = arith.constant 0 : i32
      %get3A_285 = arith.index_cast %get3A : i32 to index
      %get3A_286 = arith.index_cast %scan3A_284 : i32 to index
      %get3A_287 = arith.constant 0 : index
      %get3A_288 = tpu.vector_load %arg9[%get3A_285, %get3A_286, %get3A_287] {strides = array<i32>} : memref<2x128x128xf32, #tpu.memory_space<vmem>>, vector<16xf32>,
      %get3A_289 = arith.constant 0 : i32
      %get3A_290 = arith.index_cast %get3A_289 : i32 to index
      %get3A_291 = arith.index_cast %scan3A_284 : i32 to index
      %get3A_292 = arith.constant 0 : index
      %get3A_293 = tpu.vector_load %arg10[%get3A_290, %get3A_291, %get3A_292] {strides = array<i32>} : memref<2x128x128xf32, #tpu.memory_space<vmem>>, vector<16xf32>,
      %mul3A_294 = arith.mulf %get3A_288, %get3A_293 : vector<16xf32>
      %get3A_295 = arith.constant 0 : i32
      %get3A_296 = arith.index_cast %get3A_295 : i32 to index
      %get3A_297 = arith.index_cast %scan3A_284 : i32 to index
      %get3A_298 = arith.constant 16 : index
      %get3A_299 = tpu.vector_load %arg9[%get3A_296, %get3A_297, %get3A_298] {strides = array<i32>} : memref<2x128x128xf32, #tpu.memory_space<vmem>>, vector<16xf32>,
      %get3A_300 = arith.constant 0 : i32
      %get3A_301 = arith.index_cast %get3A_300 : i32 to index
      %get3A_302 = arith.index_cast %scan3A_284 : i32 to index
      %get3A_303 = arith.constant 16 : index
      %get3A_304 = tpu.vector_load %arg10[%get3A_301, %get3A_302, %get3A_303] {strides = array<i32>} : memref<2x128x128xf32, #tpu.memory_space<vmem>>, vector<16xf32>,
      %mul3A_305 = arith.mulf %get3A_299, %get3A_304 : vector<16xf32>
      %add3A_306 = arith.addf %mul3A_294, %mul3A_305 : vector<16xf32>
      %get3A_307 = arith.constant 0 : i32
      %get3A_308 = arith.index_cast %get3A_307 : i32 to index
      %get3A_309 = arith.index_cast %scan3A_284 : i32 to index
      %get3A_310 = arith.constant 32 : index
      %get3A_311 = tpu.vector_load %arg9[%get3A_308, %get3A_309, %get3A_310] {strides = array<i32>} : memref<2x128x128xf32, #tpu.memory_space<vmem>>, vector<16xf32>,
      %get3A_312 = arith.constant 0 : i32
      %get3A_313 = arith.index_cast %get3A_312 : i32 to index
      %get3A_314 = arith.index_cast %scan3A_284 : i32 to index
      %get3A_315 = arith.constant 32 : index
      %get3A_316 = tpu.vector_load %arg10[%get3A_313, %get3A_314, %get3A_315] {strides = array<i32>} : memref<2x128x128xf32, #tpu.memory_space<vmem>>, vector<16xf32>,
      %mul3A_317 = arith.mulf %get3A_311, %get3A_316 : vector<16xf32>
      %add3A_318 = arith.addf %add3A_306, %mul3A_317 : vector<16xf32>
      %get3A_319 = arith.constant 0 : i32
      %get3A_320 = arith.index_cast %get3A_319 : i32 to index
      %get3A_321 = arith.index_cast %scan3A_284 : i32 to index
      %get3A_322 = arith.constant 48 : index
      %get3A_323 = tpu.vector_load %arg9[%get3A_320, %get3A_321, %get3A_322] {strides = array<i32>} : memref<2x128x128xf32, #tpu.memory_space<vmem>>, vector<16xf32>,
      %get3A_324 = arith.constant 0 : i32
      %get3A_325 = arith.index_cast %get3A_324 : i32 to index
      %get3A_326 = arith.index_cast %scan3A_284 : i32 to index
      %get3A_327 = arith.constant 48 : index
      %get3A_328 = tpu.vector_load %arg10[%get3A_325, %get3A_326, %get3A_327] {strides = array<i32>} : memref<2x128x128xf32, #tpu.memory_space<vmem>>, vector<16xf32>,
      %mul3A_329 = arith.mulf %get3A_323, %get3A_328 : vector<16xf32>
      %add3A_330 = arith.addf %add3A_318, %mul3A_329 : vector<16xf32>
      %get3A_331 = arith.constant 0 : i32
      %get3A_332 = arith.index_cast %get3A_331 : i32 to index
      %get3A_333 = arith.index_cast %scan3A_284 : i32 to index
      %get3A_334 = arith.constant 64 : index
      %get3A_335 = tpu.vector_load %arg9[%get3A_332, %get3A_333, %get3A_334] {strides = array<i32>} : memref<2x128x128xf32, #tpu.memory_space<vmem>>, vector<16xf32>,
      %get3A_336 = arith.constant 0 : i32
      %get3A_337 = arith.index_cast %get3A_336 : i32 to index
      %get3A_338 = arith.index_cast %scan3A_284 : i32 to index
      %get3A_339 = arith.constant 64 : index
      %get3A_340 = tpu.vector_load %arg10[%get3A_337, %get3A_338, %get3A_339] {strides = array<i32>} : memref<2x128x128xf32, #tpu.memory_space<vmem>>, vector<16xf32>,
      %mul3A_341 = arith.mulf %get3A_335, %get3A_340 : vector<16xf32>
      %add3A_342 = arith.addf %add3A_330, %mul3A_341 : vector<16xf32>
      %get3A_343 = arith.constant 0 : i32
      %get3A_344 = arith.index_cast %get3A_343 : i32 to index
      %get3A_345 = arith.index_cast %scan3A_284 : i32 to index
      %get3A_346 = arith.constant 80 : index
      %get3A_347 = tpu.vector_load %arg9[%get3A_344, %get3A_345, %get3A_346] {strides = array<i32>} : memref<2x128x128xf32, #tpu.memory_space<vmem>>, vector<16xf32>,
      %get3A_348 = arith.constant 0 : i32
      %get3A_349 = arith.index_cast %get3A_348 : i32 to index
      %get3A_350 = arith.index_cast %scan3A_284 : i32 to index
      %get3A_351 = arith.constant 80 : index
      %get3A_352 = tpu.vector_load %arg10[%get3A_349, %get3A_350, %get3A_351] {strides = array<i32>} : memref<2x128x128xf32, #tpu.memory_space<vmem>>, vector<16xf32>,
      %mul3A_353 = arith.mulf %get3A_347, %get3A_352 : vector<16xf32>
      %add3A_354 = arith.addf %add3A_342, %mul3A_353 : vector<16xf32>
      %get3A_355 = arith.constant 0 : i32
      %get3A_356 = arith.index_cast %get3A_355 : i32 to index
      %get3A_357 = arith.index_cast %scan3A_284 : i32 to index
      %get3A_358 = arith.constant 96 : index
      %get3A_359 = tpu.vector_load %arg9[%get3A_356, %get3A_357, %get3A_358] {strides = array<i32>} : memref<2x128x128xf32, #tpu.memory_space<vmem>>, vector<16xf32>,
      %get3A_360 = arith.constant 0 : i32
      %get3A_361 = arith.index_cast %get3A_360 : i32 to index
      %get3A_362 = arith.index_cast %scan3A_284 : i32 to index
      %get3A_363 = arith.constant 96 : index
      %get3A_364 = tpu.vector_load %arg10[%get3A_361, %get3A_362, %get3A_363] {strides = array<i32>} : memref<2x128x128xf32, #tpu.memory_space<vmem>>, vector<16xf32>,
      %mul3A_365 = arith.mulf %get3A_359, %get3A_364 : vector<16xf32>
      %add3A_366 = arith.addf %add3A_354, %mul3A_365 : vector<16xf32>
      %get3A_367 = arith.constant 0 : i32
      %get3A_368 = arith.index_cast %get3A_367 : i32 to index
      %get3A_369 = arith.index_cast %scan3A_284 : i32 to index
      %get3A_370 = arith.constant 112 : index
      %get3A_371 = tpu.vector_load %arg9[%get3A_368, %get3A_369, %get3A_370] {strides = array<i32>} : memref<2x128x128xf32, #tpu.memory_space<vmem>>, vector<16xf32>,
      %get3A_372 = arith.constant 0 : i32
      %get3A_373 = arith.index_cast %get3A_372 : i32 to index
      %get3A_374 = arith.index_cast %scan3A_284 : i32 to index
      %get3A_375 = arith.constant 112 : index
      %get3A_376 = tpu.vector_load %arg10[%get3A_373, %get3A_374, %get3A_375] {strides = array<i32>} : memref<2x128x128xf32, #tpu.memory_space<vmem>>, vector<16xf32>,
      %mul3A_377 = arith.mulf %get3A_371, %get3A_376 : vector<16xf32>
      %add3A_378 = arith.addf %add3A_366, %mul3A_377 : vector<16xf32>
      %mul3A_379 = arith.constant 128 : i32
      %mul3A_380 = vector.broadcast %mul3A_379 : i32 to vector<16xi32>
      %mul3A_381 = arith.muli %iota3A, %mul3A_380 : vector<16xi32>
      %add3A_382 = vector.broadcast %scan3A_284 : i32 to vector<16xi32>
      %add3A_383 = arith.addi %mul3A_381, %add3A_382 : vector<16xi32>
      tpu.vector_store_idx %arg11[%add3A_383], %add3A_378 : memref<2048xf32, #tpu.memory_space<vmem>>[vector<16xi32>], vector<16xf32>,
      %scan3A_384 = arith.constant 1 : i32
      %scan3A_385 = arith.addi %scan3A_284, %scan3A_384 : i32
      %get3A_386 = arith.constant 0 : i32
      %get3A_387 = arith.index_cast %get3A_386 : i32 to index
      %get3A_388 = arith.index_cast %scan3A_385 : i32 to index
      %get3A_389 = arith.constant 0 : index
      %get3A_390 = tpu.vector_load %arg9[%get3A_387, %get3A_388, %get3A_389] {strides = array<i32>} : memref<2x128x128xf32, #tpu.memory_space<vmem>>, vector<16xf32>,
      %get3A_391 = arith.constant 0 : i32
      %get3A_392 = arith.index_cast %get3A_391 : i32 to index
      %get3A_393 = arith.index_cast %scan3A_385 : i32 to index
      %get3A_394 = arith.constant 0 : index
      %get3A_395 = tpu.vector_load %arg10[%get3A_392, %get3A_393, %get3A_394] {strides = array<i32>} : memref<2x128x128xf32, #tpu.memory_space<vmem>>, vector<16xf32>,
      %mul3A_396 = arith.mulf %get3A_390, %get3A_395 : vector<16xf32>
      %get3A_397 = arith.constant 0 : i32
      %get3A_398 = arith.index_cast %get3A_397 : i32 to index
      %get3A_399 = arith.index_cast %scan3A_385 : i32 to index
      %get3A_400 = arith.constant 16 : index
      %get3A_401 = tpu.vector_load %arg9[%get3A_398, %get3A_399, %get3A_400] {strides = array<i32>} : memref<2x128x128xf32, #tpu.memory_space<vmem>>, vector<16xf32>,
      %get3A_402 = arith.constant 0 : i32
      %get3A_403 = arith.index_cast %get3A_402 : i32 to index
      %get3A_404 = arith.index_cast %scan3A_385 : i32 to index
      %get3A_405 = arith.constant 16 : index
      %get3A_406 = tpu.vector_load %arg10[%get3A_403, %get3A_404, %get3A_405] {strides = array<i32>} : memref<2x128x128xf32, #tpu.memory_space<vmem>>, vector<16xf32>,
      %mul3A_407 = arith.mulf %get3A_401, %get3A_406 : vector<16xf32>
      %add3A_408 = arith.addf %mul3A_396, %mul3A_407 : vector<16xf32>
      %get3A_409 = arith.constant 0 : i32
      %get3A_410 = arith.index_cast %get3A_409 : i32 to index
      %get3A_411 = arith.index_cast %scan3A_385 : i32 to index
      %get3A_412 = arith.constant 32 : index
      %get3A_413 = tpu.vector_load %arg9[%get3A_410, %get3A_411, %get3A_412] {strides = array<i32>} : memref<2x128x128xf32, #tpu.memory_space<vmem>>, vector<16xf32>,
      %get3A_414 = arith.constant 0 : i32
      %get3A_415 = arith.index_cast %get3A_414 : i32 to index
      %get3A_416 = arith.index_cast %scan3A_385 : i32 to index
      %get3A_417 = arith.constant 32 : index
      %get3A_418 = tpu.vector_load %arg10[%get3A_415, %get3A_416, %get3A_417] {strides = array<i32>} : memref<2x128x128xf32, #tpu.memory_space<vmem>>, vector<16xf32>,
      %mul3A_419 = arith.mulf %get3A_413, %get3A_418 : vector<16xf32>
      %add3A_420 = arith.addf %add3A_408, %mul3A_419 : vector<16xf32>
      %get3A_421 = arith.constant 0 : i32
      %get3A_422 = arith.index_cast %get3A_421 : i32 to index
      %get3A_423 = arith.index_cast %scan3A_385 : i32 to index
      %get3A_424 = arith.constant 48 : index
      %get3A_425 = tpu.vector_load %arg9[%get3A_422, %get3A_423, %get3A_424] {strides = array<i32>} : memref<2x128x128xf32, #tpu.memory_space<vmem>>, vector<16xf32>,
      %get3A_426 = arith.constant 0 : i32
      %get3A_427 = arith.index_cast %get3A_426 : i32 to index
      %get3A_428 = arith.index_cast %scan3A_385 : i32 to index
      %get3A_429 = arith.constant 48 : index
      %get3A_430 = tpu.vector_load %arg10[%get3A_427, %get3A_428, %get3A_429] {strides = array<i32>} : memref<2x128x128xf32, #tpu.memory_space<vmem>>, vector<16xf32>,
      %mul3A_431 = arith.mulf %get3A_425, %get3A_430 : vector<16xf32>
      %add3A_432 = arith.addf %add3A_420, %mul3A_431 : vector<16xf32>
      %get3A_433 = arith.constant 0 : i32
      %get3A_434 = arith.index_cast %get3A_433 : i32 to index
      %get3A_435 = arith.index_cast %scan3A_385 : i32 to index
      %get3A_436 = arith.constant 64 : index
      %get3A_437 = tpu.vector_load %arg9[%get3A_434, %get3A_435, %get3A_436] {strides = array<i32>} : memref<2x128x128xf32, #tpu.memory_space<vmem>>, vector<16xf32>,
      %get3A_438 = arith.constant 0 : i32
      %get3A_439 = arith.index_cast %get3A_438 : i32 to index
      %get3A_440 = arith.index_cast %scan3A_385 : i32 to index
      %get3A_441 = arith.constant 64 : index
      %get3A_442 = tpu.vector_load %arg10[%get3A_439, %get3A_440, %get3A_441] {strides = array<i32>} : memref<2x128x128xf32, #tpu.memory_space<vmem>>, vector<16xf32>,
      %mul3A_443 = arith.mulf %get3A_437, %get3A_442 : vector<16xf32>
      %add3A_444 = arith.addf %add3A_432, %mul3A_443 : vector<16xf32>
      %get3A_445 = arith.constant 0 : i32
      %get3A_446 = arith.index_cast %get3A_445 : i32 to index
      %get3A_447 = arith.index_cast %scan3A_385 : i32 to index
      %get3A_448 = arith.constant 80 : index
      %get3A_449 = tpu.vector_load %arg9[%get3A_446, %get3A_447, %get3A_448] {strides = array<i32>} : memref<2x128x128xf32, #tpu.memory_space<vmem>>, vector<16xf32>,
      %get3A_450 = arith.constant 0 : i32
      %get3A_451 = arith.index_cast %get3A_450 : i32 to index
      %get3A_452 = arith.index_cast %scan3A_385 : i32 to index
      %get3A_453 = arith.constant 80 : index
      %get3A_454 = tpu.vector_load %arg10[%get3A_451, %get3A_452, %get3A_453] {strides = array<i32>} : memref<2x128x128xf32, #tpu.memory_space<vmem>>, vector<16xf32>,
      %mul3A_455 = arith.mulf %get3A_449, %get3A_454 : vector<16xf32>
      %add3A_456 = arith.addf %add3A_444, %mul3A_455 : vector<16xf32>
      %get3A_457 = arith.constant 0 : i32
      %get3A_458 = arith.index_cast %get3A_457 : i32 to index
      %get3A_459 = arith.index_cast %scan3A_385 : i32 to index
      %get3A_460 = arith.constant 96 : index
      %get3A_461 = tpu.vector_load %arg9[%get3A_458, %get3A_459, %get3A_460] {strides = array<i32>} : memref<2x128x128xf32, #tpu.memory_space<vmem>>, vector<16xf32>,
      %get3A_462 = arith.constant 0 : i32
      %get3A_463 = arith.index_cast %get3A_462 : i32 to index
      %get3A_464 = arith.index_cast %scan3A_385 : i32 to index
      %get3A_465 = arith.constant 96 : index
      %get3A_466 = tpu.vector_load %arg10[%get3A_463, %get3A_464, %get3A_465] {strides = array<i32>} : memref<2x128x128xf32, #tpu.memory_space<vmem>>, vector<16xf32>,
      %mul3A_467 = arith.mulf %get3A_461, %get3A_466 : vector<16xf32>
      %add3A_468 = arith.addf %add3A_456, %mul3A_467 : vector<16xf32>
      %get3A_469 = arith.constant 0 : i32
      %get3A_470 = arith.index_cast %get3A_469 : i32 to index
      %get3A_471 = arith.index_cast %scan3A_385 : i32 to index
      %get3A_472 = arith.constant 112 : index
      %get3A_473 = tpu.vector_load %arg9[%get3A_470, %get3A_471, %get3A_472] {strides = array<i32>} : memref<2x128x128xf32, #tpu.memory_space<vmem>>, vector<16xf32>,
      %get3A_474 = arith.constant 0 : i32
      %get3A_475 = arith.index_cast %get3A_474 : i32 to index
      %get3A_476 = arith.index_cast %scan3A_385 : i32 to index
      %get3A_477 = arith.constant 112 : index
      %get3A_478 = tpu.vector_load %arg10[%get3A_475, %get3A_476, %get3A_477] {strides = array<i32>} : memref<2x128x128xf32, #tpu.memory_space<vmem>>, vector<16xf32>,
      %mul3A_479 = arith.mulf %get3A_473, %get3A_478 : vector<16xf32>
      %add3A_480 = arith.addf %add3A_468, %mul3A_479 : vector<16xf32>
      %mul3A_481 = arith.constant 128 : i32
      %mul3A_482 = vector.broadcast %mul3A_481 : i32 to vector<16xi32>
      %mul3A_483 = arith.muli %iota3A, %mul3A_482 : vector<16xi32>
      %add3A_484 = vector.broadcast %scan3A_385 : i32 to vector<16xi32>
      %add3A_485 = arith.addi %mul3A_483, %add3A_484 : vector<16xi32>
      tpu.vector_store_idx %arg11[%add3A_485], %add3A_480 : memref<2048xf32, #tpu.memory_space<vmem>>[vector<16xi32>], vector<16xf32>,
    }
    %scan3A_199 = arith.constant 128 : i32
    %scan3A_200 = arith.constant 0 : i32
    %scan3A_201 = arith.constant 0 : i32
    %scan3A_202 = arith.constant 8 : i32
    %scan3A_203 = arith.addi %scan3A_201, %scan3A_202 : i32
    %scan3A_204 = arith.constant 2 : i32
    scf.for %scan3A_284 = %scan3A_201 to %scan3A_203 step %scan3A_204  : i32 {
      %mul3A_285 = arith.constant 16 : i32
      %mul3A_286 = arith.muli %scan3A_284, %mul3A_285 : i32
      %multiple_of3A_287 = tpu.assume_multiple %mul3A_286, 16 : i32
      %get3A = arith.index_cast %multiple_of3A_287 : i32 to index
      %get3A_288 = tpu.vector_load %arg11[%get3A] {strides = array<i32>} : memref<2048xf32, #tpu.memory_space<vmem>>, vector<16xf32>,
      %add3A_289 = arith.constant 128 : i32
      %add3A_290 = arith.addi %add3A_289, %multiple_of3A_287 : i32
      %get3A_291 = arith.index_cast %add3A_290 : i32 to index
      %get3A_292 = tpu.vector_load %arg11[%get3A_291] {strides = array<i32>} : memref<2048xf32, #tpu.memory_space<vmem>>, vector<16xf32>,
      %add3A_293 = arith.addf %get3A_288, %get3A_292 : vector<16xf32>
      %add3A_294 = arith.constant 256 : i32
      %add3A_295 = arith.addi %add3A_294, %multiple_of3A_287 : i32
      %get3A_296 = arith.index_cast %add3A_295 : i32 to index
      %get3A_297 = tpu.vector_load %arg11[%get3A_296] {strides = array<i32>} : memref<2048xf32, #tpu.memory_space<vmem>>, vector<16xf32>,
      %add3A_298 = arith.addf %add3A_293, %get3A_297 : vector<16xf32>
      %add3A_299 = arith.constant 384 : i32
      %add3A_300 = arith.addi %add3A_299, %multiple_of3A_287 : i32
      %get3A_301 = arith.index_cast %add3A_300 : i32 to index
      %get3A_302 = tpu.vector_load %arg11[%get3A_301] {strides = array<i32>} : memref<2048xf32, #tpu.memory_space<vmem>>, vector<16xf32>,
      %add3A_303 = arith.addf %add3A_298, %get3A_302 : vector<16xf32>
      %add3A_304 = arith.constant 512 : i32
      %add3A_305 = arith.addi %add3A_304, %multiple_of3A_287 : i32
      %get3A_306 = arith.index_cast %add3A_305 : i32 to index
      %get3A_307 = tpu.vector_load %arg11[%get3A_306] {strides = array<i32>} : memref<2048xf32, #tpu.memory_space<vmem>>, vector<16xf32>,
      %add3A_308 = arith.addf %add3A_303, %get3A_307 : vector<16xf32>
      %add3A_309 = arith.constant 640 : i32
      %add3A_310 = arith.addi %add3A_309, %multiple_of3A_287 : i32
      %get3A_311 = arith.index_cast %add3A_310 : i32 to index
      %get3A_312 = tpu.vector_load %arg11[%get3A_311] {strides = array<i32>} : memref<2048xf32, #tpu.memory_space<vmem>>, vector<16xf32>,
      %add3A_313 = arith.addf %add3A_308, %get3A_312 : vector<16xf32>
      %add3A_314 = arith.constant 768 : i32
      %add3A_315 = arith.addi %add3A_314, %multiple_of3A_287 : i32
      %get3A_316 = arith.index_cast %add3A_315 : i32 to index
      %get3A_317 = tpu.vector_load %arg11[%get3A_316] {strides = array<i32>} : memref<2048xf32, #tpu.memory_space<vmem>>, vector<16xf32>,
      %add3A_318 = arith.addf %add3A_313, %get3A_317 : vector<16xf32>
      %add3A_319 = arith.constant 896 : i32
      %add3A_320 = arith.addi %add3A_319, %multiple_of3A_287 : i32
      %get3A_321 = arith.index_cast %add3A_320 : i32 to index
      %get3A_322 = tpu.vector_load %arg11[%get3A_321] {strides = array<i32>} : memref<2048xf32, #tpu.memory_space<vmem>>, vector<16xf32>,
      %add3A_323 = arith.addf %add3A_318, %get3A_322 : vector<16xf32>
      %add3A_324 = arith.constant 1024 : i32
      %add3A_325 = arith.addi %add3A_324, %multiple_of3A_287 : i32
      %get3A_326 = arith.index_cast %add3A_325 : i32 to index
      %get3A_327 = tpu.vector_load %arg11[%get3A_326] {strides = array<i32>} : memref<2048xf32, #tpu.memory_space<vmem>>, vector<16xf32>,
      %add3A_328 = arith.addf %add3A_323, %get3A_327 : vector<16xf32>
      %add3A_329 = arith.constant 1152 : i32
      %add3A_330 = arith.addi %add3A_329, %multiple_of3A_287 : i32
      %get3A_331 = arith.index_cast %add3A_330 : i32 to index
      %get3A_332 = tpu.vector_load %arg11[%get3A_331] {strides = array<i32>} : memref<2048xf32, #tpu.memory_space<vmem>>, vector<16xf32>,
      %add3A_333 = arith.addf %add3A_328, %get3A_332 : vector<16xf32>
      %add3A_334 = arith.constant 1280 : i32
      %add3A_335 = arith.addi %add3A_334, %multiple_of3A_287 : i32
      %get3A_336 = arith.index_cast %add3A_335 : i32 to index
      %get3A_337 = tpu.vector_load %arg11[%get3A_336] {strides = array<i32>} : memref<2048xf32, #tpu.memory_space<vmem>>, vector<16xf32>,
      %add3A_338 = arith.addf %add3A_333, %get3A_337 : vector<16xf32>
      %add3A_339 = arith.constant 1408 : i32
      %add3A_340 = arith.addi %add3A_339, %multiple_of3A_287 : i32
      %get3A_341 = arith.index_cast %add3A_340 : i32 to index
      %get3A_342 = tpu.vector_load %arg11[%get3A_341] {strides = array<i32>} : memref<2048xf32, #tpu.memory_space<vmem>>, vector<16xf32>,
      %add3A_343 = arith.addf %add3A_338, %get3A_342 : vector<16xf32>
      %add3A_344 = arith.constant 1536 : i32
      %add3A_345 = arith.addi %add3A_344, %multiple_of3A_287 : i32
      %get3A_346 = arith.index_cast %add3A_345 : i32 to index
      %get3A_347 = tpu.vector_load %arg11[%get3A_346] {strides = array<i32>} : memref<2048xf32, #tpu.memory_space<vmem>>, vector<16xf32>,
      %add3A_348 = arith.addf %add3A_343, %get3A_347 : vector<16xf32>
      %add3A_349 = arith.constant 1664 : i32
      %add3A_350 = arith.addi %add3A_349, %multiple_of3A_287 : i32
      %get3A_351 = arith.index_cast %add3A_350 : i32 to index
      %get3A_352 = tpu.vector_load %arg11[%get3A_351] {strides = array<i32>} : memref<2048xf32, #tpu.memory_space<vmem>>, vector<16xf32>,
      %add3A_353 = arith.addf %add3A_348, %get3A_352 : vector<16xf32>
      %add3A_354 = arith.constant 1792 : i32
      %add3A_355 = arith.addi %add3A_354, %multiple_of3A_287 : i32
      %get3A_356 = arith.index_cast %add3A_355 : i32 to index
      %get3A_357 = tpu.vector_load %arg11[%get3A_356] {strides = array<i32>} : memref<2048xf32, #tpu.memory_space<vmem>>, vector<16xf32>,
      %add3A_358 = arith.addf %add3A_353, %get3A_357 : vector<16xf32>
      %add3A_359 = arith.constant 1920 : i32
      %add3A_360 = arith.addi %add3A_359, %multiple_of3A_287 : i32
      %get3A_361 = arith.index_cast %add3A_360 : i32 to index
      %get3A_362 = tpu.vector_load %arg11[%get3A_361] {strides = array<i32>} : memref<2048xf32, #tpu.memory_space<vmem>>, vector<16xf32>,
      %add3A_363 = arith.addf %add3A_358, %get3A_362 : vector<16xf32>
      %neg3A = arith.constant 0.000000e+00 : f32
      %neg3A_364 = vector.broadcast %neg3A : f32 to vector<16xf32>
      %neg3A_365 = arith.subf %neg3A_364, %add3A_363 : vector<16xf32>
      %exp3A = math.exp %neg3A_365 : vector<16xf32>
      %add3A_366 = arith.constant 1.000000e+00 : f32
      %add3A_367 = vector.broadcast %add3A_366 : f32 to vector<16xf32>
      %add3A_368 = arith.addf %add3A_367, %exp3A : vector<16xf32>
      %div3A = arith.constant 1.000000e+00 : f32
      %div3A_369 = vector.broadcast %div3A : f32 to vector<16xf32>
      %div3A_370 = arith.divf %div3A_369, %add3A_368 : vector<16xf32>
      %add3A_371 = arith.constant 256 : i32
      %add3A_372 = arith.addi %add3A_371, %multiple_of3A_287 : i32
      %swap3A = arith.index_cast %add3A_372 : i32 to index
      %swap3A_373 = tpu.vector_load %arg12[%swap3A] {strides = array<i32>} : memref<512xf32, #tpu.memory_space<vmem>>, vector<16xf32>,
      tpu.vector_store %arg12[%swap3A], %div3A_370 {strides = array<i32>} : memref<512xf32, #tpu.memory_space<vmem>>, vector<16xf32>,
      %scan3A_374 = arith.constant 1 : i32
      %scan3A_375 = arith.addi %scan3A_284, %scan3A_374 : i32
      %mul3A_376 = arith.constant 16 : i32
      %mul3A_377 = arith.muli %scan3A_375, %mul3A_376 : i32
      %multiple_of3A_378 = tpu.assume_multiple %mul3A_377, 16 : i32
      %get3A_379 = arith.index_cast %multiple_of3A_378 : i32 to index
      %get3A_380 = tpu.vector_load %arg11[%get3A_379] {strides = array<i32>} : memref<2048xf32, #tpu.memory_space<vmem>>, vector<16xf32>,
      %add3A_381 = arith.constant 128 : i32
      %add3A_382 = arith.addi %add3A_381, %multiple_of3A_378 : i32
      %get3A_383 = arith.index_cast %add3A_382 : i32 to index
      %get3A_384 = tpu.vector_load %arg11[%get3A_383] {strides = array<i32>} : memref<2048xf32, #tpu.memory_space<vmem>>, vector<16xf32>,
      %add3A_385 = arith.addf %get3A_380, %get3A_384 : vector<16xf32>
      %add3A_386 = arith.constant 256 : i32
      %add3A_387 = arith.addi %add3A_386, %multiple_of3A_378 : i32
      %get3A_388 = arith.index_cast %add3A_387 : i32 to index
      %get3A_389 = tpu.vector_load %arg11[%get3A_388] {strides = array<i32>} : memref<2048xf32, #tpu.memory_space<vmem>>, vector<16xf32>,
      %add3A_390 = arith.addf %add3A_385, %get3A_389 : vector<16xf32>
      %add3A_391 = arith.constant 384 : i32
      %add3A_392 = arith.addi %add3A_391, %multiple_of3A_378 : i32
      %get3A_393 = arith.index_cast %add3A_392 : i32 to index
      %get3A_394 = tpu.vector_load %arg11[%get3A_393] {strides = array<i32>} : memref<2048xf32, #tpu.memory_space<vmem>>, vector<16xf32>,
      %add3A_395 = arith.addf %add3A_390, %get3A_394 : vector<16xf32>
      %add3A_396 = arith.constant 512 : i32
      %add3A_397 = arith.addi %add3A_396, %multiple_of3A_378 : i32
      %get3A_398 = arith.index_cast %add3A_397 : i32 to index
      %get3A_399 = tpu.vector_load %arg11[%get3A_398] {strides = array<i32>} : memref<2048xf32, #tpu.memory_space<vmem>>, vector<16xf32>,
      %add3A_400 = arith.addf %add3A_395, %get3A_399 : vector<16xf32>
      %add3A_401 = arith.constant 640 : i32
      %add3A_402 = arith.addi %add3A_401, %multiple_of3A_378 : i32
      %get3A_403 = arith.index_cast %add3A_402 : i32 to index
      %get3A_404 = tpu.vector_load %arg11[%get3A_403] {strides = array<i32>} : memref<2048xf32, #tpu.memory_space<vmem>>, vector<16xf32>,
      %add3A_405 = arith.addf %add3A_400, %get3A_404 : vector<16xf32>
      %add3A_406 = arith.constant 768 : i32
      %add3A_407 = arith.addi %add3A_406, %multiple_of3A_378 : i32
      %get3A_408 = arith.index_cast %add3A_407 : i32 to index
      %get3A_409 = tpu.vector_load %arg11[%get3A_408] {strides = array<i32>} : memref<2048xf32, #tpu.memory_space<vmem>>, vector<16xf32>,
      %add3A_410 = arith.addf %add3A_405, %get3A_409 : vector<16xf32>
      %add3A_411 = arith.constant 896 : i32
      %add3A_412 = arith.addi %add3A_411, %multiple_of3A_378 : i32
      %get3A_413 = arith.index_cast %add3A_412 : i32 to index
      %get3A_414 = tpu.vector_load %arg11[%get3A_413] {strides = array<i32>} : memref<2048xf32, #tpu.memory_space<vmem>>, vector<16xf32>,
      %add3A_415 = arith.addf %add3A_410, %get3A_414 : vector<16xf32>
      %add3A_416 = arith.constant 1024 : i32
      %add3A_417 = arith.addi %add3A_416, %multiple_of3A_378 : i32
      %get3A_418 = arith.index_cast %add3A_417 : i32 to index
      %get3A_419 = tpu.vector_load %arg11[%get3A_418] {strides = array<i32>} : memref<2048xf32, #tpu.memory_space<vmem>>, vector<16xf32>,
      %add3A_420 = arith.addf %add3A_415, %get3A_419 : vector<16xf32>
      %add3A_421 = arith.constant 1152 : i32
      %add3A_422 = arith.addi %add3A_421, %multiple_of3A_378 : i32
      %get3A_423 = arith.index_cast %add3A_422 : i32 to index
      %get3A_424 = tpu.vector_load %arg11[%get3A_423] {strides = array<i32>} : memref<2048xf32, #tpu.memory_space<vmem>>, vector<16xf32>,
      %add3A_425 = arith.addf %add3A_420, %get3A_424 : vector<16xf32>
      %add3A_426 = arith.constant 1280 : i32
      %add3A_427 = arith.addi %add3A_426, %multiple_of3A_378 : i32
      %get3A_428 = arith.index_cast %add3A_427 : i32 to index
      %get3A_429 = tpu.vector_load %arg11[%get3A_428] {strides = array<i32>} : memref<2048xf32, #tpu.memory_space<vmem>>, vector<16xf32>,
      %add3A_430 = arith.addf %add3A_425, %get3A_429 : vector<16xf32>
      %add3A_431 = arith.constant 1408 : i32
      %add3A_432 = arith.addi %add3A_431, %multiple_of3A_378 : i32
      %get3A_433 = arith.index_cast %add3A_432 : i32 to index
      %get3A_434 = tpu.vector_load %arg11[%get3A_433] {strides = array<i32>} : memref<2048xf32, #tpu.memory_space<vmem>>, vector<16xf32>,
      %add3A_435 = arith.addf %add3A_430, %get3A_434 : vector<16xf32>
      %add3A_436 = arith.constant 1536 : i32
      %add3A_437 = arith.addi %add3A_436, %multiple_of3A_378 : i32
      %get3A_438 = arith.index_cast %add3A_437 : i32 to index
      %get3A_439 = tpu.vector_load %arg11[%get3A_438] {strides = array<i32>} : memref<2048xf32, #tpu.memory_space<vmem>>, vector<16xf32>,
      %add3A_440 = arith.addf %add3A_435, %get3A_439 : vector<16xf32>
      %add3A_441 = arith.constant 1664 : i32
      %add3A_442 = arith.addi %add3A_441, %multiple_of3A_378 : i32
      %get3A_443 = arith.index_cast %add3A_442 : i32 to index
      %get3A_444 = tpu.vector_load %arg11[%get3A_443] {strides = array<i32>} : memref<2048xf32, #tpu.memory_space<vmem>>, vector<16xf32>,
      %add3A_445 = arith.addf %add3A_440, %get3A_444 : vector<16xf32>
      %add3A_446 = arith.constant 1792 : i32
      %add3A_447 = arith.addi %add3A_446, %multiple_of3A_378 : i32
      %get3A_448 = arith.index_cast %add3A_447 : i32 to index
      %get3A_449 = tpu.vector_load %arg11[%get3A_448] {strides = array<i32>} : memref<2048xf32, #tpu.memory_space<vmem>>, vector<16xf32>,
      %add3A_450 = arith.addf %add3A_445, %get3A_449 : vector<16xf32>
      %add3A_451 = arith.constant 1920 : i32
      %add3A_452 = arith.addi %add3A_451, %multiple_of3A_378 : i32
      %get3A_453 = arith.index_cast %add3A_452 : i32 to index
      %get3A_454 = tpu.vector_load %arg11[%get3A_453] {strides = array<i32>} : memref<2048xf32, #tpu.memory_space<vmem>>, vector<16xf32>,
      %add3A_455 = arith.addf %add3A_450, %get3A_454 : vector<16xf32>
      %neg3A_456 = arith.constant 0.000000e+00 : f32
      %neg3A_457 = vector.broadcast %neg3A_456 : f32 to vector<16xf32>
      %neg3A_458 = arith.subf %neg3A_457, %add3A_455 : vector<16xf32>
      %exp3A_459 = math.exp %neg3A_458 : vector<16xf32>
      %add3A_460 = arith.constant 1.000000e+00 : f32
      %add3A_461 = vector.broadcast %add3A_460 : f32 to vector<16xf32>
      %add3A_462 = arith.addf %add3A_461, %exp3A_459 : vector<16xf32>
      %div3A_463 = arith.constant 1.000000e+00 : f32
      %div3A_464 = vector.broadcast %div3A_463 : f32 to vector<16xf32>
      %div3A_465 = arith.divf %div3A_464, %add3A_462 : vector<16xf32>
      %add3A_466 = arith.constant 256 : i32
      %add3A_467 = arith.addi %add3A_466, %multiple_of3A_378 : i32
      %swap3A_468 = arith.index_cast %add3A_467 : i32 to index
      %swap3A_469 = tpu.vector_load %arg12[%swap3A_468] {strides = array<i32>} : memref<512xf32, #tpu.memory_space<vmem>>, vector<16xf32>,
      tpu.vector_store %arg12[%swap3A_468], %div3A_465 {strides = array<i32>} : memref<512xf32, #tpu.memory_space<vmem>>, vector<16xf32>,
    }
    %scan3A_205 = arith.constant 8 : i32
    %mul3A_206 = arith.constant 512 : i32
    %mul3A_207 = arith.muli %add3A, %mul3A_206 : i32
    %add3A_208 = arith.constant 256 : i32
    %add3A_209 = arith.addi %mul3A_207, %add3A_208 : i32
    %multiple_of3A_210 = tpu.assume_multiple %add3A_209, 128 : i32
    %dma_start3A_211 = arith.constant 256 : i32
    %dma_start3A_212 = tpu.memref_slice %arg12[%dma_start3A_211] : memref<512xf32, #tpu.memory_space<vmem>> -> memref<128xf32, #tpu.memory_space<vmem>>
    %dma_start3A_213 = tpu.memref_slice %arg6[%multiple_of3A_210] : memref<16384xf32, #tpu.memory_space<hbm>> -> memref<128xf32, #tpu.memory_space<hbm>>
    %dma_start3A_214 = tpu.memref_slice %arg6[%multiple_of3A_210] : memref<16384xf32, #tpu.memory_space<hbm>> -> memref<128xf32, #tpu.memory_space<hbm>>
    %dma_start3A_215 = arith.constant 256 : i32
    %dma_start3A_216 = tpu.memref_slice %arg12[%dma_start3A_215] : memref<512xf32, #tpu.memory_space<vmem>> -> memref<128xf32, #tpu.memory_space<vmem>>
    tpu.enqueue_dma source(%dma_start3A_216 : memref<128xf32, #tpu.memory_space<vmem>>) target(%dma_start3A_214 : memref<128xf32, #tpu.memory_space<hbm>>) target_semaphore(%arg19 : memref<!tpu.dma_semaphore, #tpu.memory_space<semaphore_mem>>)
    %dma_wait3A_217 = arith.constant 1 : i32
    %dma_wait3A_218 = arith.constant 0 : i32
    %dma_wait3A_219 = arith.constant 0 : i32
    %dma_wait3A_220 = tpu.memref_slice %arg9[%dma_wait3A_217, %dma_wait3A_218, %dma_wait3A_219] : memref<2x128x128xf32, #tpu.memory_space<vmem>> -> memref<1x128x128xf32, #tpu.memory_space<vmem>>
    %dma_wait3A_221 = tpu.memref_squeeze %dma_wait3A_220 : memref<1x128x128xf32, #tpu.memory_space<vmem>> -> memref<128x128xf32, #tpu.memory_space<vmem>>
    %dma_wait3A_222 = arith.constant 384 : i32
    %dma_wait3A_223 = tpu.memref_slice %arg7[%dma_wait3A_222] : memref<512xi32, #tpu.memory_space<vmem>> -> memref<128xi32, #tpu.memory_space<vmem>>
    %dma_wait3A_224 = arith.constant 0 : i32
    %dma_wait3A_225 = arith.constant 0 : i32
    %dma_wait3A_226 = tpu.memref_slice %arg4[%dma_wait3A_224, %dma_wait3A_225] : memref<1000000x128xf32, #tpu.memory_space<hbm>> -> memref<1000000x128xf32, #tpu.memory_space<hbm>>
    tpu.wait_indirect_dma semaphore(%arg14 : memref<!tpu.dma_semaphore, #tpu.memory_space<semaphore_mem>>) src(%dma_wait3A_226 : memref<1000000x128xf32, #tpu.memory_space<hbm>>) dst(%dma_wait3A_221 : memref<128x128xf32, #tpu.memory_space<vmem>>)
    %dma_wait3A_227 = arith.constant 1 : i32
    %dma_wait3A_228 = arith.constant 0 : i32
    %dma_wait3A_229 = arith.constant 0 : i32
    %dma_wait3A_230 = tpu.memref_slice %arg10[%dma_wait3A_227, %dma_wait3A_228, %dma_wait3A_229] : memref<2x128x128xf32, #tpu.memory_space<vmem>> -> memref<1x128x128xf32, #tpu.memory_space<vmem>>
    %dma_wait3A_231 = tpu.memref_squeeze %dma_wait3A_230 : memref<1x128x128xf32, #tpu.memory_space<vmem>> -> memref<128x128xf32, #tpu.memory_space<vmem>>
    %dma_wait3A_232 = arith.constant 384 : i32
    %dma_wait3A_233 = tpu.memref_slice %arg8[%dma_wait3A_232] : memref<512xi32, #tpu.memory_space<vmem>> -> memref<128xi32, #tpu.memory_space<vmem>>
    %dma_wait3A_234 = arith.constant 0 : i32
    %dma_wait3A_235 = arith.constant 0 : i32
    %dma_wait3A_236 = tpu.memref_slice %arg5[%dma_wait3A_234, %dma_wait3A_235] : memref<1000000x128xf32, #tpu.memory_space<hbm>> -> memref<1000000x128xf32, #tpu.memory_space<hbm>>
    tpu.wait_indirect_dma semaphore(%arg16 : memref<!tpu.dma_semaphore, #tpu.memory_space<semaphore_mem>>) src(%dma_wait3A_236 : memref<1000000x128xf32, #tpu.memory_space<hbm>>) dst(%dma_wait3A_231 : memref<128x128xf32, #tpu.memory_space<vmem>>)
    %scan3A_237 = arith.constant 0 : i32
    %scan3A_238 = arith.constant 0 : i32
    %scan3A_239 = arith.constant 128 : i32
    %scan3A_240 = arith.addi %scan3A_238, %scan3A_239 : i32
    %scan3A_241 = arith.constant 2 : i32
    scf.for %scan3A_284 = %scan3A_238 to %scan3A_240 step %scan3A_241  : i32 {
      %get3A = arith.constant 1 : i32
      %get3A_285 = arith.index_cast %get3A : i32 to index
      %get3A_286 = arith.index_cast %scan3A_284 : i32 to index
      %get3A_287 = arith.constant 0 : index
      %get3A_288 = tpu.vector_load %arg9[%get3A_285, %get3A_286, %get3A_287] {strides = array<i32>} : memref<2x128x128xf32, #tpu.memory_space<vmem>>, vector<16xf32>,
      %get3A_289 = arith.constant 1 : i32
      %get3A_290 = arith.index_cast %get3A_289 : i32 to index
      %get3A_291 = arith.index_cast %scan3A_284 : i32 to index
      %get3A_292 = arith.constant 0 : index
      %get3A_293 = tpu.vector_load %arg10[%get3A_290, %get3A_291, %get3A_292] {strides = array<i32>} : memref<2x128x128xf32, #tpu.memory_space<vmem>>, vector<16xf32>,
      %mul3A_294 = arith.mulf %get3A_288, %get3A_293 : vector<16xf32>
      %get3A_295 = arith.constant 1 : i32
      %get3A_296 = arith.index_cast %get3A_295 : i32 to index
      %get3A_297 = arith.index_cast %scan3A_284 : i32 to index
      %get3A_298 = arith.constant 16 : index
      %get3A_299 = tpu.vector_load %arg9[%get3A_296, %get3A_297, %get3A_298] {strides = array<i32>} : memref<2x128x128xf32, #tpu.memory_space<vmem>>, vector<16xf32>,
      %get3A_300 = arith.constant 1 : i32
      %get3A_301 = arith.index_cast %get3A_300 : i32 to index
      %get3A_302 = arith.index_cast %scan3A_284 : i32 to index
      %get3A_303 = arith.constant 16 : index
      %get3A_304 = tpu.vector_load %arg10[%get3A_301, %get3A_302, %get3A_303] {strides = array<i32>} : memref<2x128x128xf32, #tpu.memory_space<vmem>>, vector<16xf32>,
      %mul3A_305 = arith.mulf %get3A_299, %get3A_304 : vector<16xf32>
      %add3A_306 = arith.addf %mul3A_294, %mul3A_305 : vector<16xf32>
      %get3A_307 = arith.constant 1 : i32
      %get3A_308 = arith.index_cast %get3A_307 : i32 to index
      %get3A_309 = arith.index_cast %scan3A_284 : i32 to index
      %get3A_310 = arith.constant 32 : index
      %get3A_311 = tpu.vector_load %arg9[%get3A_308, %get3A_309, %get3A_310] {strides = array<i32>} : memref<2x128x128xf32, #tpu.memory_space<vmem>>, vector<16xf32>,
      %get3A_312 = arith.constant 1 : i32
      %get3A_313 = arith.index_cast %get3A_312 : i32 to index
      %get3A_314 = arith.index_cast %scan3A_284 : i32 to index
      %get3A_315 = arith.constant 32 : index
      %get3A_316 = tpu.vector_load %arg10[%get3A_313, %get3A_314, %get3A_315] {strides = array<i32>} : memref<2x128x128xf32, #tpu.memory_space<vmem>>, vector<16xf32>,
      %mul3A_317 = arith.mulf %get3A_311, %get3A_316 : vector<16xf32>
      %add3A_318 = arith.addf %add3A_306, %mul3A_317 : vector<16xf32>
      %get3A_319 = arith.constant 1 : i32
      %get3A_320 = arith.index_cast %get3A_319 : i32 to index
      %get3A_321 = arith.index_cast %scan3A_284 : i32 to index
      %get3A_322 = arith.constant 48 : index
      %get3A_323 = tpu.vector_load %arg9[%get3A_320, %get3A_321, %get3A_322] {strides = array<i32>} : memref<2x128x128xf32, #tpu.memory_space<vmem>>, vector<16xf32>,
      %get3A_324 = arith.constant 1 : i32
      %get3A_325 = arith.index_cast %get3A_324 : i32 to index
      %get3A_326 = arith.index_cast %scan3A_284 : i32 to index
      %get3A_327 = arith.constant 48 : index
      %get3A_328 = tpu.vector_load %arg10[%get3A_325, %get3A_326, %get3A_327] {strides = array<i32>} : memref<2x128x128xf32, #tpu.memory_space<vmem>>, vector<16xf32>,
      %mul3A_329 = arith.mulf %get3A_323, %get3A_328 : vector<16xf32>
      %add3A_330 = arith.addf %add3A_318, %mul3A_329 : vector<16xf32>
      %get3A_331 = arith.constant 1 : i32
      %get3A_332 = arith.index_cast %get3A_331 : i32 to index
      %get3A_333 = arith.index_cast %scan3A_284 : i32 to index
      %get3A_334 = arith.constant 64 : index
      %get3A_335 = tpu.vector_load %arg9[%get3A_332, %get3A_333, %get3A_334] {strides = array<i32>} : memref<2x128x128xf32, #tpu.memory_space<vmem>>, vector<16xf32>,
      %get3A_336 = arith.constant 1 : i32
      %get3A_337 = arith.index_cast %get3A_336 : i32 to index
      %get3A_338 = arith.index_cast %scan3A_284 : i32 to index
      %get3A_339 = arith.constant 64 : index
      %get3A_340 = tpu.vector_load %arg10[%get3A_337, %get3A_338, %get3A_339] {strides = array<i32>} : memref<2x128x128xf32, #tpu.memory_space<vmem>>, vector<16xf32>,
      %mul3A_341 = arith.mulf %get3A_335, %get3A_340 : vector<16xf32>
      %add3A_342 = arith.addf %add3A_330, %mul3A_341 : vector<16xf32>
      %get3A_343 = arith.constant 1 : i32
      %get3A_344 = arith.index_cast %get3A_343 : i32 to index
      %get3A_345 = arith.index_cast %scan3A_284 : i32 to index
      %get3A_346 = arith.constant 80 : index
      %get3A_347 = tpu.vector_load %arg9[%get3A_344, %get3A_345, %get3A_346] {strides = array<i32>} : memref<2x128x128xf32, #tpu.memory_space<vmem>>, vector<16xf32>,
      %get3A_348 = arith.constant 1 : i32
      %get3A_349 = arith.index_cast %get3A_348 : i32 to index
      %get3A_350 = arith.index_cast %scan3A_284 : i32 to index
      %get3A_351 = arith.constant 80 : index
      %get3A_352 = tpu.vector_load %arg10[%get3A_349, %get3A_350, %get3A_351] {strides = array<i32>} : memref<2x128x128xf32, #tpu.memory_space<vmem>>, vector<16xf32>,
      %mul3A_353 = arith.mulf %get3A_347, %get3A_352 : vector<16xf32>
      %add3A_354 = arith.addf %add3A_342, %mul3A_353 : vector<16xf32>
      %get3A_355 = arith.constant 1 : i32
      %get3A_356 = arith.index_cast %get3A_355 : i32 to index
      %get3A_357 = arith.index_cast %scan3A_284 : i32 to index
      %get3A_358 = arith.constant 96 : index
      %get3A_359 = tpu.vector_load %arg9[%get3A_356, %get3A_357, %get3A_358] {strides = array<i32>} : memref<2x128x128xf32, #tpu.memory_space<vmem>>, vector<16xf32>,
      %get3A_360 = arith.constant 1 : i32
      %get3A_361 = arith.index_cast %get3A_360 : i32 to index
      %get3A_362 = arith.index_cast %scan3A_284 : i32 to index
      %get3A_363 = arith.constant 96 : index
      %get3A_364 = tpu.vector_load %arg10[%get3A_361, %get3A_362, %get3A_363] {strides = array<i32>} : memref<2x128x128xf32, #tpu.memory_space<vmem>>, vector<16xf32>,
      %mul3A_365 = arith.mulf %get3A_359, %get3A_364 : vector<16xf32>
      %add3A_366 = arith.addf %add3A_354, %mul3A_365 : vector<16xf32>
      %get3A_367 = arith.constant 1 : i32
      %get3A_368 = arith.index_cast %get3A_367 : i32 to index
      %get3A_369 = arith.index_cast %scan3A_284 : i32 to index
      %get3A_370 = arith.constant 112 : index
      %get3A_371 = tpu.vector_load %arg9[%get3A_368, %get3A_369, %get3A_370] {strides = array<i32>} : memref<2x128x128xf32, #tpu.memory_space<vmem>>, vector<16xf32>,
      %get3A_372 = arith.constant 1 : i32
      %get3A_373 = arith.index_cast %get3A_372 : i32 to index
      %get3A_374 = arith.index_cast %scan3A_284 : i32 to index
      %get3A_375 = arith.constant 112 : index
      %get3A_376 = tpu.vector_load %arg10[%get3A_373, %get3A_374, %get3A_375] {strides = array<i32>} : memref<2x128x128xf32, #tpu.memory_space<vmem>>, vector<16xf32>,
      %mul3A_377 = arith.mulf %get3A_371, %get3A_376 : vector<16xf32>
      %add3A_378 = arith.addf %add3A_366, %mul3A_377 : vector<16xf32>
      %mul3A_379 = arith.constant 128 : i32
      %mul3A_380 = vector.broadcast %mul3A_379 : i32 to vector<16xi32>
      %mul3A_381 = arith.muli %iota3A, %mul3A_380 : vector<16xi32>
      %add3A_382 = vector.broadcast %scan3A_284 : i32 to vector<16xi32>
      %add3A_383 = arith.addi %mul3A_381, %add3A_382 : vector<16xi32>
      tpu.vector_store_idx %arg11[%add3A_383], %add3A_378 : memref<2048xf32, #tpu.memory_space<vmem>>[vector<16xi32>], vector<16xf32>,
      %scan3A_384 = arith.constant 1 : i32
      %scan3A_385 = arith.addi %scan3A_284, %scan3A_384 : i32
      %get3A_386 = arith.constant 1 : i32
      %get3A_387 = arith.index_cast %get3A_386 : i32 to index
      %get3A_388 = arith.index_cast %scan3A_385 : i32 to index
      %get3A_389 = arith.constant 0 : index
      %get3A_390 = tpu.vector_load %arg9[%get3A_387, %get3A_388, %get3A_389] {strides = array<i32>} : memref<2x128x128xf32, #tpu.memory_space<vmem>>, vector<16xf32>,
      %get3A_391 = arith.constant 1 : i32
      %get3A_392 = arith.index_cast %get3A_391 : i32 to index
      %get3A_393 = arith.index_cast %scan3A_385 : i32 to index
      %get3A_394 = arith.constant 0 : index
      %get3A_395 = tpu.vector_load %arg10[%get3A_392, %get3A_393, %get3A_394] {strides = array<i32>} : memref<2x128x128xf32, #tpu.memory_space<vmem>>, vector<16xf32>,
      %mul3A_396 = arith.mulf %get3A_390, %get3A_395 : vector<16xf32>
      %get3A_397 = arith.constant 1 : i32
      %get3A_398 = arith.index_cast %get3A_397 : i32 to index
      %get3A_399 = arith.index_cast %scan3A_385 : i32 to index
      %get3A_400 = arith.constant 16 : index
      %get3A_401 = tpu.vector_load %arg9[%get3A_398, %get3A_399, %get3A_400] {strides = array<i32>} : memref<2x128x128xf32, #tpu.memory_space<vmem>>, vector<16xf32>,
      %get3A_402 = arith.constant 1 : i32
      %get3A_403 = arith.index_cast %get3A_402 : i32 to index
      %get3A_404 = arith.index_cast %scan3A_385 : i32 to index
      %get3A_405 = arith.constant 16 : index
      %get3A_406 = tpu.vector_load %arg10[%get3A_403, %get3A_404, %get3A_405] {strides = array<i32>} : memref<2x128x128xf32, #tpu.memory_space<vmem>>, vector<16xf32>,
      %mul3A_407 = arith.mulf %get3A_401, %get3A_406 : vector<16xf32>
      %add3A_408 = arith.addf %mul3A_396, %mul3A_407 : vector<16xf32>
      %get3A_409 = arith.constant 1 : i32
      %get3A_410 = arith.index_cast %get3A_409 : i32 to index
      %get3A_411 = arith.index_cast %scan3A_385 : i32 to index
      %get3A_412 = arith.constant 32 : index
      %get3A_413 = tpu.vector_load %arg9[%get3A_410, %get3A_411, %get3A_412] {strides = array<i32>} : memref<2x128x128xf32, #tpu.memory_space<vmem>>, vector<16xf32>,
      %get3A_414 = arith.constant 1 : i32
      %get3A_415 = arith.index_cast %get3A_414 : i32 to index
      %get3A_416 = arith.index_cast %scan3A_385 : i32 to index
      %get3A_417 = arith.constant 32 : index
      %get3A_418 = tpu.vector_load %arg10[%get3A_415, %get3A_416, %get3A_417] {strides = array<i32>} : memref<2x128x128xf32, #tpu.memory_space<vmem>>, vector<16xf32>,
      %mul3A_419 = arith.mulf %get3A_413, %get3A_418 : vector<16xf32>
      %add3A_420 = arith.addf %add3A_408, %mul3A_419 : vector<16xf32>
      %get3A_421 = arith.constant 1 : i32
      %get3A_422 = arith.index_cast %get3A_421 : i32 to index
      %get3A_423 = arith.index_cast %scan3A_385 : i32 to index
      %get3A_424 = arith.constant 48 : index
      %get3A_425 = tpu.vector_load %arg9[%get3A_422, %get3A_423, %get3A_424] {strides = array<i32>} : memref<2x128x128xf32, #tpu.memory_space<vmem>>, vector<16xf32>,
      %get3A_426 = arith.constant 1 : i32
      %get3A_427 = arith.index_cast %get3A_426 : i32 to index
      %get3A_428 = arith.index_cast %scan3A_385 : i32 to index
      %get3A_429 = arith.constant 48 : index
      %get3A_430 = tpu.vector_load %arg10[%get3A_427, %get3A_428, %get3A_429] {strides = array<i32>} : memref<2x128x128xf32, #tpu.memory_space<vmem>>, vector<16xf32>,
      %mul3A_431 = arith.mulf %get3A_425, %get3A_430 : vector<16xf32>
      %add3A_432 = arith.addf %add3A_420, %mul3A_431 : vector<16xf32>
      %get3A_433 = arith.constant 1 : i32
      %get3A_434 = arith.index_cast %get3A_433 : i32 to index
      %get3A_435 = arith.index_cast %scan3A_385 : i32 to index
      %get3A_436 = arith.constant 64 : index
      %get3A_437 = tpu.vector_load %arg9[%get3A_434, %get3A_435, %get3A_436] {strides = array<i32>} : memref<2x128x128xf32, #tpu.memory_space<vmem>>, vector<16xf32>,
      %get3A_438 = arith.constant 1 : i32
      %get3A_439 = arith.index_cast %get3A_438 : i32 to index
      %get3A_440 = arith.index_cast %scan3A_385 : i32 to index
      %get3A_441 = arith.constant 64 : index
      %get3A_442 = tpu.vector_load %arg10[%get3A_439, %get3A_440, %get3A_441] {strides = array<i32>} : memref<2x128x128xf32, #tpu.memory_space<vmem>>, vector<16xf32>,
      %mul3A_443 = arith.mulf %get3A_437, %get3A_442 : vector<16xf32>
      %add3A_444 = arith.addf %add3A_432, %mul3A_443 : vector<16xf32>
      %get3A_445 = arith.constant 1 : i32
      %get3A_446 = arith.index_cast %get3A_445 : i32 to index
      %get3A_447 = arith.index_cast %scan3A_385 : i32 to index
      %get3A_448 = arith.constant 80 : index
      %get3A_449 = tpu.vector_load %arg9[%get3A_446, %get3A_447, %get3A_448] {strides = array<i32>} : memref<2x128x128xf32, #tpu.memory_space<vmem>>, vector<16xf32>,
      %get3A_450 = arith.constant 1 : i32
      %get3A_451 = arith.index_cast %get3A_450 : i32 to index
      %get3A_452 = arith.index_cast %scan3A_385 : i32 to index
      %get3A_453 = arith.constant 80 : index
      %get3A_454 = tpu.vector_load %arg10[%get3A_451, %get3A_452, %get3A_453] {strides = array<i32>} : memref<2x128x128xf32, #tpu.memory_space<vmem>>, vector<16xf32>,
      %mul3A_455 = arith.mulf %get3A_449, %get3A_454 : vector<16xf32>
      %add3A_456 = arith.addf %add3A_444, %mul3A_455 : vector<16xf32>
      %get3A_457 = arith.constant 1 : i32
      %get3A_458 = arith.index_cast %get3A_457 : i32 to index
      %get3A_459 = arith.index_cast %scan3A_385 : i32 to index
      %get3A_460 = arith.constant 96 : index
      %get3A_461 = tpu.vector_load %arg9[%get3A_458, %get3A_459, %get3A_460] {strides = array<i32>} : memref<2x128x128xf32, #tpu.memory_space<vmem>>, vector<16xf32>,
      %get3A_462 = arith.constant 1 : i32
      %get3A_463 = arith.index_cast %get3A_462 : i32 to index
      %get3A_464 = arith.index_cast %scan3A_385 : i32 to index
      %get3A_465 = arith.constant 96 : index
      %get3A_466 = tpu.vector_load %arg10[%get3A_463, %get3A_464, %get3A_465] {strides = array<i32>} : memref<2x128x128xf32, #tpu.memory_space<vmem>>, vector<16xf32>,
      %mul3A_467 = arith.mulf %get3A_461, %get3A_466 : vector<16xf32>
      %add3A_468 = arith.addf %add3A_456, %mul3A_467 : vector<16xf32>
      %get3A_469 = arith.constant 1 : i32
      %get3A_470 = arith.index_cast %get3A_469 : i32 to index
      %get3A_471 = arith.index_cast %scan3A_385 : i32 to index
      %get3A_472 = arith.constant 112 : index
      %get3A_473 = tpu.vector_load %arg9[%get3A_470, %get3A_471, %get3A_472] {strides = array<i32>} : memref<2x128x128xf32, #tpu.memory_space<vmem>>, vector<16xf32>,
      %get3A_474 = arith.constant 1 : i32
      %get3A_475 = arith.index_cast %get3A_474 : i32 to index
      %get3A_476 = arith.index_cast %scan3A_385 : i32 to index
      %get3A_477 = arith.constant 112 : index
      %get3A_478 = tpu.vector_load %arg10[%get3A_475, %get3A_476, %get3A_477] {strides = array<i32>} : memref<2x128x128xf32, #tpu.memory_space<vmem>>, vector<16xf32>,
      %mul3A_479 = arith.mulf %get3A_473, %get3A_478 : vector<16xf32>
      %add3A_480 = arith.addf %add3A_468, %mul3A_479 : vector<16xf32>
      %mul3A_481 = arith.constant 128 : i32
      %mul3A_482 = vector.broadcast %mul3A_481 : i32 to vector<16xi32>
      %mul3A_483 = arith.muli %iota3A, %mul3A_482 : vector<16xi32>
      %add3A_484 = vector.broadcast %scan3A_385 : i32 to vector<16xi32>
      %add3A_485 = arith.addi %mul3A_483, %add3A_484 : vector<16xi32>
      tpu.vector_store_idx %arg11[%add3A_485], %add3A_480 : memref<2048xf32, #tpu.memory_space<vmem>>[vector<16xi32>], vector<16xf32>,
    }
    %scan3A_242 = arith.constant 128 : i32
    %scan3A_243 = arith.constant 0 : i32
    %scan3A_244 = arith.constant 0 : i32
    %scan3A_245 = arith.constant 8 : i32
    %scan3A_246 = arith.addi %scan3A_244, %scan3A_245 : i32
    %scan3A_247 = arith.constant 2 : i32
    scf.for %scan3A_284 = %scan3A_244 to %scan3A_246 step %scan3A_247  : i32 {
      %mul3A_285 = arith.constant 16 : i32
      %mul3A_286 = arith.muli %scan3A_284, %mul3A_285 : i32
      %multiple_of3A_287 = tpu.assume_multiple %mul3A_286, 16 : i32
      %get3A = arith.index_cast %multiple_of3A_287 : i32 to index
      %get3A_288 = tpu.vector_load %arg11[%get3A] {strides = array<i32>} : memref<2048xf32, #tpu.memory_space<vmem>>, vector<16xf32>,
      %add3A_289 = arith.constant 128 : i32
      %add3A_290 = arith.addi %add3A_289, %multiple_of3A_287 : i32
      %get3A_291 = arith.index_cast %add3A_290 : i32 to index
      %get3A_292 = tpu.vector_load %arg11[%get3A_291] {strides = array<i32>} : memref<2048xf32, #tpu.memory_space<vmem>>, vector<16xf32>,
      %add3A_293 = arith.addf %get3A_288, %get3A_292 : vector<16xf32>
      %add3A_294 = arith.constant 256 : i32
      %add3A_295 = arith.addi %add3A_294, %multiple_of3A_287 : i32
      %get3A_296 = arith.index_cast %add3A_295 : i32 to index
      %get3A_297 = tpu.vector_load %arg11[%get3A_296] {strides = array<i32>} : memref<2048xf32, #tpu.memory_space<vmem>>, vector<16xf32>,
      %add3A_298 = arith.addf %add3A_293, %get3A_297 : vector<16xf32>
      %add3A_299 = arith.constant 384 : i32
      %add3A_300 = arith.addi %add3A_299, %multiple_of3A_287 : i32
      %get3A_301 = arith.index_cast %add3A_300 : i32 to index
      %get3A_302 = tpu.vector_load %arg11[%get3A_301] {strides = array<i32>} : memref<2048xf32, #tpu.memory_space<vmem>>, vector<16xf32>,
      %add3A_303 = arith.addf %add3A_298, %get3A_302 : vector<16xf32>
      %add3A_304 = arith.constant 512 : i32
      %add3A_305 = arith.addi %add3A_304, %multiple_of3A_287 : i32
      %get3A_306 = arith.index_cast %add3A_305 : i32 to index
      %get3A_307 = tpu.vector_load %arg11[%get3A_306] {strides = array<i32>} : memref<2048xf32, #tpu.memory_space<vmem>>, vector<16xf32>,
      %add3A_308 = arith.addf %add3A_303, %get3A_307 : vector<16xf32>
      %add3A_309 = arith.constant 640 : i32
      %add3A_310 = arith.addi %add3A_309, %multiple_of3A_287 : i32
      %get3A_311 = arith.index_cast %add3A_310 : i32 to index
      %get3A_312 = tpu.vector_load %arg11[%get3A_311] {strides = array<i32>} : memref<2048xf32, #tpu.memory_space<vmem>>, vector<16xf32>,
      %add3A_313 = arith.addf %add3A_308, %get3A_312 : vector<16xf32>
      %add3A_314 = arith.constant 768 : i32
      %add3A_315 = arith.addi %add3A_314, %multiple_of3A_287 : i32
      %get3A_316 = arith.index_cast %add3A_315 : i32 to index
      %get3A_317 = tpu.vector_load %arg11[%get3A_316] {strides = array<i32>} : memref<2048xf32, #tpu.memory_space<vmem>>, vector<16xf32>,
      %add3A_318 = arith.addf %add3A_313, %get3A_317 : vector<16xf32>
      %add3A_319 = arith.constant 896 : i32
      %add3A_320 = arith.addi %add3A_319, %multiple_of3A_287 : i32
      %get3A_321 = arith.index_cast %add3A_320 : i32 to index
      %get3A_322 = tpu.vector_load %arg11[%get3A_321] {strides = array<i32>} : memref<2048xf32, #tpu.memory_space<vmem>>, vector<16xf32>,
      %add3A_323 = arith.addf %add3A_318, %get3A_322 : vector<16xf32>
      %add3A_324 = arith.constant 1024 : i32
      %add3A_325 = arith.addi %add3A_324, %multiple_of3A_287 : i32
      %get3A_326 = arith.index_cast %add3A_325 : i32 to index
      %get3A_327 = tpu.vector_load %arg11[%get3A_326] {strides = array<i32>} : memref<2048xf32, #tpu.memory_space<vmem>>, vector<16xf32>,
      %add3A_328 = arith.addf %add3A_323, %get3A_327 : vector<16xf32>
      %add3A_329 = arith.constant 1152 : i32
      %add3A_330 = arith.addi %add3A_329, %multiple_of3A_287 : i32
      %get3A_331 = arith.index_cast %add3A_330 : i32 to index
      %get3A_332 = tpu.vector_load %arg11[%get3A_331] {strides = array<i32>} : memref<2048xf32, #tpu.memory_space<vmem>>, vector<16xf32>,
      %add3A_333 = arith.addf %add3A_328, %get3A_332 : vector<16xf32>
      %add3A_334 = arith.constant 1280 : i32
      %add3A_335 = arith.addi %add3A_334, %multiple_of3A_287 : i32
      %get3A_336 = arith.index_cast %add3A_335 : i32 to index
      %get3A_337 = tpu.vector_load %arg11[%get3A_336] {strides = array<i32>} : memref<2048xf32, #tpu.memory_space<vmem>>, vector<16xf32>,
      %add3A_338 = arith.addf %add3A_333, %get3A_337 : vector<16xf32>
      %add3A_339 = arith.constant 1408 : i32
      %add3A_340 = arith.addi %add3A_339, %multiple_of3A_287 : i32
      %get3A_341 = arith.index_cast %add3A_340 : i32 to index
      %get3A_342 = tpu.vector_load %arg11[%get3A_341] {strides = array<i32>} : memref<2048xf32, #tpu.memory_space<vmem>>, vector<16xf32>,
      %add3A_343 = arith.addf %add3A_338, %get3A_342 : vector<16xf32>
      %add3A_344 = arith.constant 1536 : i32
      %add3A_345 = arith.addi %add3A_344, %multiple_of3A_287 : i32
      %get3A_346 = arith.index_cast %add3A_345 : i32 to index
      %get3A_347 = tpu.vector_load %arg11[%get3A_346] {strides = array<i32>} : memref<2048xf32, #tpu.memory_space<vmem>>, vector<16xf32>,
      %add3A_348 = arith.addf %add3A_343, %get3A_347 : vector<16xf32>
      %add3A_349 = arith.constant 1664 : i32
      %add3A_350 = arith.addi %add3A_349, %multiple_of3A_287 : i32
      %get3A_351 = arith.index_cast %add3A_350 : i32 to index
      %get3A_352 = tpu.vector_load %arg11[%get3A_351] {strides = array<i32>} : memref<2048xf32, #tpu.memory_space<vmem>>, vector<16xf32>,
      %add3A_353 = arith.addf %add3A_348, %get3A_352 : vector<16xf32>
      %add3A_354 = arith.constant 1792 : i32
      %add3A_355 = arith.addi %add3A_354, %multiple_of3A_287 : i32
      %get3A_356 = arith.index_cast %add3A_355 : i32 to index
      %get3A_357 = tpu.vector_load %arg11[%get3A_356] {strides = array<i32>} : memref<2048xf32, #tpu.memory_space<vmem>>, vector<16xf32>,
      %add3A_358 = arith.addf %add3A_353, %get3A_357 : vector<16xf32>
      %add3A_359 = arith.constant 1920 : i32
      %add3A_360 = arith.addi %add3A_359, %multiple_of3A_287 : i32
      %get3A_361 = arith.index_cast %add3A_360 : i32 to index
      %get3A_362 = tpu.vector_load %arg11[%get3A_361] {strides = array<i32>} : memref<2048xf32, #tpu.memory_space<vmem>>, vector<16xf32>,
      %add3A_363 = arith.addf %add3A_358, %get3A_362 : vector<16xf32>
      %neg3A = arith.constant 0.000000e+00 : f32
      %neg3A_364 = vector.broadcast %neg3A : f32 to vector<16xf32>
      %neg3A_365 = arith.subf %neg3A_364, %add3A_363 : vector<16xf32>
      %exp3A = math.exp %neg3A_365 : vector<16xf32>
      %add3A_366 = arith.constant 1.000000e+00 : f32
      %add3A_367 = vector.broadcast %add3A_366 : f32 to vector<16xf32>
      %add3A_368 = arith.addf %add3A_367, %exp3A : vector<16xf32>
      %div3A = arith.constant 1.000000e+00 : f32
      %div3A_369 = vector.broadcast %div3A : f32 to vector<16xf32>
      %div3A_370 = arith.divf %div3A_369, %add3A_368 : vector<16xf32>
      %add3A_371 = arith.constant 384 : i32
      %add3A_372 = arith.addi %add3A_371, %multiple_of3A_287 : i32
      %swap3A = arith.index_cast %add3A_372 : i32 to index
      %swap3A_373 = tpu.vector_load %arg12[%swap3A] {strides = array<i32>} : memref<512xf32, #tpu.memory_space<vmem>>, vector<16xf32>,
      tpu.vector_store %arg12[%swap3A], %div3A_370 {strides = array<i32>} : memref<512xf32, #tpu.memory_space<vmem>>, vector<16xf32>,
      %scan3A_374 = arith.constant 1 : i32
      %scan3A_375 = arith.addi %scan3A_284, %scan3A_374 : i32
      %mul3A_376 = arith.constant 16 : i32
      %mul3A_377 = arith.muli %scan3A_375, %mul3A_376 : i32
      %multiple_of3A_378 = tpu.assume_multiple %mul3A_377, 16 : i32
      %get3A_379 = arith.index_cast %multiple_of3A_378 : i32 to index
      %get3A_380 = tpu.vector_load %arg11[%get3A_379] {strides = array<i32>} : memref<2048xf32, #tpu.memory_space<vmem>>, vector<16xf32>,
      %add3A_381 = arith.constant 128 : i32
      %add3A_382 = arith.addi %add3A_381, %multiple_of3A_378 : i32
      %get3A_383 = arith.index_cast %add3A_382 : i32 to index
      %get3A_384 = tpu.vector_load %arg11[%get3A_383] {strides = array<i32>} : memref<2048xf32, #tpu.memory_space<vmem>>, vector<16xf32>,
      %add3A_385 = arith.addf %get3A_380, %get3A_384 : vector<16xf32>
      %add3A_386 = arith.constant 256 : i32
      %add3A_387 = arith.addi %add3A_386, %multiple_of3A_378 : i32
      %get3A_388 = arith.index_cast %add3A_387 : i32 to index
      %get3A_389 = tpu.vector_load %arg11[%get3A_388] {strides = array<i32>} : memref<2048xf32, #tpu.memory_space<vmem>>, vector<16xf32>,
      %add3A_390 = arith.addf %add3A_385, %get3A_389 : vector<16xf32>
      %add3A_391 = arith.constant 384 : i32
      %add3A_392 = arith.addi %add3A_391, %multiple_of3A_378 : i32
      %get3A_393 = arith.index_cast %add3A_392 : i32 to index
      %get3A_394 = tpu.vector_load %arg11[%get3A_393] {strides = array<i32>} : memref<2048xf32, #tpu.memory_space<vmem>>, vector<16xf32>,
      %add3A_395 = arith.addf %add3A_390, %get3A_394 : vector<16xf32>
      %add3A_396 = arith.constant 512 : i32
      %add3A_397 = arith.addi %add3A_396, %multiple_of3A_378 : i32
      %get3A_398 = arith.index_cast %add3A_397 : i32 to index
      %get3A_399 = tpu.vector_load %arg11[%get3A_398] {strides = array<i32>} : memref<2048xf32, #tpu.memory_space<vmem>>, vector<16xf32>,
      %add3A_400 = arith.addf %add3A_395, %get3A_399 : vector<16xf32>
      %add3A_401 = arith.constant 640 : i32
      %add3A_402 = arith.addi %add3A_401, %multiple_of3A_378 : i32
      %get3A_403 = arith.index_cast %add3A_402 : i32 to index
      %get3A_404 = tpu.vector_load %arg11[%get3A_403] {strides = array<i32>} : memref<2048xf32, #tpu.memory_space<vmem>>, vector<16xf32>,
      %add3A_405 = arith.addf %add3A_400, %get3A_404 : vector<16xf32>
      %add3A_406 = arith.constant 768 : i32
      %add3A_407 = arith.addi %add3A_406, %multiple_of3A_378 : i32
      %get3A_408 = arith.index_cast %add3A_407 : i32 to index
      %get3A_409 = tpu.vector_load %arg11[%get3A_408] {strides = array<i32>} : memref<2048xf32, #tpu.memory_space<vmem>>, vector<16xf32>,
      %add3A_410 = arith.addf %add3A_405, %get3A_409 : vector<16xf32>
      %add3A_411 = arith.constant 896 : i32
      %add3A_412 = arith.addi %add3A_411, %multiple_of3A_378 : i32
      %get3A_413 = arith.index_cast %add3A_412 : i32 to index
      %get3A_414 = tpu.vector_load %arg11[%get3A_413] {strides = array<i32>} : memref<2048xf32, #tpu.memory_space<vmem>>, vector<16xf32>,
      %add3A_415 = arith.addf %add3A_410, %get3A_414 : vector<16xf32>
      %add3A_416 = arith.constant 1024 : i32
      %add3A_417 = arith.addi %add3A_416, %multiple_of3A_378 : i32
      %get3A_418 = arith.index_cast %add3A_417 : i32 to index
      %get3A_419 = tpu.vector_load %arg11[%get3A_418] {strides = array<i32>} : memref<2048xf32, #tpu.memory_space<vmem>>, vector<16xf32>,
      %add3A_420 = arith.addf %add3A_415, %get3A_419 : vector<16xf32>
      %add3A_421 = arith.constant 1152 : i32
      %add3A_422 = arith.addi %add3A_421, %multiple_of3A_378 : i32
      %get3A_423 = arith.index_cast %add3A_422 : i32 to index
      %get3A_424 = tpu.vector_load %arg11[%get3A_423] {strides = array<i32>} : memref<2048xf32, #tpu.memory_space<vmem>>, vector<16xf32>,
      %add3A_425 = arith.addf %add3A_420, %get3A_424 : vector<16xf32>
      %add3A_426 = arith.constant 1280 : i32
      %add3A_427 = arith.addi %add3A_426, %multiple_of3A_378 : i32
      %get3A_428 = arith.index_cast %add3A_427 : i32 to index
      %get3A_429 = tpu.vector_load %arg11[%get3A_428] {strides = array<i32>} : memref<2048xf32, #tpu.memory_space<vmem>>, vector<16xf32>,
      %add3A_430 = arith.addf %add3A_425, %get3A_429 : vector<16xf32>
      %add3A_431 = arith.constant 1408 : i32
      %add3A_432 = arith.addi %add3A_431, %multiple_of3A_378 : i32
      %get3A_433 = arith.index_cast %add3A_432 : i32 to index
      %get3A_434 = tpu.vector_load %arg11[%get3A_433] {strides = array<i32>} : memref<2048xf32, #tpu.memory_space<vmem>>, vector<16xf32>,
      %add3A_435 = arith.addf %add3A_430, %get3A_434 : vector<16xf32>
      %add3A_436 = arith.constant 1536 : i32
      %add3A_437 = arith.addi %add3A_436, %multiple_of3A_378 : i32
      %get3A_438 = arith.index_cast %add3A_437 : i32 to index
      %get3A_439 = tpu.vector_load %arg11[%get3A_438] {strides = array<i32>} : memref<2048xf32, #tpu.memory_space<vmem>>, vector<16xf32>,
      %add3A_440 = arith.addf %add3A_435, %get3A_439 : vector<16xf32>
      %add3A_441 = arith.constant 1664 : i32
      %add3A_442 = arith.addi %add3A_441, %multiple_of3A_378 : i32
      %get3A_443 = arith.index_cast %add3A_442 : i32 to index
      %get3A_444 = tpu.vector_load %arg11[%get3A_443] {strides = array<i32>} : memref<2048xf32, #tpu.memory_space<vmem>>, vector<16xf32>,
      %add3A_445 = arith.addf %add3A_440, %get3A_444 : vector<16xf32>
      %add3A_446 = arith.constant 1792 : i32
      %add3A_447 = arith.addi %add3A_446, %multiple_of3A_378 : i32
      %get3A_448 = arith.index_cast %add3A_447 : i32 to index
      %get3A_449 = tpu.vector_load %arg11[%get3A_448] {strides = array<i32>} : memref<2048xf32, #tpu.memory_space<vmem>>, vector<16xf32>,
      %add3A_450 = arith.addf %add3A_445, %get3A_449 : vector<16xf32>
      %add3A_451 = arith.constant 1920 : i32
      %add3A_452 = arith.addi %add3A_451, %multiple_of3A_378 : i32
      %get3A_453 = arith.index_cast %add3A_452 : i32 to index
      %get3A_454 = tpu.vector_load %arg11[%get3A_453] {strides = array<i32>} : memref<2048xf32, #tpu.memory_space<vmem>>, vector<16xf32>,
      %add3A_455 = arith.addf %add3A_450, %get3A_454 : vector<16xf32>
      %neg3A_456 = arith.constant 0.000000e+00 : f32
      %neg3A_457 = vector.broadcast %neg3A_456 : f32 to vector<16xf32>
      %neg3A_458 = arith.subf %neg3A_457, %add3A_455 : vector<16xf32>
      %exp3A_459 = math.exp %neg3A_458 : vector<16xf32>
      %add3A_460 = arith.constant 1.000000e+00 : f32
      %add3A_461 = vector.broadcast %add3A_460 : f32 to vector<16xf32>
      %add3A_462 = arith.addf %add3A_461, %exp3A_459 : vector<16xf32>
      %div3A_463 = arith.constant 1.000000e+00 : f32
      %div3A_464 = vector.broadcast %div3A_463 : f32 to vector<16xf32>
      %div3A_465 = arith.divf %div3A_464, %add3A_462 : vector<16xf32>
      %add3A_466 = arith.constant 384 : i32
      %add3A_467 = arith.addi %add3A_466, %multiple_of3A_378 : i32
      %swap3A_468 = arith.index_cast %add3A_467 : i32 to index
      %swap3A_469 = tpu.vector_load %arg12[%swap3A_468] {strides = array<i32>} : memref<512xf32, #tpu.memory_space<vmem>>, vector<16xf32>,
      tpu.vector_store %arg12[%swap3A_468], %div3A_465 {strides = array<i32>} : memref<512xf32, #tpu.memory_space<vmem>>, vector<16xf32>,
    }
    %scan3A_248 = arith.constant 8 : i32
    %mul3A_249 = arith.constant 512 : i32
    %mul3A_250 = arith.muli %add3A, %mul3A_249 : i32
    %add3A_251 = arith.constant 384 : i32
    %add3A_252 = arith.addi %mul3A_250, %add3A_251 : i32
    %multiple_of3A_253 = tpu.assume_multiple %add3A_252, 128 : i32
    %dma_start3A_254 = arith.constant 384 : i32
    %dma_start3A_255 = tpu.memref_slice %arg12[%dma_start3A_254] : memref<512xf32, #tpu.memory_space<vmem>> -> memref<128xf32, #tpu.memory_space<vmem>>
    %dma_start3A_256 = tpu.memref_slice %arg6[%multiple_of3A_253] : memref<16384xf32, #tpu.memory_space<hbm>> -> memref<128xf32, #tpu.memory_space<hbm>>
    %dma_start3A_257 = tpu.memref_slice %arg6[%multiple_of3A_253] : memref<16384xf32, #tpu.memory_space<hbm>> -> memref<128xf32, #tpu.memory_space<hbm>>
    %dma_start3A_258 = arith.constant 384 : i32
    %dma_start3A_259 = tpu.memref_slice %arg12[%dma_start3A_258] : memref<512xf32, #tpu.memory_space<vmem>> -> memref<128xf32, #tpu.memory_space<vmem>>
    tpu.enqueue_dma source(%dma_start3A_259 : memref<128xf32, #tpu.memory_space<vmem>>) target(%dma_start3A_257 : memref<128xf32, #tpu.memory_space<hbm>>) target_semaphore(%arg19 : memref<!tpu.dma_semaphore, #tpu.memory_space<semaphore_mem>>)
    %dma_wait3A_260 = arith.constant 0 : i32
    %dma_wait3A_261 = tpu.memref_slice %arg12[%dma_wait3A_260] : memref<512xf32, #tpu.memory_space<vmem>> -> memref<128xf32, #tpu.memory_space<vmem>>
    %dma_wait3A_262 = tpu.memref_slice %arg6[%multiple_of3A_84] : memref<16384xf32, #tpu.memory_space<hbm>> -> memref<128xf32, #tpu.memory_space<hbm>>
    %dma_wait3A_263 = tpu.memref_slice %arg6[%multiple_of3A_84] : memref<16384xf32, #tpu.memory_space<hbm>> -> memref<128xf32, #tpu.memory_space<hbm>>
    %dma_wait3A_264 = arith.constant 0 : i32
    %dma_wait3A_265 = tpu.memref_slice %arg12[%dma_wait3A_264] : memref<512xf32, #tpu.memory_space<vmem>> -> memref<128xf32, #tpu.memory_space<vmem>>
    tpu.wait_dma2 semaphore(%arg19 : memref<!tpu.dma_semaphore, #tpu.memory_space<semaphore_mem>>) src(%dma_wait3A_265 : memref<128xf32, #tpu.memory_space<vmem>>) dst(%dma_wait3A_263 : memref<128xf32, #tpu.memory_space<hbm>>)
    %dma_wait3A_266 = arith.constant 128 : i32
    %dma_wait3A_267 = tpu.memref_slice %arg12[%dma_wait3A_266] : memref<512xf32, #tpu.memory_space<vmem>> -> memref<128xf32, #tpu.memory_space<vmem>>
    %dma_wait3A_268 = tpu.memref_slice %arg6[%multiple_of3A_147] : memref<16384xf32, #tpu.memory_space<hbm>> -> memref<128xf32, #tpu.memory_space<hbm>>
    %dma_wait3A_269 = tpu.memref_slice %arg6[%multiple_of3A_147] : memref<16384xf32, #tpu.memory_space<hbm>> -> memref<128xf32, #tpu.memory_space<hbm>>
    %dma_wait3A_270 = arith.constant 128 : i32
    %dma_wait3A_271 = tpu.memref_slice %arg12[%dma_wait3A_270] : memref<512xf32, #tpu.memory_space<vmem>> -> memref<128xf32, #tpu.memory_space<vmem>>
    tpu.wait_dma2 semaphore(%arg19 : memref<!tpu.dma_semaphore, #tpu.memory_space<semaphore_mem>>) src(%dma_wait3A_271 : memref<128xf32, #tpu.memory_space<vmem>>) dst(%dma_wait3A_269 : memref<128xf32, #tpu.memory_space<hbm>>)
    %dma_wait3A_272 = arith.constant 256 : i32
    %dma_wait3A_273 = tpu.memref_slice %arg12[%dma_wait3A_272] : memref<512xf32, #tpu.memory_space<vmem>> -> memref<128xf32, #tpu.memory_space<vmem>>
    %dma_wait3A_274 = tpu.memref_slice %arg6[%multiple_of3A_210] : memref<16384xf32, #tpu.memory_space<hbm>> -> memref<128xf32, #tpu.memory_space<hbm>>
    %dma_wait3A_275 = tpu.memref_slice %arg6[%multiple_of3A_210] : memref<16384xf32, #tpu.memory_space<hbm>> -> memref<128xf32, #tpu.memory_space<hbm>>
    %dma_wait3A_276 = arith.constant 256 : i32
    %dma_wait3A_277 = tpu.memref_slice %arg12[%dma_wait3A_276] : memref<512xf32, #tpu.memory_space<vmem>> -> memref<128xf32, #tpu.memory_space<vmem>>
    tpu.wait_dma2 semaphore(%arg19 : memref<!tpu.dma_semaphore, #tpu.memory_space<semaphore_mem>>) src(%dma_wait3A_277 : memref<128xf32, #tpu.memory_space<vmem>>) dst(%dma_wait3A_275 : memref<128xf32, #tpu.memory_space<hbm>>)
    %dma_wait3A_278 = arith.constant 384 : i32
    %dma_wait3A_279 = tpu.memref_slice %arg12[%dma_wait3A_278] : memref<512xf32, #tpu.memory_space<vmem>> -> memref<128xf32, #tpu.memory_space<vmem>>
    %dma_wait3A_280 = tpu.memref_slice %arg6[%multiple_of3A_253] : memref<16384xf32, #tpu.memory_space<hbm>> -> memref<128xf32, #tpu.memory_space<hbm>>
    %dma_wait3A_281 = tpu.memref_slice %arg6[%multiple_of3A_253] : memref<16384xf32, #tpu.memory_space<hbm>> -> memref<128xf32, #tpu.memory_space<hbm>>
    %dma_wait3A_282 = arith.constant 384 : i32
    %dma_wait3A_283 = tpu.memref_slice %arg12[%dma_wait3A_282] : memref<512xf32, #tpu.memory_space<vmem>> -> memref<128xf32, #tpu.memory_space<vmem>>
    tpu.wait_dma2 semaphore(%arg19 : memref<!tpu.dma_semaphore, #tpu.memory_space<semaphore_mem>>) src(%dma_wait3A_283 : memref<128xf32, #tpu.memory_space<vmem>>) dst(%dma_wait3A_281 : memref<128xf32, #tpu.memory_space<hbm>>)
    return
  }
}

</mosaic_0001>

<sc_bundles>
// kernel: kernel.3.cloned.1.call-start
scs
__scs_entry_jumppad:
0x0: {  	(pc) =	sbr.rel $0x88, $3  }
0x1: {  	(tag) =	ssettag $0x0;
	lr =	simm.s32 $0x1  }
0x2: {  	[smem:$0x3F9D] =	sst lr;
	_ =	strace $0xD0000000  }
0x3: {  	_ = 	snop  }
0x4: {  	_ = 	snop  }
0x5: {  	_ = 	snop  }
0x6: {  	_ = 	snop  }
0x7: {  	_ = 	snop  }
__scs_overlays_trampoline_lowered:
0x8: {  	[smem:$0x3FAC] =	sst s0  }
0x9: {  	[smem:$0x3FAD] =	sst s1  }
0xa: {  	[smem:$0x3FAE] =	sst s2  }
0xb: {  	[smem:$0x3FAF] =	sst s3  }
0xc: {  	[smem:$0x3FB0] =	sst s4  }
0xd: {  	[smem:$0x3FB1] =	sst s5  }
0xe: {  	[smem:$0x3FB2] =	sst s6  }
0xf: {  	[smem:$0x3FB3] =	sst s7  }
0x10: {  	[smem:$0x3FB4] =	sst s8  }
0x11: {  	[smem:$0x3FB5] =	sst s9;
	s0 =	simm.s32 @!p0 $0x0  }
0x12: {  	s1 =	sld [smem:$0x3F9B];
	s0 =	simm.s32 @p0 $0x1  }
0x13: {  	[smem:$0x3FB6] =	sst s0;
	s0 =	simm.s32 @!p1 $0x0  }
0x14: {  	s2 =	sld [smem:$0x3F9A];
	s0 =	simm.s32 @p1 $0x1  }
0x15: {  	[smem:$0x3FB7] =	sst s0;
	s0 =	simm.s32 @!p2 $0x0  }
0x16: {  	s3 =	sld [smem:$0x3FDB];
	s0 =	simm.s32 @p2 $0x1  }
0x17: {  	s4 =	simm.s32 $0x1BF5;
	[smem:$0x3FB9] =	sst s0  }
0x18: {  	s0 =	sld [smem:$0x3F9C];
	_ =	swait.ge [sflag:s4], $0x0  }
0x19: {  	s7 =	sld [smem:$0x3F9D]  }
0x1a: {  	s8 =	sadd.s32 $0xFFFFE003, lr  }
0x1b: {  	s9 =	sadd.s32 $0xFFFFFEF7, lr;
	s5 =	simm.s32 $0xFFFFFFFF;
	p2 =	slt.u32 s8, $0xFFFFF086  }
0x1c: {  	p1 =	slt.u32 s9, $0xF7A;
	s5 =	simm.s32 @!p2 $0x0  }
0x1d: {  	s5 =	simm.s32 @p1 $0x1;
	p0 =	seq.s32 s7, s2  }
0x1e: {  	s7 =	smul.u32 @!p0 $0xF7A, s2;
	p2 =	seq.s32 @!p0 s5, $0x0  }
0x1f: {  	s9 =	smul.u32 $0xF7A, s1;
	s8 =	simm.s32 @!p0 $0x1BF5;
	p2 =	por !p2, p0  }
0x20: {  	[sflag:s8] =	ssyncset.s32 @!p0 $0xFFFFF086;
	s6 =	sadd.s32 @!p0 s3, s7;
	s7 =	simm.s32 @!p0 $0x108  }
0x21: {  	s3 =	sadd.s32 s3, s9;
	s6 =	sadd.s32 @!p0 $0x88, s6;
	s7 =	simm.s32 @p2 $0x1082  }
0x22: {  	[simem:s7], [sflag:s8] =	dma.local @!p0 [hbm:s6], $0xF7A  }
0x23: {  	s9 =	sor.u32 $0xD0000000, s2;
	s6 =	simm.s32 $0x108;
	_ =	swait.ge @!p0 [sflag:s8], $0x0  }
0x24: {  	s3 =	sadd.s32 $0x88, s3;
	s6 =	simm.s32 @!p1 $0x1082;
	[sflag:s4] =	ssyncset.s32 $0xFFFFF086  }
0x25: {  	[simem:s6], [sflag:s4] =	dma.local [hbm:s3], $0xF7A  }
0x26: {  	[smem:$0x3F9D] =	sst s1;
	(tag) =	ssettag s2;
	_ =	strace s9  }
0x27: {  	s1 =	sld [smem:$0x3FAD]  }
0x28: {  	s2 =	sld [smem:$0x3FAE]  }
0x29: {  	s4 =	sld [smem:$0x3FB0]  }
0x2a: {  	p0 =	seq.s32 s5, $0x0;
	s5 =	sld [smem:$0x3FB1]  }
0x2b: {  	s6 =	sld [smem:$0x3FB2]  }
0x2c: {  	s7 =	sld [smem:$0x3FB3]  }
0x2d: {  	s3 =	simm.s32 $0x108;
	s8 =	sld [smem:$0x3FB4]  }
0x2e: {  	s3 =	simm.s32 @!p0 $0x1082;
	s9 =	sld [smem:$0x3FB5]  }
0x2f: {  	lr =	sadd.s32 s0, s3;
	s0 =	sld [smem:$0x3FAC]  }
0x30: {  	s3 =	sld [smem:$0x3FAF]  }
0x31: {  	[smem:$0x3FB8] =	sst s10  }
0x32: {  	s10 =	sld [smem:$0x3FB6];
	_ =	sdelay $0x3  }
0x33: {  	p0 =	seq.s32 s10, $0x1;
	s10 =	sld [smem:$0x3FB8];
	_ =	sdelay $0x3  }
0x34: {  	[smem:$0x3FB8] =	sst s10  }
0x35: {  	s10 =	sld [smem:$0x3FB7];
	_ =	sdelay $0x3  }
0x36: {  	p1 =	seq.s32 s10, $0x1;
	s10 =	sld [smem:$0x3FB8];
	_ =	sdelay $0x3  }
0x37: {  	[smem:$0x3FB8] =	sst s10  }
0x38: {  	s10 =	sld [smem:$0x3FB9]  }
0x39: {  	_ = 	snop;
	(pc) =	sbr.ind lr, $3  }
0x3a: {  	_ = 	snop  }
0x3b: {  	_ = 	snop  }
0x3c: {  	p2 =	seq.s32 s10, $0x1;
	s10 =	sld [smem:$0x3FB8]  }
0x3d: {  	_ =	shalt  }
0x3e: {  	_ =	shalt  }
0x3f: {  	_ =	shalt  }
0x40: {  	_ =	shalt  }
0x41: {  	_ =	shalt  }
0x42: {  	_ =	shalt  }
0x43: {  	_ =	shalt  }
0x44: {  	_ =	shalt  }
0x45: {  	_ =	shalt  }
0x46: {  	_ =	shalt  }
0x47: {  	_ =	shalt  }
0x48: {  	_ =	shalt  }
0x49: {  	_ =	shalt  }
0x4a: {  	_ =	shalt  }
0x4b: {  	_ =	shalt  }
0x4c: {  	_ =	shalt  }
0x4d: {  	_ =	shalt  }
0x4e: {  	_ =	shalt  }
0x4f: {  	_ =	shalt  }
0x50: {  	_ =	shalt  }
0x51: {  	_ =	shalt  }
0x52: {  	_ =	shalt  }
0x53: {  	_ =	shalt  }
0x54: {  	_ =	shalt  }
0x55: {  	_ =	shalt  }
0x56: {  	_ =	shalt  }
0x57: {  	_ =	shalt  }
0x58: {  	_ =	shalt  }
0x59: {  	_ =	shalt  }
0x5a: {  	_ =	shalt  }
0x5b: {  	_ =	shalt  }
0x5c: {  	_ =	shalt  }
0x5d: {  	_ =	shalt  }
0x5e: {  	_ =	shalt  }
0x5f: {  	_ =	shalt  }
0x60: {  	_ =	shalt  }
0x61: {  	_ =	shalt  }
0x62: {  	_ =	shalt  }
0x63: {  	_ =	shalt  }
0x64: {  	_ =	shalt  }
0x65: {  	_ =	shalt  }
0x66: {  	_ =	shalt  }
0x67: {  	_ =	shalt  }
0x68: {  	_ =	shalt  }
0x69: {  	_ =	shalt  }
0x6a: {  	_ =	shalt  }
0x6b: {  	_ =	shalt  }
0x6c: {  	_ =	shalt  }
0x6d: {  	_ =	shalt  }
0x6e: {  	_ =	shalt  }
0x6f: {  	_ =	shalt  }
0x70: {  	_ =	shalt  }
0x71: {  	_ =	shalt  }
0x72: {  	_ =	shalt  }
0x73: {  	_ =	shalt  }
0x74: {  	_ =	shalt  }
0x75: {  	_ =	shalt  }
0x76: {  	_ =	shalt  }
0x77: {  	_ =	shalt  }
0x78: {  	_ =	shalt  }
0x79: {  	_ =	shalt  }
0x7a: {  	_ =	shalt  }
0x7b: {  	_ =	shalt  }
0x7c: {  	_ =	shalt  }
0x7d: {  	_ =	shalt  }
0x7e: {  	_ =	shalt  }
0x7f: {  	_ =	shalt  }
0x80: {  	_ =	shalt  }
0x81: {  	_ =	shalt  }
0x82: {  	_ =	shalt  }
0x83: {  	_ =	shalt  }
0x84: {  	_ =	shalt  }
0x85: {  	_ =	shalt  }
0x86: {  	_ =	shalt  }
0x87: {  	_ =	shalt  }
.Lfunc_end0:
.L_simem_size_0:
called_computation_lowered:
.L_overlay_start_0:
0x88: {  	s2 =	sld [smem:$0x3FD9]  }
0x89: {  	s3 =	sld [smem:$0x3FFE];
	_ =	sdelay $0x1  }
0x8a: {  	s1 =	srdreg.scid  }
0x8b: {  	s0 =	sand.u32 $0x1, s1  }
0x8c: {  	s18 =	sshll.u32 s0, $0xA;
	s2 =	sadd.s32 s3, s2  }
0x8d: {  	s2 =	sadd.s32 s2, s18  }
0x8e: {  	[smem:$0x3FC4] =	sst s2  }
0x8f: {  	_ = 	snop  }
0x90: {  	s2 =	sld [smem:$0x3FC9]  }
0x91: {  	s19 =	sld [smem:$0x3FC8]  }
0x92: {  	s4 =	sld [smem:$0x3FC7]  }
0x93: {  	s5 =	sld [smem:$0x3FC6]  }
0x94: {  	s6 =	sld [smem:$0x3FD0];
	(tm) =	ssettm $0x1  }
0x95: {  	s7 =	sld [smem:$0x3FFB];
	_ =	sdelay $0x3  }
0x96: {  	_ =	strace s7  }
0x97: {  	s7 =	sld [smem:$0x3FFC];
	_ =	sdelay $0x3  }
0x98: {  	_ =	strace s7  }
0x99: {  	s7 =	sld [smem:$0x3FFD];
	_ =	sdelay $0x3  }
0x9a: {  	_ =	strace s7  }
0x9b: {  	_ =	strace $0x8FFFFFFF  }
0x9c: {  	s20 =	sld [smem:$0x3FDB];
	_ =	sdelay $0x1  }
0x9d: {  	s8 =	simm.s32 $_scs_section_size  }
0x9e: {  	s9 =	simm.s32 $_size__tile_overlayer_lowered;
	s10 =	simm.s32 $_tile_overlayer_lowered  }
0x9f: {  	s23 =	simm.s32 $0x1BFF;
	s22 =	sshll.u32 s10, $0x1;
	s7 =	sadd.s32 s8, s20  }
0xa0: {  	s11 =	simm.s32 $0x0;
	s21 =	sshll.u32 s9, $0x1;
	s9 =	sadd.s32 s22, s7  }
0xa1: {  	[timem:s11], [sflag:s23] =	dma.local [hbm:s9], s21  }
0xa2: {  	_ =	swait.ge [sflag:s23], s21  }
0xa3: {  	s8 =	ssub.s32 $0x0, s21;
	[sflag:s23] =	ssyncset.done $0x0  }
0xa4: {  	[sflag:s23] =	ssyncadd.s32 s8;
	_ =	sdelay $0x1  }
0xa5: {  	s24 =	simm.s32 $0x1B8B  }
0xa6: {  	_ =	swait.ge [sflag:s24], $0x1  }
0xa7: {  	[sflag:s24] =	ssyncset.done $0x0  }
0xa8: {  	s25 =	simm.s32 $0x1B8E;
	[sflag:s24] =	ssyncadd.s32 $0xFFFFFFFF  }
0xa9: {  	s26 =	simm.s32 $execute0_lowered;
	[smem:$0x3FD2] =	sst s25  }
0xaa: {  	s8 =	sshll.u32 s26, $0x1;
	_ =	strace $0x80000046;
	[dreg:$0x1] =	wrdreg $0xFFFFFFFF  }
0xab: {  	s28 =	simm.s32 $_size_execute0_lowered;
	s7 =	sadd.s32 s7, s8;
	[dreg:$0x0] =	wrdreg $0x0  }
0xac: {  	s8 =	sshll.u32 s28, $0x1;
	[dreg:$0x2] =	wrdreg s7  }
0xad: {  	[dreg:$0x3] =	wrdreg s8  }
0xae: {  	[dreg:$0x4] =	wrdreg $0xC0  }
0xaf: {  	_ =	task [dreg:s11], $0x5FFFF  }
0xb0: {  	[dreg:$0x1] =	wrdreg $0xFFFFFFFF  }
0xb1: {  	[dreg:$0x0] =	wrdreg $0x60  }
0xb2: {  	[dreg:$0x2] =	wrdreg s2  }
0xb3: {  	[dreg:$0x3] =	wrdreg s19  }
0xb4: {  	[dreg:$0x4] =	wrdreg s4  }
0xb5: {  	[dreg:$0x5] =	wrdreg s5  }
0xb6: {  	[dreg:$0x6] =	wrdreg s6  }
0xb7: {  	[dreg:$0x7] =	wrdreg $0x9  }
0xb8: {  	_ =	task.clear_ibuf [dreg:s11], $0x8FFFF;
	_ =	strace $0x90000046  }
0xb9: {  	s29 =	simm.s32 $0x9;
	_ =	strace $0x80000048  }
0xba: {  	_ =	swait.ge [sflag:s29], $0x1  }
0xbb: {  	[sflag:s29] =	ssyncadd.s32 $0xFFFFFFFF  }
0xbc: {  	_ =	strace $0x90000048  }
0xbd: {  	_ =	sfence  }
0xbe: {  	s30 =	sld [smem:$0x0];
	_ =	sdelay $0x2  }
0xbf: {  	s31 =	sshll.u32 s1, $0xD;
	s1 =	sshrl.u32 s1, $0x2  }
0xc0: {  	s3 =	sand.u32 $0x4000, s31;
	s1 =	sadd.s32 s1, s30  }
0xc1: {  	s0 =	sor.u32 s3, s0;
	s1 =	sshll.u32 s1, $0x11  }
0xc2: {  	s0 =	sor.u32 s1, s0  }
0xc3: {  	s0 =	sadd.s32 $0x8F2B, s0  }
0xc4: {  	[sflag:s0] =	ssyncadd.remote.s32 $0x1  }
0xc5: {  	_ =	sfence.sel $0xFFFF  }
0xc6: {  	[dreg:$0x0] =	wrdreg $0xFFFFFFFF;
	(pc) =	sbr.abs _section_cstart, $3  }
0xc7: {  	[dreg:$0x1] =	wrdreg $0xFFFFFFFF  }
0xc8: {  	_ =	task.clear_ibuf [dreg:s11], $0x2FFFF;
	_ =	strace $0x9FFFFFFF  }
0xc9: {  	(tm) =	ssettm $0x7FFFFFFF  }
tec
execute0_lowered:
.L_overlay_start_1:
0x0: {  	(tag) =	ssettag $0x1  }
0x1: {  	s0 =	rddreg [dreg:$0x0]  }
0x2: {  	s3 =	rddreg [dreg:$0x1]  }
0x3: {  	s1 =	rddreg [dreg:$0x2]  }
0x4: {  	s2 =	rddreg [dreg:$0x3]  }
0x5: {  	s5 =	rddreg [dreg:$0x4];
	s6 =	srdreg.scid  }
0x6: {  	s4 =	simm.s32 $0x0;
	s8 =	stileid.u32;
	s12 =	simm.s32 $0x200  }
0x7: {  	s13 =	simm.s32 $0x5;
	s14 =	simm.s32 $0x6;
	s15 =	simm.s32 $0x80  }
0x8: {  	s16 =	simm.s32 $0x400;
	s17 =	simm.s32 $0x8400;
	s18 =	simm.s32 $0x4400  }
0x9: {  	s20 =	simm.s32 $0xC400;
	s21 =	simm.s32 $0x1;
	s22 =	simm.s32 $0x3  }
0xa: {  	s23 =	simm.s32 $0x10400;
	s28 =	simm.s32 $0x2;
	s29 =	simm.s32 $0x4  }
0xb: {  	s24 =	simm.s32 $0x7;
	s25 =	simm.s32 $0x0;
	s6 =	sand.u32 $0x1, s6  }
0xc: {  	s8 =	sshll.u32 s8, $0x6;
	s7 =	ssub.s32 $0x2, s6;
	s6 =	sshll.u32 s6, $0xA  }
0xd: {  	[smem:$0x7FF] =	sst s4;
	s9 =	sshrl.u32 s7, $0x1;
	s8 =	sor.u32 s8, s6  }
0xe: {  	v0 =	vlaneseq.u32;
	_ =	strace $0x80000047;
	s11 =	ssub.s32 s7, s9;
	s5 =	sadd.s32 s5, s8  }
0xf: {  	v0 =	vmul.u32 $0x80, v0;
	s6 =	sadd.s32 s0, s8;
	s7 =	sadd.s32 s3, s8;
	s8 =	sadd.s32 $0x10, s5  }
0x10: {  	s9 =	sadd.s32 $0x20, s5;
	s10 =	sadd.s32 $0x30, s5;
	s11 =	smax.u32 s11, $0x1  }
.LBB2_1:
0x11: {  	[tilespmem:s4], [sflag:$0x5] =	stream.linear.gather [hbm4b:s6+s4], $0x200, $0x38;
	[tilespmem:$0x10E00] =	vst v63  }
0x12: {  	_ = 	snop  }
0x13: {  	[tilespmem:s12], [sflag:$0x6] =	stream.linear.gather [hbm4b:s7+s4], $0x200, $0x38;
	[tilespmem:$0x10E00] =	vst v63  }
0x14: {  	_ =	swait.ge [sflag:s13], $0x200  }
0x15: {  	[sflag:s13] =	ssyncset.done $0x0  }
0x16: {  	[sflag:s13] =	ssyncadd.s32 $0xFFFFFE00  }
0x17: {  	_ =	swait.ge [sflag:s14], $0x200  }
0x18: {  	[sflag:s14] =	ssyncset.done $0x0  }
0x19: {  	[sflag:s14] =	ssyncadd.s32 $0xFFFFFE00  }
0x1a: {  	[tilespmem:s16], [sflag:$0x1] =	stream.indirect.gather [hbm4b:s1+s15], $0x80, s4, s15, $0xb8;
	[tilespmem:$0x10E00] =	vst v63  }
0x1b: {  	_ = 	snop  }
0x1c: {  	[tilespmem:s17], [sflag:$0x3] =	stream.indirect.gather [hbm4b:s2+s15], $0x80, s12, s15, $0xb8;
	[tilespmem:$0x10E00] =	vst v63  }
0x1d: {  	_ = 	snop  }
0x1e: {  	[tilespmem:s18], [sflag:$0x2] =	stream.indirect.gather [hbm4b:s1+s15], $0x80, s15, s15, $0xb8;
	[tilespmem:$0x10E00] =	vst v63  }
0x1f: {  	s0 =	simm.s32 $0x280  }
0x20: {  	[tilespmem:s20], [sflag:$0x4] =	stream.indirect.gather [hbm4b:s2+s15], $0x80, s0, s15, $0xb8;
	[tilespmem:$0x10E00] =	vst v63  }
0x21: {  	_ =	swait.ge [sflag:s21], $0x4000  }
0x22: {  	[sflag:s21] =	ssyncset.done $0x0  }
0x23: {  	[sflag:s21] =	ssyncadd.s32 $0xFFFFC000  }
0x24: {  	_ =	swait.ge [sflag:s22], $0x4000  }
0x25: {  	[sflag:s22] =	ssyncset.done $0x0  }
0x26: {  	s0 =	simm.s32 $0x8480;
	[sflag:s22] =	ssyncadd.s32 $0xFFFFC000  }
0x27: {  	s31 =	simm.s32 $0x480;
	v1 =	vld [tilespmem:s0+$0xFFFFFF80]  }
0x28: {  	v2 =	vld [tilespmem:s31+$0xFFFFFF90]  }
0x29: {  	v3 =	vld [tilespmem:s0+$0xFFFFFF90]  }
0x2a: {  	v4 =	vld [tilespmem:s31+$0xFFFFFF80]  }
0x2b: {  	v5 =	vld [tilespmem:s0+$0xFFFFFFA0]  }
0x2c: {  	v6 =	vld [tilespmem:s31+$0xFFFFFFA0]  }
0x2d: {  	v7 =	vld [tilespmem:s0+$0xFFFFFFB0]  }
0x2e: {  	v8 =	vld [tilespmem:s31+$0xFFFFFFB0]  }
0x2f: {  	v2 =	vmul.f32 v3, v2;
	v1 =	vmul.f32 v1, v4;
	v3 =	vld [tilespmem:s0+$0xFFFFFFC0]  }
0x30: {  	v4 =	vld [tilespmem:s31+$0xFFFFFFC0]  }
0x31: {  	v1 =	vadd.f32 v2, v1;
	v2 =	vmul.f32 v5, v6;
	v5 =	vld [tilespmem:s0+$0xFFFFFFD0]  }
0x32: {  	v6 =	vld [tilespmem:s31+$0xFFFFFFD0]  }
0x33: {  	v61 =	vld [tilespmem:s31+$0xFFFFFFE0];
	v1 =	vadd.f32 v2, v1;
	v2 =	vmul.f32 v7, v8  }
0x34: {  	v7 =	vld [tilespmem:s0+$0xFFFFFFE0]  }
0x35: {  	v1 =	vadd.f32 v2, v1;
	v2 =	vmul.f32 v3, v4;
	v3 =	vld [tilespmem:s0+$0xFFFFFFF0]  }
0x36: {  	v9 =	vmov s4;
	v4 =	vld [tilespmem:s31+$0xFFFFFFF0]  }
0x37: {  	v1 =	vadd.f32 v2, v1;
	v2 =	vmul.f32 v5, v6;
	v5 =	vand.u32 $0x7E, v9  }
0x38: {  	v5 =	vbroadcast v5, $0x0  }
0x39: {  	v1 =	vadd.f32 v2, v1;
	v2 =	vmul.f32 v7, v61  }
0x3a: {  	v5 =	vor.u32 v0, v5  }
0x3b: {  	v1 =	vadd.f32 v2, v1;
	v2 =	vmul.f32 v3, v4;
	_ =	sdelay $0x1  }
0x3c: {  	v1 =	vadd.f32 v2, v1;
	_ =	sdelay $0x1  }
0x3d: {  	[tilespmem:v5+s23+$0x0] =	vst.idx.msk $0xffff, v1  }
0x3e: {  	v1 =	vld [tilespmem:s31+$0x0]  }
0x3f: {  	v2 =	vld [tilespmem:s0+$0x0]  }
0x40: {  	v3 =	vld [tilespmem:s0+$0x10]  }
0x41: {  	v4 =	vld [tilespmem:s31+$0x10]  }
0x42: {  	v5 =	vld [tilespmem:s0+$0x20]  }
0x43: {  	v6 =	vld [tilespmem:s31+$0x20]  }
0x44: {  	v7 =	vld [tilespmem:s0+$0x30]  }
0x45: {  	v62 =	vld [tilespmem:s31+$0x30]  }
0x46: {  	v1 =	vmul.f32 v2, v1;
	v2 =	vmul.f32 v3, v4;
	v3 =	vld [tilespmem:s0+$0x40]  }
0x47: {  	v4 =	vld [tilespmem:s31+$0x40]  }
0x48: {  	v1 =	vadd.f32 v2, v1;
	v2 =	vmul.f32 v5, v6;
	_ =	sdelay $0x1  }
0x49: {  	v5 =	vld [tilespmem:s0+$0x50];
	v1 =	vadd.f32 v2, v1;
	v2 =	vmul.f32 v7, v62  }
0x4a: {  	v6 =	vld [tilespmem:s31+$0x50]  }
0x4b: {  	v63 =	vld [tilespmem:s31+$0x60];
	v1 =	vadd.f32 v2, v1;
	v2 =	vmul.f32 v3, v4  }
0x4c: {  	v7 =	vld [tilespmem:s0+$0x60]  }
0x4d: {  	v3 =	vadd.f32 v2, v1;
	v1 =	vld [tilespmem:s0+$0x70]  }
0x4e: {  	v2 =	vld [tilespmem:s31+$0x70]  }
0x4f: {  	v4 =	vmul.f32 v5, v6  }
0x50: {  	s3 =	simm.s32 $0x2  }
0x51: {  	s26 =	simm.s32 $0x10C10;
	s19 =	simm.s32 $0x1;
	s30 =	simm.s32 $0x10800;
	v3 =	vadd.f32 v4, v3;
	v4 =	vmul.f32 v7, v63  }
.LBB2_2:
0x52: {  	p0 =	slt.u32 s3, $0x7E;
	v5 =	vor.u32 s19, v0;
	s0 =	sadd.s32 $0x100, s0;
	s31 =	sadd.s32 $0x100, s31  }
0x53: {  	s19 =	smov.u32 s3;
	s3 =	sadd.s32 $0x2, s3;
	v3 =	vadd.f32 v4, v3;
	v1 =	vmul.f32 v1, v2;
	_ =	sdelay $0x1  }
0x54: {  	v1 =	vadd.f32 v1, v3;
	_ =	sdelay $0x1  }
0x55: {  	[tilespmem:v5+s23+$0x0] =	vst.idx.msk $0xffff, v1  }
0x56: {  	v1 =	vld [tilespmem:s0+$0xFFFFFF80]  }
0x57: {  	v2 =	vld [tilespmem:s31+$0xFFFFFF90]  }
0x58: {  	v3 =	vld [tilespmem:s0+$0xFFFFFF90]  }
0x59: {  	v4 =	vld [tilespmem:s31+$0xFFFFFF80]  }
0x5a: {  	v5 =	vld [tilespmem:s0+$0xFFFFFFA0]  }
0x5b: {  	v6 =	vld [tilespmem:s31+$0xFFFFFFA0]  }
0x5c: {  	v7 =	vld [tilespmem:s0+$0xFFFFFFB0]  }
0x5d: {  	v2 =	vmul.f32 v3, v2;
	v3 =	vld [tilespmem:s31+$0xFFFFFFB0]  }
0x5e: {  	v1 =	vmul.f32 v1, v4;
	v4 =	vld [tilespmem:s0+$0xFFFFFFC0]  }
0x5f: {  	v8 =	vld [tilespmem:s31+$0xFFFFFFC0]  }
0x60: {  	v1 =	vadd.f32 v2, v1;
	v2 =	vmul.f32 v5, v6;
	v5 =	vld [tilespmem:s0+$0xFFFFFFD0]  }
0x61: {  	v6 =	vld [tilespmem:s31+$0xFFFFFFD0]  }
0x62: {  	v1 =	vadd.f32 v2, v1;
	v2 =	vmul.f32 v7, v3;
	v3 =	vld [tilespmem:s0+$0xFFFFFFE0]  }
0x63: {  	v7 =	vld [tilespmem:s31+$0xFFFFFFE0]  }
0x64: {  	v1 =	vadd.f32 v2, v1;
	v2 =	vmul.f32 v4, v8;
	v4 =	vld [tilespmem:s0+$0xFFFFFFF0]  }
0x65: {  	v9 =	vmov s19;
	v8 =	vld [tilespmem:s31+$0xFFFFFFF0]  }
0x66: {  	v1 =	vadd.f32 v2, v1;
	v2 =	vmul.f32 v5, v6;
	v5 =	vand.u32 $0x7E, v9  }
0x67: {  	v5 =	vbroadcast v5, $0x0  }
0x68: {  	v1 =	vadd.f32 v2, v1;
	v2 =	vmul.f32 v3, v7  }
0x69: {  	v3 =	vor.u32 v0, v5  }
0x6a: {  	v1 =	vadd.f32 v2, v1;
	v2 =	vmul.f32 v4, v8;
	_ =	sdelay $0x1  }
0x6b: {  	v1 =	vadd.f32 v2, v1;
	_ =	sdelay $0x1  }
0x6c: {  	[tilespmem:v3+s23+$0x0] =	vst.idx.msk $0xffff, v1  }
0x6d: {  	v1 =	vld [tilespmem:s31+$0x0]  }
0x6e: {  	v2 =	vld [tilespmem:s0+$0x0]  }
0x6f: {  	v3 =	vld [tilespmem:s0+$0x10]  }
0x70: {  	v4 =	vld [tilespmem:s31+$0x10]  }
0x71: {  	v5 =	vld [tilespmem:s0+$0x20]  }
0x72: {  	v6 =	vld [tilespmem:s31+$0x20]  }
0x73: {  	v1 =	vmul.f32 v2, v1;
	v2 =	vld [tilespmem:s0+$0x30]  }
0x74: {  	v7 =	vld [tilespmem:s31+$0x30]  }
0x75: {  	v3 =	vmul.f32 v3, v4;
	v4 =	vld [tilespmem:s0+$0x40]  }
0x76: {  	v8 =	vld [tilespmem:s31+$0x40]  }
0x77: {  	v1 =	vadd.f32 v3, v1;
	v3 =	vmul.f32 v5, v6;
	v5 =	vld [tilespmem:s0+$0x50]  }
0x78: {  	v6 =	vld [tilespmem:s31+$0x50]  }
0x79: {  	v1 =	vadd.f32 v3, v1;
	v2 =	vmul.f32 v2, v7;
	v7 =	vld [tilespmem:s0+$0x60]  }
0x7a: {  	v9 =	vld [tilespmem:s31+$0x60]  }
.Ltmp0:
0x7b: {  	v3 =	vadd.f32 v2, v1;
	v4 =	vmul.f32 v4, v8;
	v1 =	vld [tilespmem:s0+$0x70];
	(pc) =	sbr.rel @p0 .LBB2_2-.Ltmp0, $3  }
0x7c: {  	v2 =	vld [tilespmem:s31+$0x70]  }
0x7d: {  	v3 =	vadd.f32 v4, v3;
	v4 =	vmul.f32 v5, v6;
	_ =	sdelay $0x1  }
0x7e: {  	s19 =	sadd.s32 $0x1, s19;
	v3 =	vadd.f32 v4, v3;
	v4 =	vmul.f32 v7, v9  }
0x7f: {  	v5 =	vor.u32 s19, v0  }
0x80: {  	v3 =	vadd.f32 v4, v3;
	v1 =	vmul.f32 v1, v2;
	_ =	sdelay $0x1  }
0x81: {  	v1 =	vadd.f32 v1, v3;
	_ =	sdelay $0x1  }
0x82: {  	[tilespmem:v5+s23+$0x0] =	vst.idx.msk $0xffff, v1  }
0x83: {  	v1 =	vld [tilespmem:s30+$0xFFFFFC00]  }
0x84: {  	v2 =	vld [tilespmem:s30+$0xFFFFFC80];
	_ =	sdelay $0x1  }
0x85: {  	v3 =	vld [tilespmem:s30+$0xFFFFFD00];
	_ =	sdelay $0x1  }
0x86: {  	v54 =	vld [tilespmem:s30+$0xFFFFFD80]  }
0x87: {  	v1 =	vadd.f32 v2, v1  }
0x88: {  	v2 =	vld [tilespmem:s30+$0xFFFFFE00]  }
0x89: {  	v1 =	vadd.f32 v3, v1  }
0x8a: {  	v3 =	vld [tilespmem:s30+$0xFFFFFE80]  }
0x8b: {  	v1 =	vadd.f32 v54, v1  }
0x8c: {  	v55 =	vld [tilespmem:s30+$0xFFFFFF00]  }
0x8d: {  	v1 =	vadd.f32 v2, v1  }
0x8e: {  	v2 =	vld [tilespmem:s30+$0xFFFFFF80]  }
0x8f: {  	v1 =	vadd.f32 v3, v1  }
0x90: {  	v3 =	vld [tilespmem:s30+$0x0]  }
0x91: {  	v1 =	vadd.f32 v55, v1  }
0x92: {  	v56 =	vld [tilespmem:s30+$0x80]  }
0x93: {  	v1 =	vadd.f32 v2, v1  }
0x94: {  	v2 =	vld [tilespmem:s30+$0x100]  }
0x95: {  	v1 =	vadd.f32 v3, v1  }
0x96: {  	v3 =	vld [tilespmem:s30+$0x180]  }
0x97: {  	v1 =	vadd.f32 v56, v1  }
0x98: {  	v57 =	vld [tilespmem:s30+$0x200]  }
0x99: {  	v1 =	vadd.f32 v2, v1  }
0x9a: {  	v2 =	vld [tilespmem:s30+$0x280]  }
0x9b: {  	v1 =	vadd.f32 v3, v1  }
0x9c: {  	v3 =	vld [tilespmem:s30+$0x300]  }
0x9d: {  	v1 =	vadd.f32 v57, v1  }
0x9e: {  	v58 =	vld [tilespmem:s30+$0x380]  }
0x9f: {  	v1 =	vadd.f32 v2, v1;
	_ =	sdelay $0x1  }
0xa0: {  	v1 =	vadd.f32 v3, v1;
	_ =	sdelay $0x1  }
0xa1: {  	v1 =	vadd.f32 v58, v1;
	_ =	sdelay $0x1  }
0xa2: {  	v1 =	vsub.f32 $0.0e+00, v1;
	_ =	sdelay $0x1  }
0xa3: {  	v1 =	vmul.f32 $1.442695020e+00, v1;
	_ =	sdelay $0x1  }
0xa4: {  	(erf) = vpow2.f32 v1;
	_ =	sdelay $0x8  }
0xa5: {  	v1 =	vpop (erf)  }
0xa6: {  	v1 =	vadd.f32 $1.000000000e+00, v1;
	_ =	sdelay $0x1  }
0xa7: {  	(erf) = vrcp.f32 v1;
	_ =	sdelay $0x8  }
0xa8: {  	v1 =	vpop (erf)  }
0xa9: {  	[tilespmem:s26+$0xFFFFFFF0] =	vst v1  }
0xaa: {  	v1 =	vld [tilespmem:s30+$0xFFFFFC10]  }
0xab: {  	v2 =	vld [tilespmem:s30+$0xFFFFFC90];
	_ =	sdelay $0x1  }
0xac: {  	v3 =	vld [tilespmem:s30+$0xFFFFFD10];
	_ =	sdelay $0x1  }
0xad: {  	v59 =	vld [tilespmem:s30+$0xFFFFFD90]  }
0xae: {  	v1 =	vadd.f32 v2, v1  }
0xaf: {  	v2 =	vld [tilespmem:s30+$0xFFFFFE10]  }
0xb0: {  	v1 =	vadd.f32 v3, v1  }
0xb1: {  	v3 =	vld [tilespmem:s30+$0xFFFFFE90]  }
0xb2: {  	v1 =	vadd.f32 v59, v1  }
0xb3: {  	v60 =	vld [tilespmem:s30+$0xFFFFFF10]  }
0xb4: {  	v1 =	vadd.f32 v2, v1  }
0xb5: {  	v2 =	vld [tilespmem:s30+$0xFFFFFF90]  }
0xb6: {  	v1 =	vadd.f32 v3, v1  }
0xb7: {  	v3 =	vld [tilespmem:s30+$0x10]  }
0xb8: {  	v1 =	vadd.f32 v60, v1  }
0xb9: {  	v61 =	vld [tilespmem:s30+$0x90]  }
0xba: {  	v1 =	vadd.f32 v2, v1  }
0xbb: {  	v2 =	vld [tilespmem:s30+$0x110]  }
0xbc: {  	v1 =	vadd.f32 v3, v1  }
0xbd: {  	v3 =	vld [tilespmem:s30+$0x190]  }
0xbe: {  	v1 =	vadd.f32 v61, v1  }
0xbf: {  	v62 =	vld [tilespmem:s30+$0x210]  }
0xc0: {  	v1 =	vadd.f32 v2, v1  }
0xc1: {  	v2 =	vld [tilespmem:s30+$0x290]  }
0xc2: {  	v1 =	vadd.f32 v3, v1  }
0xc3: {  	v3 =	vld [tilespmem:s30+$0x310]  }
0xc4: {  	v1 =	vadd.f32 v62, v1  }
0xc5: {  	v63 =	vld [tilespmem:s30+$0x390]  }
0xc6: {  	v1 =	vadd.f32 v2, v1;
	_ =	sdelay $0x1  }
0xc7: {  	v1 =	vadd.f32 v3, v1;
	_ =	sdelay $0x1  }
0xc8: {  	v1 =	vadd.f32 v63, v1;
	_ =	sdelay $0x1  }
0xc9: {  	v1 =	vsub.f32 $0.0e+00, v1;
	_ =	sdelay $0x1  }
0xca: {  	v1 =	vmul.f32 $1.442695020e+00, v1;
	_ =	sdelay $0x1  }
0xcb: {  	(erf) = vpow2.f32 v1;
	_ =	sdelay $0x8  }
0xcc: {  	v1 =	vpop (erf)  }
0xcd: {  	v1 =	vadd.f32 $1.000000000e+00, v1;
	_ =	sdelay $0x1  }
0xce: {  	s31 =	simm.s32 $0x0;
	s0 =	simm.s32 $0x10C10;
	(erf) = vrcp.f32 v1  }
.LBB2_4:
0xcf: {  	_ =	sdelay $0x7  }
0xd0: {  	s31 =	sadd.s32 $0x2, s31;
	s30 =	sadd.s32 $0x20, s30;
	s26 =	sadd.s32 $0x20, s26;
	v1 =	vpop (erf)  }
0xd1: {  	p0 =	slt.u32 s31, $0x6;
	[tilespmem:s0+$0x0] =	vst v1;
	s0 =	smov.u32 s26  }
0xd2: {  	v1 =	vld [tilespmem:s30+$0xFFFFFC00]  }
0xd3: {  	v2 =	vld [tilespmem:s30+$0xFFFFFC80];
	_ =	sdelay $0x1  }
0xd4: {  	v3 =	vld [tilespmem:s30+$0xFFFFFD00];
	_ =	sdelay $0x1  }
0xd5: {  	v4 =	vld [tilespmem:s30+$0xFFFFFD80]  }
0xd6: {  	v1 =	vadd.f32 v2, v1  }
0xd7: {  	v2 =	vld [tilespmem:s30+$0xFFFFFE00]  }
0xd8: {  	v1 =	vadd.f32 v3, v1  }
0xd9: {  	v3 =	vld [tilespmem:s30+$0xFFFFFE80]  }
0xda: {  	v1 =	vadd.f32 v4, v1  }
0xdb: {  	v4 =	vld [tilespmem:s30+$0xFFFFFF00]  }
0xdc: {  	v1 =	vadd.f32 v2, v1  }
0xdd: {  	v2 =	vld [tilespmem:s30+$0xFFFFFF80]  }
0xde: {  	v1 =	vadd.f32 v3, v1  }
0xdf: {  	v3 =	vld [tilespmem:s30+$0x0]  }
0xe0: {  	v1 =	vadd.f32 v4, v1  }
0xe1: {  	v4 =	vld [tilespmem:s30+$0x80]  }
0xe2: {  	v1 =	vadd.f32 v2, v1  }
0xe3: {  	v2 =	vld [tilespmem:s30+$0x100]  }
0xe4: {  	v1 =	vadd.f32 v3, v1  }
0xe5: {  	v3 =	vld [tilespmem:s30+$0x180]  }
0xe6: {  	v1 =	vadd.f32 v4, v1  }
0xe7: {  	v4 =	vld [tilespmem:s30+$0x200]  }
0xe8: {  	v1 =	vadd.f32 v2, v1  }
0xe9: {  	v2 =	vld [tilespmem:s30+$0x280]  }
0xea: {  	v1 =	vadd.f32 v3, v1  }
0xeb: {  	v3 =	vld [tilespmem:s30+$0x300]  }
0xec: {  	v1 =	vadd.f32 v4, v1  }
0xed: {  	v4 =	vld [tilespmem:s30+$0x380]  }
0xee: {  	v1 =	vadd.f32 v2, v1;
	_ =	sdelay $0x1  }
0xef: {  	v1 =	vadd.f32 v3, v1;
	_ =	sdelay $0x1  }
0xf0: {  	v1 =	vadd.f32 v4, v1;
	_ =	sdelay $0x1  }
0xf1: {  	v1 =	vsub.f32 $0.0e+00, v1;
	_ =	sdelay $0x1  }
0xf2: {  	v1 =	vmul.f32 $1.442695020e+00, v1;
	_ =	sdelay $0x1  }
0xf3: {  	(erf) = vpow2.f32 v1;
	_ =	sdelay $0x8  }
0xf4: {  	v1 =	vpop (erf)  }
0xf5: {  	v1 =	vadd.f32 $1.000000000e+00, v1;
	_ =	sdelay $0x1  }
0xf6: {  	(erf) = vrcp.f32 v1;
	_ =	sdelay $0x8  }
0xf7: {  	v1 =	vpop (erf)  }
0xf8: {  	[tilespmem:s26+$0xFFFFFFF0] =	vst v1  }
0xf9: {  	v1 =	vld [tilespmem:s30+$0xFFFFFC10]  }
0xfa: {  	v2 =	vld [tilespmem:s30+$0xFFFFFC90]  }
0xfb: {  	v3 =	vld [tilespmem:s30+$0xFFFFFD10];
	_ =	sdelay $0x1  }
0xfc: {  	v4 =	vld [tilespmem:s30+$0xFFFFFD90];
	_ =	sdelay $0x1  }
0xfd: {  	v1 =	vadd.f32 v2, v1;
	v2 =	vld [tilespmem:s30+$0xFFFFFE10];
	_ =	sdelay $0x1  }
0xfe: {  	v1 =	vadd.f32 v3, v1;
	v3 =	vld [tilespmem:s30+$0xFFFFFE90];
	_ =	sdelay $0x1  }
0xff: {  	v1 =	vadd.f32 v4, v1;
	v4 =	vld [tilespmem:s30+$0xFFFFFF10];
	_ =	sdelay $0x1  }
0x100: {  	v1 =	vadd.f32 v2, v1;
	v2 =	vld [tilespmem:s30+$0xFFFFFF90];
	_ =	sdelay $0x1  }
0x101: {  	v1 =	vadd.f32 v3, v1;
	v3 =	vld [tilespmem:s30+$0x10];
	_ =	sdelay $0x1  }
0x102: {  	v1 =	vadd.f32 v4, v1;
	v4 =	vld [tilespmem:s30+$0x90];
	_ =	sdelay $0x1  }
0x103: {  	v1 =	vadd.f32 v2, v1;
	v2 =	vld [tilespmem:s30+$0x110];
	_ =	sdelay $0x1  }
0x104: {  	v1 =	vadd.f32 v3, v1;
	v3 =	vld [tilespmem:s30+$0x190];
	_ =	sdelay $0x1  }
0x105: {  	v1 =	vadd.f32 v4, v1;
	v4 =	vld [tilespmem:s30+$0x210];
	_ =	sdelay $0x1  }
0x106: {  	v1 =	vadd.f32 v2, v1;
	v2 =	vld [tilespmem:s30+$0x290];
	_ =	sdelay $0x1  }
0x107: {  	v1 =	vadd.f32 v3, v1;
	v3 =	vld [tilespmem:s30+$0x310];
	_ =	sdelay $0x1  }
0x108: {  	v1 =	vadd.f32 v4, v1;
	v4 =	vld [tilespmem:s30+$0x390];
	_ =	sdelay $0x1  }
0x109: {  	v1 =	vadd.f32 v2, v1;
	_ =	sdelay $0x1  }
0x10a: {  	v1 =	vadd.f32 v3, v1;
	_ =	sdelay $0x1  }
0x10b: {  	v1 =	vadd.f32 v4, v1;
	_ =	sdelay $0x1  }
0x10c: {  	v1 =	vsub.f32 $0.0e+00, v1;
	_ =	sdelay $0x1  }
0x10d: {  	v1 =	vmul.f32 $1.442695020e+00, v1;
	_ =	sdelay $0x1  }
0x10e: {  	(erf) = vpow2.f32 v1;
	_ =	sdelay $0x7  }
.Ltmp1:
0x10f: {  	(pc) =	sbr.rel @p0 .LBB2_4-.Ltmp1, $3  }
0x110: {  	v1 =	vpop (erf)  }
0x111: {  	v1 =	vadd.f32 $1.000000000e+00, v1;
	_ =	sdelay $0x1  }
0x112: {  	(erf) = vrcp.f32 v1  }
0x113: {  	_ =	sdelay $0x7  }
0x114: {  	v1 =	vpop (erf)  }
0x115: {  	s3 =	simm.s32 $0x10C00;
	[tilespmem:s0+$0x0] =	vst v1;
	s0 =	simm.s32 $0x0  }
0x116: {  	[hbm4b:s5+s0] =	stream.linear.scatter [tilespmem:s3], [sflag:$0x7], $0x80, $0x38;
	[tilespmem:$0x10E00] =	vst v63  }
0x117: {  	s26 =	simm.s32 $0x100  }
0x118: {  	[tilespmem:s16], [sflag:$0x1] =	stream.indirect.gather [hbm4b:s1+s15], $0x80, s26, s15, $0xb8;
	[tilespmem:$0x10E00] =	vst v63  }
0x119: {  	s30 =	simm.s32 $0x300  }
0x11a: {  	[tilespmem:s17], [sflag:$0x3] =	stream.indirect.gather [hbm4b:s2+s15], $0x80, s30, s15, $0xb8;
	[tilespmem:$0x10E00] =	vst v63  }
0x11b: {  	_ =	swait.ge [sflag:s28], $0x4000  }
0x11c: {  	[sflag:s28] =	ssyncset.done $0x0  }
0x11d: {  	[sflag:s28] =	ssyncadd.s32 $0xFFFFC000  }
0x11e: {  	_ =	swait.ge [sflag:s29], $0x4000  }
0x11f: {  	[sflag:s29] =	ssyncset.done $0x0  }
0x120: {  	s19 =	simm.s32 $0x0;
	[sflag:s29] =	ssyncadd.s32 $0xFFFFC000  }
0x121: {  	v1 =	vld [tilespmem:s19+$0xC410]  }
0x122: {  	v2 =	vld [tilespmem:s19+$0xC400]  }
0x123: {  	v3 =	vld [tilespmem:s19+$0x4400]  }
0x124: {  	v4 =	vld [tilespmem:s19+$0x4410]  }
0x125: {  	v5 =	vld [tilespmem:s19+$0xC420]  }
0x126: {  	v6 =	vld [tilespmem:s19+$0x4420]  }
0x127: {  	v7 =	vld [tilespmem:s19+$0xC430]  }
0x128: {  	v8 =	vld [tilespmem:s19+$0x4430]  }
0x129: {  	v2 =	vmul.f32 v2, v3;
	v1 =	vmul.f32 v1, v4;
	v3 =	vld [tilespmem:s19+$0xC440]  }
0x12a: {  	v4 =	vld [tilespmem:s19+$0x4440]  }
0x12b: {  	v1 =	vadd.f32 v1, v2;
	v2 =	vmul.f32 v5, v6;
	v5 =	vld [tilespmem:s19+$0xC450]  }
0x12c: {  	v6 =	vld [tilespmem:s19+$0x4450]  }
0x12d: {  	v1 =	vadd.f32 v2, v1;
	v2 =	vmul.f32 v7, v8;
	v7 =	vld [tilespmem:s19+$0xC460]  }
0x12e: {  	v8 =	vld [tilespmem:s19+$0x4460]  }
0x12f: {  	v1 =	vadd.f32 v2, v1;
	v2 =	vmul.f32 v3, v4;
	v3 =	vld [tilespmem:s19+$0xC470]  }
0x130: {  	v9 =	vmov s0;
	v4 =	vld [tilespmem:s19+$0x4470]  }
0x131: {  	v1 =	vadd.f32 v2, v1;
	v2 =	vmul.f32 v5, v6;
	v5 =	vand.u32 $0x7E, v9  }
0x132: {  	v5 =	vbroadcast v5, $0x0  }
0x133: {  	v1 =	vadd.f32 v2, v1;
	v2 =	vmul.f32 v7, v8  }
0x134: {  	v5 =	vor.u32 v0, v5  }
0x135: {  	v1 =	vadd.f32 v2, v1;
	v2 =	vmul.f32 v3, v4;
	_ =	sdelay $0x1  }
0x136: {  	v1 =	vadd.f32 v2, v1;
	_ =	sdelay $0x1  }
0x137: {  	[tilespmem:v5+s23+$0x0] =	vst.idx.msk $0xffff, v1  }
0x138: {  	v1 =	vld [tilespmem:s19+$0x4480]  }
0x139: {  	v2 =	vld [tilespmem:s19+$0x4490]  }
0x13a: {  	v3 =	vld [tilespmem:s19+$0xC490]  }
0x13b: {  	v4 =	vld [tilespmem:s19+$0xC480]  }
0x13c: {  	v5 =	vld [tilespmem:s19+$0x44A0]  }
0x13d: {  	v6 =	vld [tilespmem:s19+$0xC4A0]  }
0x13e: {  	v7 =	vld [tilespmem:s19+$0x44B0]  }
0x13f: {  	v8 =	vld [tilespmem:s19+$0xC4B0]  }
0x140: {  	v63 =	vld [tilespmem:s19+$0xC4C0];
	v2 =	vmul.f32 v3, v2;
	v1 =	vmul.f32 v4, v1  }
0x141: {  	v4 =	vld [tilespmem:s19+$0x44C0]  }
0x142: {  	v10 =	vld [tilespmem:s19+$0xC4D0];
	v1 =	vadd.f32 v2, v1;
	v2 =	vmul.f32 v6, v5  }
0x143: {  	v6 =	vld [tilespmem:s19+$0x44D0]  }
0x144: {  	v5 =	vmul.f32 v8, v7;
	v1 =	vadd.f32 v2, v1  }
0x145: {  	v3 =	vld [tilespmem:s19+$0xC4E0]  }
0x146: {  	v2 =	vld [tilespmem:s19+$0x44E0];
	v7 =	vmul.f32 v63, v4;
	v5 =	vadd.f32 v5, v1  }
0x147: {  	v4 =	vld [tilespmem:s19+$0xC4F0]  }
0x148: {  	s31 =	simm.s32 $0x0;
	s3 =	simm.s32 $0x2;
	s26 =	simm.s32 $0x10C90;
	v1 =	vld [tilespmem:s19+$0x44F0];
	v6 =	vmul.f32 v10, v6;
	v5 =	vadd.f32 v7, v5  }
.LBB2_6:
0x149: {  	p0 =	slt.u32 s3, $0x7E  }
0x14a: {  	s0 =	sadd.s32 $0x400, s0;
	s19 =	smov.u32 s3;
	s3 =	sadd.s32 $0x2, s3  }
0x14b: {  	s30 =	sadd.s32 $0x1, s31;
	v5 =	vadd.f32 v6, v5;
	v2 =	vmul.f32 v3, v2;
	s31 =	smov.u32 s19  }
0x14c: {  	v3 =	vor.u32 s30, v0  }
0x14d: {  	v2 =	vadd.f32 v2, v5;
	v1 =	vmul.f32 v4, v1;
	_ =	sdelay $0x1  }
0x14e: {  	v1 =	vadd.f32 v1, v2  }
0x14f: {  	s19 =	sshra.s32 s0, $0x2  }
0x150: {  	[tilespmem:v3+s23+$0x0] =	vst.idx.msk $0xffff, v1  }
0x151: {  	v1 =	vld [tilespmem:s19+$0xC410]  }
0x152: {  	v2 =	vld [tilespmem:s19+$0xC400]  }
0x153: {  	v3 =	vld [tilespmem:s19+$0x4400]  }
0x154: {  	v4 =	vld [tilespmem:s19+$0x4410]  }
0x155: {  	v5 =	vld [tilespmem:s19+$0xC420]  }
0x156: {  	v6 =	vld [tilespmem:s19+$0x4420]  }
0x157: {  	v7 =	vld [tilespmem:s19+$0xC430]  }
0x158: {  	v8 =	vld [tilespmem:s19+$0x4430]  }
0x159: {  	v2 =	vmul.f32 v2, v3;
	v1 =	vmul.f32 v1, v4;
	v3 =	vld [tilespmem:s19+$0xC440]  }
0x15a: {  	v4 =	vld [tilespmem:s19+$0x4440]  }
0x15b: {  	v1 =	vadd.f32 v1, v2;
	v2 =	vmul.f32 v5, v6;
	v5 =	vld [tilespmem:s19+$0xC450]  }
0x15c: {  	v6 =	vld [tilespmem:s19+$0x4450]  }
0x15d: {  	v1 =	vadd.f32 v2, v1;
	v2 =	vmul.f32 v7, v8;
	v7 =	vld [tilespmem:s19+$0xC460]  }
0x15e: {  	v8 =	vld [tilespmem:s19+$0x4460]  }
0x15f: {  	v1 =	vadd.f32 v2, v1;
	v2 =	vmul.f32 v3, v4;
	v3 =	vld [tilespmem:s19+$0xC470]  }
0x160: {  	v9 =	vmov s31;
	v4 =	vld [tilespmem:s19+$0x4470]  }
0x161: {  	v1 =	vadd.f32 v2, v1;
	v2 =	vmul.f32 v5, v6;
	v5 =	vand.u32 $0x7E, v9  }
0x162: {  	v5 =	vbroadcast v5, $0x0  }
0x163: {  	v1 =	vadd.f32 v2, v1;
	v2 =	vmul.f32 v7, v8  }
0x164: {  	v5 =	vor.u32 v0, v5  }
0x165: {  	v1 =	vadd.f32 v2, v1;
	v2 =	vmul.f32 v3, v4;
	_ =	sdelay $0x1  }
0x166: {  	v1 =	vadd.f32 v2, v1;
	_ =	sdelay $0x1  }
0x167: {  	[tilespmem:v5+s23+$0x0] =	vst.idx.msk $0xffff, v1  }
0x168: {  	v1 =	vld [tilespmem:s19+$0x4480]  }
0x169: {  	v2 =	vld [tilespmem:s19+$0x4490]  }
0x16a: {  	v3 =	vld [tilespmem:s19+$0xC490]  }
0x16b: {  	v4 =	vld [tilespmem:s19+$0xC480]  }
0x16c: {  	v5 =	vld [tilespmem:s19+$0x44A0]  }
0x16d: {  	v6 =	vld [tilespmem:s19+$0xC4A0]  }
0x16e: {  	v7 =	vld [tilespmem:s19+$0x44B0]  }
0x16f: {  	v2 =	vmul.f32 v3, v2;
	v3 =	vld [tilespmem:s19+$0xC4B0]  }
0x170: {  	v1 =	vmul.f32 v4, v1;
	v4 =	vld [tilespmem:s19+$0x44C0]  }
0x171: {  	v8 =	vld [tilespmem:s19+$0xC4C0]  }
0x172: {  	v1 =	vadd.f32 v2, v1;
	v2 =	vmul.f32 v6, v5;
	v6 =	vld [tilespmem:s19+$0x44D0]  }
0x173: {  	v9 =	vld [tilespmem:s19+$0xC4D0]  }
.Ltmp2:
0x174: {  	v1 =	vadd.f32 v2, v1;
	v5 =	vmul.f32 v3, v7;
	v2 =	vld [tilespmem:s19+$0x44E0];
	(pc) =	sbr.rel @p0 .LBB2_6-.Ltmp2, $4  }
0x175: {  	v3 =	vld [tilespmem:s19+$0xC4E0]  }
0x176: {  	v5 =	vadd.f32 v5, v1;
	v7 =	vmul.f32 v8, v4;
	v1 =	vld [tilespmem:s19+$0x44F0]  }
0x177: {  	v4 =	vld [tilespmem:s19+$0xC4F0]  }
0x178: {  	s30 =	simm.s32 $0x10800;
	v5 =	vadd.f32 v7, v5;
	v6 =	vmul.f32 v9, v6  }
0x179: {  	_ = 	snop  }
0x17a: {  	s0 =	sadd.s32 $0x1, s31;
	v5 =	vadd.f32 v6, v5;
	v2 =	vmul.f32 v3, v2  }
0x17b: {  	v3 =	vor.u32 s0, v0  }
0x17c: {  	v2 =	vadd.f32 v2, v5;
	v1 =	vmul.f32 v4, v1;
	_ =	sdelay $0x1  }
0x17d: {  	v1 =	vadd.f32 v1, v2;
	_ =	sdelay $0x1  }
0x17e: {  	[tilespmem:v3+s23+$0x0] =	vst.idx.msk $0xffff, v1  }
0x17f: {  	v1 =	vld [tilespmem:s30+$0xFFFFFC00]  }
0x180: {  	v2 =	vld [tilespmem:s30+$0xFFFFFC80];
	_ =	sdelay $0x1  }
0x181: {  	v3 =	vld [tilespmem:s30+$0xFFFFFD00];
	_ =	sdelay $0x1  }
0x182: {  	v54 =	vld [tilespmem:s30+$0xFFFFFD80]  }
0x183: {  	v1 =	vadd.f32 v2, v1  }
0x184: {  	v2 =	vld [tilespmem:s30+$0xFFFFFE00]  }
0x185: {  	v1 =	vadd.f32 v3, v1  }
0x186: {  	v3 =	vld [tilespmem:s30+$0xFFFFFE80]  }
0x187: {  	v1 =	vadd.f32 v54, v1  }
0x188: {  	v55 =	vld [tilespmem:s30+$0xFFFFFF00]  }
0x189: {  	v1 =	vadd.f32 v2, v1  }
0x18a: {  	v2 =	vld [tilespmem:s30+$0xFFFFFF80]  }
0x18b: {  	v1 =	vadd.f32 v3, v1  }
0x18c: {  	v3 =	vld [tilespmem:s30+$0x0]  }
0x18d: {  	v1 =	vadd.f32 v55, v1  }
0x18e: {  	v56 =	vld [tilespmem:s30+$0x80]  }
0x18f: {  	v1 =	vadd.f32 v2, v1  }
0x190: {  	v2 =	vld [tilespmem:s30+$0x100]  }
0x191: {  	v1 =	vadd.f32 v3, v1  }
0x192: {  	v3 =	vld [tilespmem:s30+$0x180]  }
0x193: {  	v1 =	vadd.f32 v56, v1  }
0x194: {  	v57 =	vld [tilespmem:s30+$0x200]  }
0x195: {  	v1 =	vadd.f32 v2, v1  }
0x196: {  	v2 =	vld [tilespmem:s30+$0x280]  }
0x197: {  	v1 =	vadd.f32 v3, v1  }
0x198: {  	v3 =	vld [tilespmem:s30+$0x300]  }
0x199: {  	v1 =	vadd.f32 v57, v1  }
0x19a: {  	v58 =	vld [tilespmem:s30+$0x380]  }
0x19b: {  	v1 =	vadd.f32 v2, v1;
	_ =	sdelay $0x1  }
0x19c: {  	v1 =	vadd.f32 v3, v1;
	_ =	sdelay $0x1  }
0x19d: {  	v1 =	vadd.f32 v58, v1;
	_ =	sdelay $0x1  }
0x19e: {  	v1 =	vsub.f32 $0.0e+00, v1;
	_ =	sdelay $0x1  }
0x19f: {  	v1 =	vmul.f32 $1.442695020e+00, v1;
	_ =	sdelay $0x1  }
0x1a0: {  	(erf) = vpow2.f32 v1;
	_ =	sdelay $0x8  }
0x1a1: {  	v1 =	vpop (erf)  }
0x1a2: {  	v1 =	vadd.f32 $1.000000000e+00, v1;
	_ =	sdelay $0x1  }
0x1a3: {  	(erf) = vrcp.f32 v1;
	_ =	sdelay $0x8  }
0x1a4: {  	v1 =	vpop (erf)  }
0x1a5: {  	[tilespmem:s26+$0xFFFFFFF0] =	vst v1  }
0x1a6: {  	v1 =	vld [tilespmem:s30+$0xFFFFFC10]  }
0x1a7: {  	v2 =	vld [tilespmem:s30+$0xFFFFFC90];
	_ =	sdelay $0x1  }
0x1a8: {  	v3 =	vld [tilespmem:s30+$0xFFFFFD10];
	_ =	sdelay $0x1  }
0x1a9: {  	v59 =	vld [tilespmem:s30+$0xFFFFFD90]  }
0x1aa: {  	v1 =	vadd.f32 v2, v1  }
0x1ab: {  	v2 =	vld [tilespmem:s30+$0xFFFFFE10]  }
0x1ac: {  	v1 =	vadd.f32 v3, v1  }
0x1ad: {  	v3 =	vld [tilespmem:s30+$0xFFFFFE90]  }
0x1ae: {  	v1 =	vadd.f32 v59, v1  }
0x1af: {  	v60 =	vld [tilespmem:s30+$0xFFFFFF10]  }
0x1b0: {  	v1 =	vadd.f32 v2, v1  }
0x1b1: {  	v2 =	vld [tilespmem:s30+$0xFFFFFF90]  }
0x1b2: {  	v1 =	vadd.f32 v3, v1  }
0x1b3: {  	v3 =	vld [tilespmem:s30+$0x10]  }
0x1b4: {  	v1 =	vadd.f32 v60, v1  }
0x1b5: {  	v61 =	vld [tilespmem:s30+$0x90]  }
0x1b6: {  	v1 =	vadd.f32 v2, v1  }
0x1b7: {  	v2 =	vld [tilespmem:s30+$0x110]  }
0x1b8: {  	v1 =	vadd.f32 v3, v1  }
0x1b9: {  	v3 =	vld [tilespmem:s30+$0x190]  }
0x1ba: {  	v1 =	vadd.f32 v61, v1  }
0x1bb: {  	v62 =	vld [tilespmem:s30+$0x210]  }
0x1bc: {  	v1 =	vadd.f32 v2, v1  }
0x1bd: {  	v2 =	vld [tilespmem:s30+$0x290]  }
0x1be: {  	v1 =	vadd.f32 v3, v1  }
0x1bf: {  	v3 =	vld [tilespmem:s30+$0x310]  }
0x1c0: {  	v1 =	vadd.f32 v62, v1  }
0x1c1: {  	v63 =	vld [tilespmem:s30+$0x390]  }
0x1c2: {  	v1 =	vadd.f32 v2, v1;
	_ =	sdelay $0x1  }
0x1c3: {  	v1 =	vadd.f32 v3, v1;
	_ =	sdelay $0x1  }
0x1c4: {  	v1 =	vadd.f32 v63, v1;
	_ =	sdelay $0x1  }
0x1c5: {  	v1 =	vsub.f32 $0.0e+00, v1;
	_ =	sdelay $0x1  }
0x1c6: {  	v1 =	vmul.f32 $1.442695020e+00, v1;
	_ =	sdelay $0x1  }
0x1c7: {  	(erf) = vpow2.f32 v1;
	_ =	sdelay $0x8  }
0x1c8: {  	v1 =	vpop (erf)  }
0x1c9: {  	v1 =	vadd.f32 $1.000000000e+00, v1;
	_ =	sdelay $0x1  }
0x1ca: {  	s31 =	simm.s32 $0x0;
	s0 =	simm.s32 $0x10C90;
	(erf) = vrcp.f32 v1  }
.LBB2_8:
0x1cb: {  	_ =	sdelay $0x7  }
0x1cc: {  	s31 =	sadd.s32 $0x2, s31;
	s26 =	sadd.s32 $0x20, s26;
	s30 =	sadd.s32 $0x20, s30;
	v1 =	vpop (erf)  }
0x1cd: {  	p0 =	slt.u32 s31, $0x6;
	[tilespmem:s0+$0x0] =	vst v1;
	s0 =	smov.u32 s26  }
0x1ce: {  	v1 =	vld [tilespmem:s30+$0xFFFFFC00]  }
0x1cf: {  	v2 =	vld [tilespmem:s30+$0xFFFFFC80];
	_ =	sdelay $0x1  }
0x1d0: {  	v3 =	vld [tilespmem:s30+$0xFFFFFD00];
	_ =	sdelay $0x1  }
0x1d1: {  	v4 =	vld [tilespmem:s30+$0xFFFFFD80]  }
0x1d2: {  	v1 =	vadd.f32 v2, v1  }
0x1d3: {  	v2 =	vld [tilespmem:s30+$0xFFFFFE00]  }
0x1d4: {  	v1 =	vadd.f32 v3, v1  }
0x1d5: {  	v3 =	vld [tilespmem:s30+$0xFFFFFE80]  }
0x1d6: {  	v1 =	vadd.f32 v4, v1  }
0x1d7: {  	v4 =	vld [tilespmem:s30+$0xFFFFFF00]  }
0x1d8: {  	v1 =	vadd.f32 v2, v1  }
0x1d9: {  	v2 =	vld [tilespmem:s30+$0xFFFFFF80]  }
0x1da: {  	v1 =	vadd.f32 v3, v1  }
0x1db: {  	v3 =	vld [tilespmem:s30+$0x0]  }
0x1dc: {  	v1 =	vadd.f32 v4, v1  }
0x1dd: {  	v4 =	vld [tilespmem:s30+$0x80]  }
0x1de: {  	v1 =	vadd.f32 v2, v1  }
0x1df: {  	v2 =	vld [tilespmem:s30+$0x100]  }
0x1e0: {  	v1 =	vadd.f32 v3, v1  }
0x1e1: {  	v3 =	vld [tilespmem:s30+$0x180]  }
0x1e2: {  	v1 =	vadd.f32 v4, v1  }
0x1e3: {  	v4 =	vld [tilespmem:s30+$0x200]  }
0x1e4: {  	v1 =	vadd.f32 v2, v1  }
0x1e5: {  	v2 =	vld [tilespmem:s30+$0x280]  }
0x1e6: {  	v1 =	vadd.f32 v3, v1  }
0x1e7: {  	v3 =	vld [tilespmem:s30+$0x300]  }
0x1e8: {  	v1 =	vadd.f32 v4, v1  }
0x1e9: {  	v4 =	vld [tilespmem:s30+$0x380]  }
0x1ea: {  	v1 =	vadd.f32 v2, v1;
	_ =	sdelay $0x1  }
0x1eb: {  	v1 =	vadd.f32 v3, v1;
	_ =	sdelay $0x1  }
0x1ec: {  	v1 =	vadd.f32 v4, v1;
	_ =	sdelay $0x1  }
0x1ed: {  	v1 =	vsub.f32 $0.0e+00, v1;
	_ =	sdelay $0x1  }
0x1ee: {  	v1 =	vmul.f32 $1.442695020e+00, v1;
	_ =	sdelay $0x1  }
0x1ef: {  	(erf) = vpow2.f32 v1;
	_ =	sdelay $0x8  }
0x1f0: {  	v1 =	vpop (erf)  }
0x1f1: {  	v1 =	vadd.f32 $1.000000000e+00, v1;
	_ =	sdelay $0x1  }
0x1f2: {  	(erf) = vrcp.f32 v1;
	_ =	sdelay $0x8  }
0x1f3: {  	v1 =	vpop (erf)  }
0x1f4: {  	[tilespmem:s26+$0xFFFFFFF0] =	vst v1  }
0x1f5: {  	v1 =	vld [tilespmem:s30+$0xFFFFFC10]  }
0x1f6: {  	v2 =	vld [tilespmem:s30+$0xFFFFFC90]  }
0x1f7: {  	v3 =	vld [tilespmem:s30+$0xFFFFFD10];
	_ =	sdelay $0x1  }
0x1f8: {  	v4 =	vld [tilespmem:s30+$0xFFFFFD90];
	_ =	sdelay $0x1  }
0x1f9: {  	v1 =	vadd.f32 v2, v1;
	v2 =	vld [tilespmem:s30+$0xFFFFFE10];
	_ =	sdelay $0x1  }
0x1fa: {  	v1 =	vadd.f32 v3, v1;
	v3 =	vld [tilespmem:s30+$0xFFFFFE90];
	_ =	sdelay $0x1  }
0x1fb: {  	v1 =	vadd.f32 v4, v1;
	v4 =	vld [tilespmem:s30+$0xFFFFFF10];
	_ =	sdelay $0x1  }
0x1fc: {  	v1 =	vadd.f32 v2, v1;
	v2 =	vld [tilespmem:s30+$0xFFFFFF90];
	_ =	sdelay $0x1  }
0x1fd: {  	v1 =	vadd.f32 v3, v1;
	v3 =	vld [tilespmem:s30+$0x10];
	_ =	sdelay $0x1  }
0x1fe: {  	v1 =	vadd.f32 v4, v1;
	v4 =	vld [tilespmem:s30+$0x90];
	_ =	sdelay $0x1  }
0x1ff: {  	v1 =	vadd.f32 v2, v1;
	v2 =	vld [tilespmem:s30+$0x110];
	_ =	sdelay $0x1  }
0x200: {  	v1 =	vadd.f32 v3, v1;
	v3 =	vld [tilespmem:s30+$0x190];
	_ =	sdelay $0x1  }
0x201: {  	v1 =	vadd.f32 v4, v1;
	v4 =	vld [tilespmem:s30+$0x210];
	_ =	sdelay $0x1  }
0x202: {  	v1 =	vadd.f32 v2, v1;
	v2 =	vld [tilespmem:s30+$0x290];
	_ =	sdelay $0x1  }
0x203: {  	v1 =	vadd.f32 v3, v1;
	v3 =	vld [tilespmem:s30+$0x310];
	_ =	sdelay $0x1  }
0x204: {  	v1 =	vadd.f32 v4, v1;
	v4 =	vld [tilespmem:s30+$0x390];
	_ =	sdelay $0x1  }
0x205: {  	v1 =	vadd.f32 v2, v1;
	_ =	sdelay $0x1  }
0x206: {  	v1 =	vadd.f32 v3, v1;
	_ =	sdelay $0x1  }
0x207: {  	v1 =	vadd.f32 v4, v1;
	_ =	sdelay $0x1  }
0x208: {  	v1 =	vsub.f32 $0.0e+00, v1;
	_ =	sdelay $0x1  }
0x209: {  	v1 =	vmul.f32 $1.442695020e+00, v1;
	_ =	sdelay $0x1  }
0x20a: {  	(erf) = vpow2.f32 v1;
	_ =	sdelay $0x7  }
.Ltmp3:
0x20b: {  	(pc) =	sbr.rel @p0 .LBB2_8-.Ltmp3, $3  }
0x20c: {  	v1 =	vpop (erf)  }
0x20d: {  	v1 =	vadd.f32 $1.000000000e+00, v1;
	_ =	sdelay $0x1  }
0x20e: {  	(erf) = vrcp.f32 v1  }
0x20f: {  	_ =	sdelay $0x7  }
0x210: {  	v1 =	vpop (erf)  }
0x211: {  	s3 =	simm.s32 $0x0;
	s19 =	simm.s32 $0x10C80;
	[tilespmem:s0+$0x0] =	vst v1  }
0x212: {  	[hbm4b:s8+s3] =	stream.linear.scatter [tilespmem:s19], [sflag:$0x7], $0x80, $0x38;
	[tilespmem:$0x10E00] =	vst v63  }
0x213: {  	s26 =	simm.s32 $0x180  }
0x214: {  	[tilespmem:s18], [sflag:$0x2] =	stream.indirect.gather [hbm4b:s1+s15], $0x80, s26, s15, $0xb8;
	[tilespmem:$0x10E00] =	vst v63  }
0x215: {  	s30 =	simm.s32 $0x380  }
0x216: {  	[tilespmem:s20], [sflag:$0x4] =	stream.indirect.gather [hbm4b:s2+s15], $0x80, s30, s15, $0xb8;
	[tilespmem:$0x10E00] =	vst v63  }
0x217: {  	_ =	swait.ge [sflag:s21], $0x4000  }
0x218: {  	[sflag:s21] =	ssyncset.done $0x0  }
0x219: {  	[sflag:s21] =	ssyncadd.s32 $0xFFFFC000  }
0x21a: {  	_ =	swait.ge [sflag:s22], $0x4000  }
0x21b: {  	[sflag:s22] =	ssyncset.done $0x0  }
0x21c: {  	s0 =	simm.s32 $0x8480;
	[sflag:s22] =	ssyncadd.s32 $0xFFFFC000  }
0x21d: {  	s31 =	simm.s32 $0x480;
	v1 =	vld [tilespmem:s0+$0xFFFFFF80]  }
0x21e: {  	v2 =	vld [tilespmem:s31+$0xFFFFFF90]  }
0x21f: {  	v3 =	vld [tilespmem:s0+$0xFFFFFF90]  }
0x220: {  	v4 =	vld [tilespmem:s31+$0xFFFFFF80]  }
0x221: {  	v5 =	vld [tilespmem:s0+$0xFFFFFFA0]  }
0x222: {  	v6 =	vld [tilespmem:s31+$0xFFFFFFA0]  }
0x223: {  	v7 =	vld [tilespmem:s0+$0xFFFFFFB0]  }
0x224: {  	v8 =	vld [tilespmem:s31+$0xFFFFFFB0]  }
0x225: {  	v2 =	vmul.f32 v3, v2;
	v1 =	vmul.f32 v1, v4;
	v3 =	vld [tilespmem:s0+$0xFFFFFFC0]  }
0x226: {  	v4 =	vld [tilespmem:s31+$0xFFFFFFC0]  }
0x227: {  	v1 =	vadd.f32 v2, v1;
	v2 =	vmul.f32 v5, v6;
	v5 =	vld [tilespmem:s0+$0xFFFFFFD0]  }
0x228: {  	v6 =	vld [tilespmem:s31+$0xFFFFFFD0]  }
0x229: {  	v61 =	vld [tilespmem:s31+$0xFFFFFFE0];
	v1 =	vadd.f32 v2, v1;
	v2 =	vmul.f32 v7, v8  }
0x22a: {  	v7 =	vld [tilespmem:s0+$0xFFFFFFE0]  }
0x22b: {  	v1 =	vadd.f32 v2, v1;
	v2 =	vmul.f32 v3, v4;
	v3 =	vld [tilespmem:s0+$0xFFFFFFF0]  }
0x22c: {  	v9 =	vmov s3;
	v4 =	vld [tilespmem:s31+$0xFFFFFFF0]  }
0x22d: {  	v1 =	vadd.f32 v2, v1;
	v2 =	vmul.f32 v5, v6;
	v5 =	vand.u32 $0x7E, v9  }
0x22e: {  	v5 =	vbroadcast v5, $0x0  }
0x22f: {  	v1 =	vadd.f32 v2, v1;
	v2 =	vmul.f32 v7, v61  }
0x230: {  	v5 =	vor.u32 v0, v5  }
0x231: {  	v1 =	vadd.f32 v2, v1;
	v2 =	vmul.f32 v3, v4;
	_ =	sdelay $0x1  }
0x232: {  	v1 =	vadd.f32 v2, v1;
	_ =	sdelay $0x1  }
0x233: {  	[tilespmem:v5+s23+$0x0] =	vst.idx.msk $0xffff, v1  }
0x234: {  	v1 =	vld [tilespmem:s31+$0x0]  }
0x235: {  	v2 =	vld [tilespmem:s0+$0x0]  }
0x236: {  	v3 =	vld [tilespmem:s0+$0x10]  }
0x237: {  	v4 =	vld [tilespmem:s31+$0x10]  }
0x238: {  	v5 =	vld [tilespmem:s0+$0x20]  }
0x239: {  	v6 =	vld [tilespmem:s31+$0x20]  }
0x23a: {  	v7 =	vld [tilespmem:s0+$0x30]  }
0x23b: {  	v62 =	vld [tilespmem:s31+$0x30]  }
0x23c: {  	v1 =	vmul.f32 v2, v1;
	v2 =	vmul.f32 v3, v4;
	v3 =	vld [tilespmem:s0+$0x40]  }
0x23d: {  	v4 =	vld [tilespmem:s31+$0x40]  }
0x23e: {  	v1 =	vadd.f32 v2, v1;
	v2 =	vmul.f32 v5, v6;
	_ =	sdelay $0x1  }
0x23f: {  	v5 =	vld [tilespmem:s0+$0x50];
	v1 =	vadd.f32 v2, v1;
	v2 =	vmul.f32 v7, v62  }
0x240: {  	v6 =	vld [tilespmem:s31+$0x50]  }
0x241: {  	v63 =	vld [tilespmem:s31+$0x60];
	v1 =	vadd.f32 v2, v1;
	v2 =	vmul.f32 v3, v4  }
0x242: {  	v7 =	vld [tilespmem:s0+$0x60]  }
0x243: {  	v3 =	vadd.f32 v2, v1;
	v1 =	vld [tilespmem:s0+$0x70]  }
0x244: {  	v2 =	vld [tilespmem:s31+$0x70]  }
0x245: {  	v4 =	vmul.f32 v5, v6;
	_ =	sdelay $0x1  }
0x246: {  	s3 =	simm.s32 $0x2;
	s19 =	simm.s32 $0x1;
	s26 =	simm.s32 $0x10D10;
	v3 =	vadd.f32 v4, v3;
	v4 =	vmul.f32 v7, v63  }
.LBB2_10:
0x247: {  	p0 =	slt.u32 s3, $0x7E;
	v5 =	vor.u32 s19, v0;
	s0 =	sadd.s32 $0x100, s0;
	s31 =	sadd.s32 $0x100, s31  }
0x248: {  	s19 =	smov.u32 s3;
	s3 =	sadd.s32 $0x2, s3;
	v3 =	vadd.f32 v4, v3;
	v1 =	vmul.f32 v1, v2;
	_ =	sdelay $0x1  }
0x249: {  	v1 =	vadd.f32 v1, v3;
	_ =	sdelay $0x1  }
0x24a: {  	[tilespmem:v5+s23+$0x0] =	vst.idx.msk $0xffff, v1  }
0x24b: {  	v1 =	vld [tilespmem:s0+$0xFFFFFF80]  }
0x24c: {  	v2 =	vld [tilespmem:s31+$0xFFFFFF90]  }
0x24d: {  	v3 =	vld [tilespmem:s0+$0xFFFFFF90]  }
0x24e: {  	v4 =	vld [tilespmem:s31+$0xFFFFFF80]  }
0x24f: {  	v5 =	vld [tilespmem:s0+$0xFFFFFFA0]  }
0x250: {  	v6 =	vld [tilespmem:s31+$0xFFFFFFA0]  }
0x251: {  	v7 =	vld [tilespmem:s0+$0xFFFFFFB0]  }
0x252: {  	v2 =	vmul.f32 v3, v2;
	v3 =	vld [tilespmem:s31+$0xFFFFFFB0]  }
0x253: {  	v1 =	vmul.f32 v1, v4;
	v4 =	vld [tilespmem:s0+$0xFFFFFFC0]  }
0x254: {  	v8 =	vld [tilespmem:s31+$0xFFFFFFC0]  }
0x255: {  	v1 =	vadd.f32 v2, v1;
	v2 =	vmul.f32 v5, v6;
	v5 =	vld [tilespmem:s0+$0xFFFFFFD0]  }
0x256: {  	v6 =	vld [tilespmem:s31+$0xFFFFFFD0]  }
0x257: {  	v1 =	vadd.f32 v2, v1;
	v2 =	vmul.f32 v7, v3;
	v3 =	vld [tilespmem:s0+$0xFFFFFFE0]  }
0x258: {  	v7 =	vld [tilespmem:s31+$0xFFFFFFE0]  }
0x259: {  	v1 =	vadd.f32 v2, v1;
	v2 =	vmul.f32 v4, v8;
	v4 =	vld [tilespmem:s0+$0xFFFFFFF0]  }
0x25a: {  	v9 =	vmov s19;
	v8 =	vld [tilespmem:s31+$0xFFFFFFF0]  }
0x25b: {  	v1 =	vadd.f32 v2, v1;
	v2 =	vmul.f32 v5, v6;
	v5 =	vand.u32 $0x7E, v9  }
0x25c: {  	v5 =	vbroadcast v5, $0x0  }
0x25d: {  	v1 =	vadd.f32 v2, v1;
	v2 =	vmul.f32 v3, v7  }
0x25e: {  	v3 =	vor.u32 v0, v5  }
0x25f: {  	v1 =	vadd.f32 v2, v1;
	v2 =	vmul.f32 v4, v8;
	_ =	sdelay $0x1  }
0x260: {  	v1 =	vadd.f32 v2, v1;
	_ =	sdelay $0x1  }
0x261: {  	[tilespmem:v3+s23+$0x0] =	vst.idx.msk $0xffff, v1  }
0x262: {  	v1 =	vld [tilespmem:s31+$0x0]  }
0x263: {  	v2 =	vld [tilespmem:s0+$0x0]  }
0x264: {  	v3 =	vld [tilespmem:s0+$0x10]  }
0x265: {  	v4 =	vld [tilespmem:s31+$0x10]  }
0x266: {  	v5 =	vld [tilespmem:s0+$0x20]  }
0x267: {  	v6 =	vld [tilespmem:s31+$0x20]  }
0x268: {  	v1 =	vmul.f32 v2, v1;
	v2 =	vld [tilespmem:s0+$0x30]  }
0x269: {  	v7 =	vld [tilespmem:s31+$0x30]  }
0x26a: {  	v3 =	vmul.f32 v3, v4;
	v4 =	vld [tilespmem:s0+$0x40]  }
0x26b: {  	v8 =	vld [tilespmem:s31+$0x40]  }
0x26c: {  	v1 =	vadd.f32 v3, v1;
	v3 =	vmul.f32 v5, v6;
	v5 =	vld [tilespmem:s0+$0x50]  }
0x26d: {  	v6 =	vld [tilespmem:s31+$0x50]  }
0x26e: {  	v1 =	vadd.f32 v3, v1;
	v2 =	vmul.f32 v2, v7;
	v7 =	vld [tilespmem:s0+$0x60]  }
0x26f: {  	v9 =	vld [tilespmem:s31+$0x60]  }
.Ltmp4:
0x270: {  	v3 =	vadd.f32 v2, v1;
	v4 =	vmul.f32 v4, v8;
	v1 =	vld [tilespmem:s0+$0x70];
	(pc) =	sbr.rel @p0 .LBB2_10-.Ltmp4, $4  }
0x271: {  	v2 =	vld [tilespmem:s31+$0x70]  }
0x272: {  	v3 =	vadd.f32 v4, v3;
	v4 =	vmul.f32 v5, v6  }
0x273: {  	s30 =	simm.s32 $0x10800  }
0x274: {  	s19 =	sadd.s32 $0x1, s19;
	v3 =	vadd.f32 v4, v3;
	v4 =	vmul.f32 v7, v9  }
0x275: {  	v5 =	vor.u32 s19, v0  }
0x276: {  	v3 =	vadd.f32 v4, v3;
	v1 =	vmul.f32 v1, v2;
	_ =	sdelay $0x1  }
0x277: {  	v1 =	vadd.f32 v1, v3;
	_ =	sdelay $0x1  }
0x278: {  	[tilespmem:v5+s23+$0x0] =	vst.idx.msk $0xffff, v1  }
0x279: {  	v1 =	vld [tilespmem:s30+$0xFFFFFC00]  }
0x27a: {  	v2 =	vld [tilespmem:s30+$0xFFFFFC80];
	_ =	sdelay $0x1  }
0x27b: {  	v3 =	vld [tilespmem:s30+$0xFFFFFD00];
	_ =	sdelay $0x1  }
0x27c: {  	v54 =	vld [tilespmem:s30+$0xFFFFFD80]  }
0x27d: {  	v1 =	vadd.f32 v2, v1  }
0x27e: {  	v2 =	vld [tilespmem:s30+$0xFFFFFE00]  }
0x27f: {  	v1 =	vadd.f32 v3, v1  }
0x280: {  	v3 =	vld [tilespmem:s30+$0xFFFFFE80]  }
0x281: {  	v1 =	vadd.f32 v54, v1  }
0x282: {  	v55 =	vld [tilespmem:s30+$0xFFFFFF00]  }
0x283: {  	v1 =	vadd.f32 v2, v1  }
0x284: {  	v2 =	vld [tilespmem:s30+$0xFFFFFF80]  }
0x285: {  	v1 =	vadd.f32 v3, v1  }
0x286: {  	v3 =	vld [tilespmem:s30+$0x0]  }
0x287: {  	v1 =	vadd.f32 v55, v1  }
0x288: {  	v56 =	vld [tilespmem:s30+$0x80]  }
0x289: {  	v1 =	vadd.f32 v2, v1  }
0x28a: {  	v2 =	vld [tilespmem:s30+$0x100]  }
0x28b: {  	v1 =	vadd.f32 v3, v1  }
0x28c: {  	v3 =	vld [tilespmem:s30+$0x180]  }
0x28d: {  	v1 =	vadd.f32 v56, v1  }
0x28e: {  	v57 =	vld [tilespmem:s30+$0x200]  }
0x28f: {  	v1 =	vadd.f32 v2, v1  }
0x290: {  	v2 =	vld [tilespmem:s30+$0x280]  }
0x291: {  	v1 =	vadd.f32 v3, v1  }
0x292: {  	v3 =	vld [tilespmem:s30+$0x300]  }
0x293: {  	v1 =	vadd.f32 v57, v1  }
0x294: {  	v58 =	vld [tilespmem:s30+$0x380]  }
0x295: {  	v1 =	vadd.f32 v2, v1;
	_ =	sdelay $0x1  }
0x296: {  	v1 =	vadd.f32 v3, v1;
	_ =	sdelay $0x1  }
0x297: {  	v1 =	vadd.f32 v58, v1;
	_ =	sdelay $0x1  }
0x298: {  	v1 =	vsub.f32 $0.0e+00, v1;
	_ =	sdelay $0x1  }
0x299: {  	v1 =	vmul.f32 $1.442695020e+00, v1;
	_ =	sdelay $0x1  }
0x29a: {  	(erf) = vpow2.f32 v1;
	_ =	sdelay $0x8  }
0x29b: {  	v1 =	vpop (erf)  }
0x29c: {  	v1 =	vadd.f32 $1.000000000e+00, v1;
	_ =	sdelay $0x1  }
0x29d: {  	(erf) = vrcp.f32 v1;
	_ =	sdelay $0x8  }
0x29e: {  	v1 =	vpop (erf)  }
0x29f: {  	[tilespmem:s26+$0xFFFFFFF0] =	vst v1  }
0x2a0: {  	v1 =	vld [tilespmem:s30+$0xFFFFFC10]  }
0x2a1: {  	v2 =	vld [tilespmem:s30+$0xFFFFFC90];
	_ =	sdelay $0x1  }
0x2a2: {  	v3 =	vld [tilespmem:s30+$0xFFFFFD10];
	_ =	sdelay $0x1  }
0x2a3: {  	v59 =	vld [tilespmem:s30+$0xFFFFFD90]  }
0x2a4: {  	v1 =	vadd.f32 v2, v1  }
0x2a5: {  	v2 =	vld [tilespmem:s30+$0xFFFFFE10]  }
0x2a6: {  	v1 =	vadd.f32 v3, v1  }
0x2a7: {  	v3 =	vld [tilespmem:s30+$0xFFFFFE90]  }
0x2a8: {  	v1 =	vadd.f32 v59, v1  }
0x2a9: {  	v60 =	vld [tilespmem:s30+$0xFFFFFF10]  }
0x2aa: {  	v1 =	vadd.f32 v2, v1  }
0x2ab: {  	v2 =	vld [tilespmem:s30+$0xFFFFFF90]  }
0x2ac: {  	v1 =	vadd.f32 v3, v1  }
0x2ad: {  	v3 =	vld [tilespmem:s30+$0x10]  }
0x2ae: {  	v1 =	vadd.f32 v60, v1  }
0x2af: {  	v61 =	vld [tilespmem:s30+$0x90]  }
0x2b0: {  	v1 =	vadd.f32 v2, v1  }
0x2b1: {  	v2 =	vld [tilespmem:s30+$0x110]  }
0x2b2: {  	v1 =	vadd.f32 v3, v1  }
0x2b3: {  	v3 =	vld [tilespmem:s30+$0x190]  }
0x2b4: {  	v1 =	vadd.f32 v61, v1  }
0x2b5: {  	v62 =	vld [tilespmem:s30+$0x210]  }
0x2b6: {  	v1 =	vadd.f32 v2, v1  }
0x2b7: {  	v2 =	vld [tilespmem:s30+$0x290]  }
0x2b8: {  	v1 =	vadd.f32 v3, v1  }
0x2b9: {  	v3 =	vld [tilespmem:s30+$0x310]  }
0x2ba: {  	v1 =	vadd.f32 v62, v1  }
0x2bb: {  	v63 =	vld [tilespmem:s30+$0x390]  }
0x2bc: {  	v1 =	vadd.f32 v2, v1;
	_ =	sdelay $0x1  }
0x2bd: {  	v1 =	vadd.f32 v3, v1;
	_ =	sdelay $0x1  }
0x2be: {  	v1 =	vadd.f32 v63, v1;
	_ =	sdelay $0x1  }
0x2bf: {  	v1 =	vsub.f32 $0.0e+00, v1;
	_ =	sdelay $0x1  }
0x2c0: {  	v1 =	vmul.f32 $1.442695020e+00, v1;
	_ =	sdelay $0x1  }
0x2c1: {  	(erf) = vpow2.f32 v1;
	_ =	sdelay $0x8  }
0x2c2: {  	v1 =	vpop (erf)  }
0x2c3: {  	v1 =	vadd.f32 $1.000000000e+00, v1;
	_ =	sdelay $0x1  }
0x2c4: {  	s31 =	simm.s32 $0x0;
	s0 =	simm.s32 $0x10D10;
	(erf) = vrcp.f32 v1  }
.LBB2_12:
0x2c5: {  	_ =	sdelay $0x7  }
0x2c6: {  	s31 =	sadd.s32 $0x2, s31;
	s26 =	sadd.s32 $0x20, s26;
	s30 =	sadd.s32 $0x20, s30;
	v1 =	vpop (erf)  }
0x2c7: {  	p0 =	slt.u32 s31, $0x6;
	[tilespmem:s0+$0x0] =	vst v1;
	s0 =	smov.u32 s26  }
0x2c8: {  	v1 =	vld [tilespmem:s30+$0xFFFFFC00]  }
0x2c9: {  	v2 =	vld [tilespmem:s30+$0xFFFFFC80];
	_ =	sdelay $0x1  }
0x2ca: {  	v3 =	vld [tilespmem:s30+$0xFFFFFD00];
	_ =	sdelay $0x1  }
0x2cb: {  	v4 =	vld [tilespmem:s30+$0xFFFFFD80]  }
0x2cc: {  	v1 =	vadd.f32 v2, v1  }
0x2cd: {  	v2 =	vld [tilespmem:s30+$0xFFFFFE00]  }
0x2ce: {  	v1 =	vadd.f32 v3, v1  }
0x2cf: {  	v3 =	vld [tilespmem:s30+$0xFFFFFE80]  }
0x2d0: {  	v1 =	vadd.f32 v4, v1  }
0x2d1: {  	v4 =	vld [tilespmem:s30+$0xFFFFFF00]  }
0x2d2: {  	v1 =	vadd.f32 v2, v1  }
0x2d3: {  	v2 =	vld [tilespmem:s30+$0xFFFFFF80]  }
0x2d4: {  	v1 =	vadd.f32 v3, v1  }
0x2d5: {  	v3 =	vld [tilespmem:s30+$0x0]  }
0x2d6: {  	v1 =	vadd.f32 v4, v1  }
0x2d7: {  	v4 =	vld [tilespmem:s30+$0x80]  }
0x2d8: {  	v1 =	vadd.f32 v2, v1  }
0x2d9: {  	v2 =	vld [tilespmem:s30+$0x100]  }
0x2da: {  	v1 =	vadd.f32 v3, v1  }
0x2db: {  	v3 =	vld [tilespmem:s30+$0x180]  }
0x2dc: {  	v1 =	vadd.f32 v4, v1  }
0x2dd: {  	v4 =	vld [tilespmem:s30+$0x200]  }
0x2de: {  	v1 =	vadd.f32 v2, v1  }
0x2df: {  	v2 =	vld [tilespmem:s30+$0x280]  }
0x2e0: {  	v1 =	vadd.f32 v3, v1  }
0x2e1: {  	v3 =	vld [tilespmem:s30+$0x300]  }
0x2e2: {  	v1 =	vadd.f32 v4, v1  }
0x2e3: {  	v4 =	vld [tilespmem:s30+$0x380]  }
0x2e4: {  	v1 =	vadd.f32 v2, v1;
	_ =	sdelay $0x1  }
0x2e5: {  	v1 =	vadd.f32 v3, v1;
	_ =	sdelay $0x1  }
0x2e6: {  	v1 =	vadd.f32 v4, v1;
	_ =	sdelay $0x1  }
0x2e7: {  	v1 =	vsub.f32 $0.0e+00, v1;
	_ =	sdelay $0x1  }
0x2e8: {  	v1 =	vmul.f32 $1.442695020e+00, v1;
	_ =	sdelay $0x1  }
0x2e9: {  	(erf) = vpow2.f32 v1;
	_ =	sdelay $0x8  }
0x2ea: {  	v1 =	vpop (erf)  }
0x2eb: {  	v1 =	vadd.f32 $1.000000000e+00, v1;
	_ =	sdelay $0x1  }
0x2ec: {  	(erf) = vrcp.f32 v1;
	_ =	sdelay $0x8  }
0x2ed: {  	v1 =	vpop (erf)  }
0x2ee: {  	[tilespmem:s26+$0xFFFFFFF0] =	vst v1  }
0x2ef: {  	v1 =	vld [tilespmem:s30+$0xFFFFFC10]  }
0x2f0: {  	v2 =	vld [tilespmem:s30+$0xFFFFFC90]  }
0x2f1: {  	v3 =	vld [tilespmem:s30+$0xFFFFFD10];
	_ =	sdelay $0x1  }
0x2f2: {  	v4 =	vld [tilespmem:s30+$0xFFFFFD90];
	_ =	sdelay $0x1  }
0x2f3: {  	v1 =	vadd.f32 v2, v1;
	v2 =	vld [tilespmem:s30+$0xFFFFFE10];
	_ =	sdelay $0x1  }
0x2f4: {  	v1 =	vadd.f32 v3, v1;
	v3 =	vld [tilespmem:s30+$0xFFFFFE90];
	_ =	sdelay $0x1  }
0x2f5: {  	v1 =	vadd.f32 v4, v1;
	v4 =	vld [tilespmem:s30+$0xFFFFFF10];
	_ =	sdelay $0x1  }
0x2f6: {  	v1 =	vadd.f32 v2, v1;
	v2 =	vld [tilespmem:s30+$0xFFFFFF90];
	_ =	sdelay $0x1  }
0x2f7: {  	v1 =	vadd.f32 v3, v1;
	v3 =	vld [tilespmem:s30+$0x10];
	_ =	sdelay $0x1  }
0x2f8: {  	v1 =	vadd.f32 v4, v1;
	v4 =	vld [tilespmem:s30+$0x90];
	_ =	sdelay $0x1  }
0x2f9: {  	v1 =	vadd.f32 v2, v1;
	v2 =	vld [tilespmem:s30+$0x110];
	_ =	sdelay $0x1  }
0x2fa: {  	v1 =	vadd.f32 v3, v1;
	v3 =	vld [tilespmem:s30+$0x190];
	_ =	sdelay $0x1  }
0x2fb: {  	v1 =	vadd.f32 v4, v1;
	v4 =	vld [tilespmem:s30+$0x210];
	_ =	sdelay $0x1  }
0x2fc: {  	v1 =	vadd.f32 v2, v1;
	v2 =	vld [tilespmem:s30+$0x290];
	_ =	sdelay $0x1  }
0x2fd: {  	v1 =	vadd.f32 v3, v1;
	v3 =	vld [tilespmem:s30+$0x310];
	_ =	sdelay $0x1  }
0x2fe: {  	v1 =	vadd.f32 v4, v1;
	v4 =	vld [tilespmem:s30+$0x390];
	_ =	sdelay $0x1  }
0x2ff: {  	v1 =	vadd.f32 v2, v1;
	_ =	sdelay $0x1  }
0x300: {  	v1 =	vadd.f32 v3, v1;
	_ =	sdelay $0x1  }
0x301: {  	v1 =	vadd.f32 v4, v1;
	_ =	sdelay $0x1  }
0x302: {  	v1 =	vsub.f32 $0.0e+00, v1;
	_ =	sdelay $0x1  }
0x303: {  	v1 =	vmul.f32 $1.442695020e+00, v1;
	_ =	sdelay $0x1  }
0x304: {  	(erf) = vpow2.f32 v1;
	_ =	sdelay $0x7  }
.Ltmp5:
0x305: {  	(pc) =	sbr.rel @p0 .LBB2_12-.Ltmp5, $3  }
0x306: {  	v1 =	vpop (erf)  }
0x307: {  	v1 =	vadd.f32 $1.000000000e+00, v1;
	_ =	sdelay $0x1  }
0x308: {  	(erf) = vrcp.f32 v1  }
0x309: {  	_ =	sdelay $0x7  }
0x30a: {  	v1 =	vpop (erf)  }
0x30b: {  	s3 =	simm.s32 $0x10D00;
	[tilespmem:s0+$0x0] =	vst v1;
	s0 =	simm.s32 $0x0  }
0x30c: {  	[hbm4b:s9+s0] =	stream.linear.scatter [tilespmem:s3], [sflag:$0x7], $0x80, $0x38;
	[tilespmem:$0x10E00] =	vst v63  }
0x30d: {  	_ =	swait.ge [sflag:s28], $0x4000  }
0x30e: {  	[sflag:s28] =	ssyncset.done $0x0  }
0x30f: {  	[sflag:s28] =	ssyncadd.s32 $0xFFFFC000  }
0x310: {  	_ =	swait.ge [sflag:s29], $0x4000  }
0x311: {  	[sflag:s29] =	ssyncset.done $0x0  }
0x312: {  	s19 =	simm.s32 $0x0;
	[sflag:s29] =	ssyncadd.s32 $0xFFFFC000  }
0x313: {  	v1 =	vld [tilespmem:s19+$0xC410]  }
0x314: {  	v2 =	vld [tilespmem:s19+$0xC400]  }
0x315: {  	v3 =	vld [tilespmem:s19+$0x4400]  }
0x316: {  	v4 =	vld [tilespmem:s19+$0x4410]  }
0x317: {  	v5 =	vld [tilespmem:s19+$0xC420]  }
0x318: {  	v6 =	vld [tilespmem:s19+$0x4420]  }
0x319: {  	v7 =	vld [tilespmem:s19+$0xC430]  }
0x31a: {  	v8 =	vld [tilespmem:s19+$0x4430]  }
0x31b: {  	v2 =	vmul.f32 v2, v3;
	v1 =	vmul.f32 v1, v4;
	v3 =	vld [tilespmem:s19+$0xC440]  }
0x31c: {  	v4 =	vld [tilespmem:s19+$0x4440]  }
0x31d: {  	v1 =	vadd.f32 v1, v2;
	v2 =	vmul.f32 v5, v6;
	v5 =	vld [tilespmem:s19+$0xC450]  }
0x31e: {  	v6 =	vld [tilespmem:s19+$0x4450]  }
0x31f: {  	v1 =	vadd.f32 v2, v1;
	v2 =	vmul.f32 v7, v8;
	v7 =	vld [tilespmem:s19+$0xC460]  }
0x320: {  	v8 =	vld [tilespmem:s19+$0x4460]  }
0x321: {  	v1 =	vadd.f32 v2, v1;
	v2 =	vmul.f32 v3, v4;
	v3 =	vld [tilespmem:s19+$0xC470]  }
0x322: {  	v9 =	vmov s0;
	v4 =	vld [tilespmem:s19+$0x4470]  }
0x323: {  	v1 =	vadd.f32 v2, v1;
	v2 =	vmul.f32 v5, v6;
	v5 =	vand.u32 $0x7E, v9  }
0x324: {  	v5 =	vbroadcast v5, $0x0  }
0x325: {  	v1 =	vadd.f32 v2, v1;
	v2 =	vmul.f32 v7, v8  }
0x326: {  	v5 =	vor.u32 v0, v5  }
0x327: {  	v1 =	vadd.f32 v2, v1;
	v2 =	vmul.f32 v3, v4;
	_ =	sdelay $0x1  }
0x328: {  	v1 =	vadd.f32 v2, v1;
	_ =	sdelay $0x1  }
0x329: {  	[tilespmem:v5+s23+$0x0] =	vst.idx.msk $0xffff, v1  }
0x32a: {  	v1 =	vld [tilespmem:s19+$0x4480]  }
0x32b: {  	v2 =	vld [tilespmem:s19+$0x4490]  }
0x32c: {  	v3 =	vld [tilespmem:s19+$0xC490]  }
0x32d: {  	v4 =	vld [tilespmem:s19+$0xC480]  }
0x32e: {  	v5 =	vld [tilespmem:s19+$0x44A0]  }
0x32f: {  	v6 =	vld [tilespmem:s19+$0xC4A0]  }
0x330: {  	v7 =	vld [tilespmem:s19+$0x44B0]  }
0x331: {  	v8 =	vld [tilespmem:s19+$0xC4B0]  }
0x332: {  	v63 =	vld [tilespmem:s19+$0xC4C0];
	v2 =	vmul.f32 v3, v2;
	v1 =	vmul.f32 v4, v1  }
0x333: {  	v4 =	vld [tilespmem:s19+$0x44C0]  }
0x334: {  	v10 =	vld [tilespmem:s19+$0xC4D0];
	v1 =	vadd.f32 v2, v1;
	v2 =	vmul.f32 v6, v5  }
0x335: {  	v6 =	vld [tilespmem:s19+$0x44D0]  }
0x336: {  	v5 =	vmul.f32 v8, v7;
	v1 =	vadd.f32 v2, v1  }
0x337: {  	v3 =	vld [tilespmem:s19+$0xC4E0]  }
0x338: {  	v2 =	vld [tilespmem:s19+$0x44E0];
	v7 =	vmul.f32 v63, v4;
	v5 =	vadd.f32 v5, v1  }
0x339: {  	v4 =	vld [tilespmem:s19+$0xC4F0]  }
0x33a: {  	s26 =	simm.s32 $0x10D90;
	s31 =	simm.s32 $0x0;
	s3 =	simm.s32 $0x2;
	v1 =	vld [tilespmem:s19+$0x44F0];
	v6 =	vmul.f32 v10, v6;
	v5 =	vadd.f32 v7, v5  }
.LBB2_14:
0x33b: {  	p0 =	slt.u32 s3, $0x7E  }
0x33c: {  	s0 =	sadd.s32 $0x400, s0;
	s19 =	smov.u32 s3;
	s3 =	sadd.s32 $0x2, s3  }
0x33d: {  	s30 =	sadd.s32 $0x1, s31;
	v5 =	vadd.f32 v6, v5;
	v2 =	vmul.f32 v3, v2;
	s31 =	smov.u32 s19  }
0x33e: {  	v3 =	vor.u32 s30, v0  }
0x33f: {  	v2 =	vadd.f32 v2, v5;
	v1 =	vmul.f32 v4, v1;
	_ =	sdelay $0x1  }
0x340: {  	v1 =	vadd.f32 v1, v2  }
0x341: {  	s19 =	sshra.s32 s0, $0x2  }
0x342: {  	[tilespmem:v3+s23+$0x0] =	vst.idx.msk $0xffff, v1  }
0x343: {  	v1 =	vld [tilespmem:s19+$0xC410]  }
0x344: {  	v2 =	vld [tilespmem:s19+$0xC400]  }
0x345: {  	v3 =	vld [tilespmem:s19+$0x4400]  }
0x346: {  	v4 =	vld [tilespmem:s19+$0x4410]  }
0x347: {  	v5 =	vld [tilespmem:s19+$0xC420]  }
0x348: {  	v6 =	vld [tilespmem:s19+$0x4420]  }
0x349: {  	v7 =	vld [tilespmem:s19+$0xC430]  }
0x34a: {  	v8 =	vld [tilespmem:s19+$0x4430]  }
0x34b: {  	v2 =	vmul.f32 v2, v3;
	v1 =	vmul.f32 v1, v4;
	v3 =	vld [tilespmem:s19+$0xC440]  }
0x34c: {  	v4 =	vld [tilespmem:s19+$0x4440]  }
0x34d: {  	v1 =	vadd.f32 v1, v2;
	v2 =	vmul.f32 v5, v6;
	v5 =	vld [tilespmem:s19+$0xC450]  }
0x34e: {  	v6 =	vld [tilespmem:s19+$0x4450]  }
0x34f: {  	v1 =	vadd.f32 v2, v1;
	v2 =	vmul.f32 v7, v8;
	v7 =	vld [tilespmem:s19+$0xC460]  }
0x350: {  	v8 =	vld [tilespmem:s19+$0x4460]  }
0x351: {  	v1 =	vadd.f32 v2, v1;
	v2 =	vmul.f32 v3, v4;
	v3 =	vld [tilespmem:s19+$0xC470]  }
0x352: {  	v9 =	vmov s31;
	v4 =	vld [tilespmem:s19+$0x4470]  }
0x353: {  	v1 =	vadd.f32 v2, v1;
	v2 =	vmul.f32 v5, v6;
	v5 =	vand.u32 $0x7E, v9  }
0x354: {  	v5 =	vbroadcast v5, $0x0  }
0x355: {  	v1 =	vadd.f32 v2, v1;
	v2 =	vmul.f32 v7, v8  }
0x356: {  	v5 =	vor.u32 v0, v5  }
0x357: {  	v1 =	vadd.f32 v2, v1;
	v2 =	vmul.f32 v3, v4;
	_ =	sdelay $0x1  }
0x358: {  	v1 =	vadd.f32 v2, v1;
	_ =	sdelay $0x1  }
0x359: {  	[tilespmem:v5+s23+$0x0] =	vst.idx.msk $0xffff, v1  }
0x35a: {  	v1 =	vld [tilespmem:s19+$0x4480]  }
0x35b: {  	v2 =	vld [tilespmem:s19+$0x4490]  }
0x35c: {  	v3 =	vld [tilespmem:s19+$0xC490]  }
0x35d: {  	v4 =	vld [tilespmem:s19+$0xC480]  }
0x35e: {  	v5 =	vld [tilespmem:s19+$0x44A0]  }
0x35f: {  	v6 =	vld [tilespmem:s19+$0xC4A0]  }
0x360: {  	v7 =	vld [tilespmem:s19+$0x44B0]  }
0x361: {  	v2 =	vmul.f32 v3, v2;
	v3 =	vld [tilespmem:s19+$0xC4B0]  }
0x362: {  	v1 =	vmul.f32 v4, v1;
	v4 =	vld [tilespmem:s19+$0x44C0]  }
0x363: {  	v8 =	vld [tilespmem:s19+$0xC4C0]  }
0x364: {  	v1 =	vadd.f32 v2, v1;
	v2 =	vmul.f32 v6, v5;
	v6 =	vld [tilespmem:s19+$0x44D0]  }
0x365: {  	v9 =	vld [tilespmem:s19+$0xC4D0]  }
.Ltmp6:
0x366: {  	v1 =	vadd.f32 v2, v1;
	v5 =	vmul.f32 v3, v7;
	v2 =	vld [tilespmem:s19+$0x44E0];
	(pc) =	sbr.rel @p0 .LBB2_14-.Ltmp6, $4  }
0x367: {  	v3 =	vld [tilespmem:s19+$0xC4E0]  }
0x368: {  	v5 =	vadd.f32 v5, v1;
	v7 =	vmul.f32 v8, v4;
	v1 =	vld [tilespmem:s19+$0x44F0]  }
0x369: {  	v4 =	vld [tilespmem:s19+$0xC4F0]  }
0x36a: {  	s30 =	simm.s32 $0x10800;
	v5 =	vadd.f32 v7, v5;
	v6 =	vmul.f32 v9, v6  }
0x36b: {  	_ = 	snop  }
0x36c: {  	s0 =	sadd.s32 $0x1, s31;
	v5 =	vadd.f32 v6, v5;
	v2 =	vmul.f32 v3, v2  }
0x36d: {  	v3 =	vor.u32 s0, v0  }
0x36e: {  	v2 =	vadd.f32 v2, v5;
	v1 =	vmul.f32 v4, v1;
	_ =	sdelay $0x1  }
0x36f: {  	v1 =	vadd.f32 v1, v2;
	_ =	sdelay $0x1  }
0x370: {  	[tilespmem:v3+s23+$0x0] =	vst.idx.msk $0xffff, v1  }
0x371: {  	v1 =	vld [tilespmem:s30+$0xFFFFFC00]  }
0x372: {  	v2 =	vld [tilespmem:s30+$0xFFFFFC80];
	_ =	sdelay $0x1  }
0x373: {  	v3 =	vld [tilespmem:s30+$0xFFFFFD00];
	_ =	sdelay $0x1  }
0x374: {  	v54 =	vld [tilespmem:s30+$0xFFFFFD80]  }
0x375: {  	v1 =	vadd.f32 v2, v1  }
0x376: {  	v2 =	vld [tilespmem:s30+$0xFFFFFE00]  }
0x377: {  	v1 =	vadd.f32 v3, v1  }
0x378: {  	v3 =	vld [tilespmem:s30+$0xFFFFFE80]  }
0x379: {  	v1 =	vadd.f32 v54, v1  }
0x37a: {  	v55 =	vld [tilespmem:s30+$0xFFFFFF00]  }
0x37b: {  	v1 =	vadd.f32 v2, v1  }
0x37c: {  	v2 =	vld [tilespmem:s30+$0xFFFFFF80]  }
0x37d: {  	v1 =	vadd.f32 v3, v1  }
0x37e: {  	v3 =	vld [tilespmem:s30+$0x0]  }
0x37f: {  	v1 =	vadd.f32 v55, v1  }
0x380: {  	v56 =	vld [tilespmem:s30+$0x80]  }
0x381: {  	v1 =	vadd.f32 v2, v1  }
0x382: {  	v2 =	vld [tilespmem:s30+$0x100]  }
0x383: {  	v1 =	vadd.f32 v3, v1  }
0x384: {  	v3 =	vld [tilespmem:s30+$0x180]  }
0x385: {  	v1 =	vadd.f32 v56, v1  }
0x386: {  	v57 =	vld [tilespmem:s30+$0x200]  }
0x387: {  	v1 =	vadd.f32 v2, v1  }
0x388: {  	v2 =	vld [tilespmem:s30+$0x280]  }
0x389: {  	v1 =	vadd.f32 v3, v1  }
0x38a: {  	v3 =	vld [tilespmem:s30+$0x300]  }
0x38b: {  	v1 =	vadd.f32 v57, v1  }
0x38c: {  	v58 =	vld [tilespmem:s30+$0x380]  }
0x38d: {  	v1 =	vadd.f32 v2, v1;
	_ =	sdelay $0x1  }
0x38e: {  	v1 =	vadd.f32 v3, v1;
	_ =	sdelay $0x1  }
0x38f: {  	v1 =	vadd.f32 v58, v1;
	_ =	sdelay $0x1  }
0x390: {  	v1 =	vsub.f32 $0.0e+00, v1;
	_ =	sdelay $0x1  }
0x391: {  	v1 =	vmul.f32 $1.442695020e+00, v1;
	_ =	sdelay $0x1  }
0x392: {  	(erf) = vpow2.f32 v1;
	_ =	sdelay $0x8  }
0x393: {  	v1 =	vpop (erf)  }
0x394: {  	v1 =	vadd.f32 $1.000000000e+00, v1;
	_ =	sdelay $0x1  }
0x395: {  	(erf) = vrcp.f32 v1;
	_ =	sdelay $0x8  }
0x396: {  	v1 =	vpop (erf)  }
0x397: {  	[tilespmem:s26+$0xFFFFFFF0] =	vst v1  }
0x398: {  	v1 =	vld [tilespmem:s30+$0xFFFFFC10]  }
0x399: {  	v2 =	vld [tilespmem:s30+$0xFFFFFC90];
	_ =	sdelay $0x1  }
0x39a: {  	v3 =	vld [tilespmem:s30+$0xFFFFFD10];
	_ =	sdelay $0x1  }
0x39b: {  	v59 =	vld [tilespmem:s30+$0xFFFFFD90]  }
0x39c: {  	v1 =	vadd.f32 v2, v1  }
0x39d: {  	v2 =	vld [tilespmem:s30+$0xFFFFFE10]  }
0x39e: {  	v1 =	vadd.f32 v3, v1  }
0x39f: {  	v3 =	vld [tilespmem:s30+$0xFFFFFE90]  }
0x3a0: {  	v1 =	vadd.f32 v59, v1  }
0x3a1: {  	v60 =	vld [tilespmem:s30+$0xFFFFFF10]  }
0x3a2: {  	v1 =	vadd.f32 v2, v1  }
0x3a3: {  	v2 =	vld [tilespmem:s30+$0xFFFFFF90]  }
0x3a4: {  	v1 =	vadd.f32 v3, v1  }
0x3a5: {  	v3 =	vld [tilespmem:s30+$0x10]  }
0x3a6: {  	v1 =	vadd.f32 v60, v1  }
0x3a7: {  	v61 =	vld [tilespmem:s30+$0x90]  }
0x3a8: {  	v1 =	vadd.f32 v2, v1  }
0x3a9: {  	v2 =	vld [tilespmem:s30+$0x110]  }
0x3aa: {  	v1 =	vadd.f32 v3, v1  }
0x3ab: {  	v3 =	vld [tilespmem:s30+$0x190]  }
0x3ac: {  	v1 =	vadd.f32 v61, v1  }
0x3ad: {  	v62 =	vld [tilespmem:s30+$0x210]  }
0x3ae: {  	v1 =	vadd.f32 v2, v1  }
0x3af: {  	v2 =	vld [tilespmem:s30+$0x290]  }
0x3b0: {  	v1 =	vadd.f32 v3, v1  }
0x3b1: {  	v3 =	vld [tilespmem:s30+$0x310]  }
0x3b2: {  	v1 =	vadd.f32 v62, v1  }
0x3b3: {  	v63 =	vld [tilespmem:s30+$0x390]  }
0x3b4: {  	v1 =	vadd.f32 v2, v1;
	_ =	sdelay $0x1  }
0x3b5: {  	v1 =	vadd.f32 v3, v1;
	_ =	sdelay $0x1  }
0x3b6: {  	v1 =	vadd.f32 v63, v1;
	_ =	sdelay $0x1  }
0x3b7: {  	v1 =	vsub.f32 $0.0e+00, v1;
	_ =	sdelay $0x1  }
0x3b8: {  	v1 =	vmul.f32 $1.442695020e+00, v1;
	_ =	sdelay $0x1  }
0x3b9: {  	(erf) = vpow2.f32 v1;
	_ =	sdelay $0x8  }
0x3ba: {  	v1 =	vpop (erf)  }
0x3bb: {  	v1 =	vadd.f32 $1.000000000e+00, v1;
	_ =	sdelay $0x1  }
0x3bc: {  	s31 =	simm.s32 $0x0;
	s0 =	simm.s32 $0x10D90;
	(erf) = vrcp.f32 v1  }
.LBB2_16:
0x3bd: {  	_ =	sdelay $0x7  }
0x3be: {  	s31 =	sadd.s32 $0x2, s31;
	s26 =	sadd.s32 $0x20, s26;
	s30 =	sadd.s32 $0x20, s30;
	v1 =	vpop (erf)  }
0x3bf: {  	p0 =	slt.u32 s31, $0x6;
	[tilespmem:s0+$0x0] =	vst v1;
	s0 =	smov.u32 s26  }
0x3c0: {  	v1 =	vld [tilespmem:s30+$0xFFFFFC00]  }
0x3c1: {  	v2 =	vld [tilespmem:s30+$0xFFFFFC80];
	_ =	sdelay $0x1  }
0x3c2: {  	v3 =	vld [tilespmem:s30+$0xFFFFFD00];
	_ =	sdelay $0x1  }
0x3c3: {  	v4 =	vld [tilespmem:s30+$0xFFFFFD80]  }
0x3c4: {  	v1 =	vadd.f32 v2, v1  }
0x3c5: {  	v2 =	vld [tilespmem:s30+$0xFFFFFE00]  }
0x3c6: {  	v1 =	vadd.f32 v3, v1  }
0x3c7: {  	v3 =	vld [tilespmem:s30+$0xFFFFFE80]  }
0x3c8: {  	v1 =	vadd.f32 v4, v1  }
0x3c9: {  	v4 =	vld [tilespmem:s30+$0xFFFFFF00]  }
0x3ca: {  	v1 =	vadd.f32 v2, v1  }
0x3cb: {  	v2 =	vld [tilespmem:s30+$0xFFFFFF80]  }
0x3cc: {  	v1 =	vadd.f32 v3, v1  }
0x3cd: {  	v3 =	vld [tilespmem:s30+$0x0]  }
0x3ce: {  	v1 =	vadd.f32 v4, v1  }
0x3cf: {  	v4 =	vld [tilespmem:s30+$0x80]  }
0x3d0: {  	v1 =	vadd.f32 v2, v1  }
0x3d1: {  	v2 =	vld [tilespmem:s30+$0x100]  }
0x3d2: {  	v1 =	vadd.f32 v3, v1  }
0x3d3: {  	v3 =	vld [tilespmem:s30+$0x180]  }
0x3d4: {  	v1 =	vadd.f32 v4, v1  }
0x3d5: {  	v4 =	vld [tilespmem:s30+$0x200]  }
0x3d6: {  	v1 =	vadd.f32 v2, v1  }
0x3d7: {  	v2 =	vld [tilespmem:s30+$0x280]  }
0x3d8: {  	v1 =	vadd.f32 v3, v1  }
0x3d9: {  	v3 =	vld [tilespmem:s30+$0x300]  }
0x3da: {  	v1 =	vadd.f32 v4, v1  }
0x3db: {  	v4 =	vld [tilespmem:s30+$0x380]  }
0x3dc: {  	v1 =	vadd.f32 v2, v1;
	_ =	sdelay $0x1  }
0x3dd: {  	v1 =	vadd.f32 v3, v1;
	_ =	sdelay $0x1  }
0x3de: {  	v1 =	vadd.f32 v4, v1;
	_ =	sdelay $0x1  }
0x3df: {  	v1 =	vsub.f32 $0.0e+00, v1;
	_ =	sdelay $0x1  }
0x3e0: {  	v1 =	vmul.f32 $1.442695020e+00, v1;
	_ =	sdelay $0x1  }
0x3e1: {  	(erf) = vpow2.f32 v1;
	_ =	sdelay $0x8  }
0x3e2: {  	v1 =	vpop (erf)  }
0x3e3: {  	v1 =	vadd.f32 $1.000000000e+00, v1;
	_ =	sdelay $0x1  }
0x3e4: {  	(erf) = vrcp.f32 v1;
	_ =	sdelay $0x8  }
0x3e5: {  	v1 =	vpop (erf)  }
0x3e6: {  	[tilespmem:s26+$0xFFFFFFF0] =	vst v1  }
0x3e7: {  	v1 =	vld [tilespmem:s30+$0xFFFFFC10]  }
0x3e8: {  	v2 =	vld [tilespmem:s30+$0xFFFFFC90]  }
0x3e9: {  	v3 =	vld [tilespmem:s30+$0xFFFFFD10];
	_ =	sdelay $0x1  }
0x3ea: {  	v4 =	vld [tilespmem:s30+$0xFFFFFD90];
	_ =	sdelay $0x1  }
0x3eb: {  	v1 =	vadd.f32 v2, v1;
	v2 =	vld [tilespmem:s30+$0xFFFFFE10];
	_ =	sdelay $0x1  }
0x3ec: {  	v1 =	vadd.f32 v3, v1;
	v3 =	vld [tilespmem:s30+$0xFFFFFE90];
	_ =	sdelay $0x1  }
0x3ed: {  	v1 =	vadd.f32 v4, v1;
	v4 =	vld [tilespmem:s30+$0xFFFFFF10];
	_ =	sdelay $0x1  }
0x3ee: {  	v1 =	vadd.f32 v2, v1;
	v2 =	vld [tilespmem:s30+$0xFFFFFF90];
	_ =	sdelay $0x1  }
0x3ef: {  	v1 =	vadd.f32 v3, v1;
	v3 =	vld [tilespmem:s30+$0x10];
	_ =	sdelay $0x1  }
0x3f0: {  	v1 =	vadd.f32 v4, v1;
	v4 =	vld [tilespmem:s30+$0x90];
	_ =	sdelay $0x1  }
0x3f1: {  	v1 =	vadd.f32 v2, v1;
	v2 =	vld [tilespmem:s30+$0x110];
	_ =	sdelay $0x1  }
0x3f2: {  	v1 =	vadd.f32 v3, v1;
	v3 =	vld [tilespmem:s30+$0x190];
	_ =	sdelay $0x1  }
0x3f3: {  	v1 =	vadd.f32 v4, v1;
	v4 =	vld [tilespmem:s30+$0x210];
	_ =	sdelay $0x1  }
0x3f4: {  	v1 =	vadd.f32 v2, v1;
	v2 =	vld [tilespmem:s30+$0x290];
	_ =	sdelay $0x1  }
0x3f5: {  	v1 =	vadd.f32 v3, v1;
	v3 =	vld [tilespmem:s30+$0x310];
	_ =	sdelay $0x1  }
0x3f6: {  	v1 =	vadd.f32 v4, v1;
	v4 =	vld [tilespmem:s30+$0x390];
	_ =	sdelay $0x1  }
0x3f7: {  	v1 =	vadd.f32 v2, v1;
	_ =	sdelay $0x1  }
0x3f8: {  	v1 =	vadd.f32 v3, v1;
	_ =	sdelay $0x1  }
0x3f9: {  	v1 =	vadd.f32 v4, v1;
	_ =	sdelay $0x1  }
0x3fa: {  	v1 =	vsub.f32 $0.0e+00, v1;
	_ =	sdelay $0x1  }
0x3fb: {  	v1 =	vmul.f32 $1.442695020e+00, v1;
	_ =	sdelay $0x1  }
0x3fc: {  	(erf) = vpow2.f32 v1;
	_ =	sdelay $0x7  }
.Ltmp7:
0x3fd: {  	(pc) =	sbr.rel @p0 .LBB2_16-.Ltmp7, $3  }
0x3fe: {  	v1 =	vpop (erf)  }
0x3ff: {  	v1 =	vadd.f32 $1.000000000e+00, v1;
	_ =	sdelay $0x1  }
0x400: {  	(erf) = vrcp.f32 v1  }
0x401: {  	_ =	sdelay $0x7  }
0x402: {  	v1 =	vpop (erf)  }
0x403: {  	s31 =	simm.s32 $0x10D80;
	[tilespmem:s0+$0x0] =	vst v1  }
0x404: {  	[hbm4b:s10+s4] =	stream.linear.scatter [tilespmem:s31], [sflag:$0x7], $0x80, $0x38;
	[tilespmem:$0x10E00] =	vst v63  }
0x405: {  	_ =	swait.ge [sflag:s24], $0x80  }
0x406: {  	[sflag:s24] =	ssyncset.done $0x0  }
0x407: {  	[sflag:s24] =	ssyncadd.s32 $0xFFFFFF80  }
0x408: {  	_ =	swait.ge [sflag:s24], $0x80  }
0x409: {  	[sflag:s24] =	ssyncset.done $0x0  }
0x40a: {  	s25 =	sadd.s32 $0x1, s25;
	[sflag:s24] =	ssyncadd.s32 $0xFFFFFF80  }
0x40b: {  	p0 =	sne.s32 s25, s11;
	_ =	swait.ge [sflag:s24], $0x80  }
.Ltmp8:
0x40c: {  	[sflag:s24] =	ssyncset.done $0x0;
	(pc) =	sbr.rel @p0 .LBB2_1-.Ltmp8, $4  }
0x40d: {  	[sflag:s24] =	ssyncadd.s32 $0xFFFFFF80  }
0x40e: {  	_ =	swait.ge [sflag:s24], $0x80  }
0x40f: {  	[sflag:s24] =	ssyncset.done $0x0  }
0x410: {  	[sflag:s24] =	ssyncadd.s32 $0xFFFFFF80  }
0x411: {  	_ =	sfence.sel $0x180000  }
0x412: {  	[bflag:$0x0] =	sbarrier.arrive $0xFFFF  }
0x413: {  	_ =	strace $0x90000047  }
0x414: {  	s0 =	stileid.u32;
	[bflag:$0x2] =	sbarrier.arrive $0xFFFF  }
0x415: {  	p0 =	sne.s32 s0, $0x0;
	s0 =	rddreg [dreg:$0x5]  }
0x416: {  	s0 =	sadd.s32 @!p0 $0x100000, s0  }
0x417: {  	[sflag:s0] =	ssyncadd.tile.s32 @!p0 $0x1;
	_ =	shalt  }
.Lfunc_end2:
_tile_overlayer_lowered:
.L_overlay_start_2:
0x418: {  	(tag) =	ssettag $0x2  }
0x419: {  	s0 =	rddreg [dreg:$0x0];
	s2 =	stileid.u32  }
0x41a: {  	s1 =	rddreg [dreg:$0x1];
	p0 =	sne.s32 s2, $0x0  }
0x41b: {  	s3 =	rddreg [dreg:$0x2];
	[bflag:$0x3] =	sbarrier.arrive $0xFFFF;
	s2 =	simm.s32 @!p0 $0x1C08  }
0x41c: {  	[timem:s3], [sflag:s2] =	dma.local @!p0 [hbm:s0], s1  }
0x41d: {  	s0 =	simm.s32 @!p0 $0x8  }
0x41e: {  	_ =	swait.ge @!p0 [sflag:s0], s1  }
0x41f: {  	s1 =	ssub.s32 @!p0 $0x0, s1;
	[sflag:s0] =	ssyncset.done @!p0 $0x0  }
0x420: {  	[sflag:s0] =	ssyncadd.s32 @!p0 s1  }
0x421: {  	[bflag:$0x3] =	sbarrier.arrive $0xFFFF  }
0x422: {  	_ =	shalt  }

</sc_bundles>
